<compile_context>
chip_gen: v7x
topology: tpu7x:2x2x1
jax: 0.10.2.dev20260603
libtpu: 0.0.44.dev20260713+nightly
codegen_flags: <defaults>
</compile_context>

<pallas_src>
import functools

import jax
import jax.numpy as jnp
from jax import lax
from jax.experimental import pallas as pl
from jax.experimental.pallas import tpu as pltpu
from jax.experimental.pallas import tpu_sc as plsc

B = 10
NP = 1000
H = 128
E = 320000
EPG = E // B
NC, NS = 2, 16
GPC = B // NC
EPT = EPG // NS
CHUNK = 80
NCHUNK = EPT // CHUNK
VPC = CHUNK // 16
CT = 8
ACC = CT * NP * 128
TQ = ACC // NS
NCK = 8
CK = TQ // NCK


def _flat_addr(sl, dl):
    return (jnp.right_shift(sl, 7) * (NP * 128)
            + dl * 128 + jnp.bitwise_and(sl, 127))


def _adj_body(ei_hbm, ew_hbm, adj_hbm,
              src_v, dst_v, ew_v, idx_v, zero_v, bounce0_v, bounce1_v,
              bounce2_v, acc_sh, zsem, csem0, csem1, csem2, ssem):
    cid = lax.axis_index("c")
    sid = lax.axis_index("s")

    def zfill(i, c):
        zero_v[pl.ds(i * 16, 16)] = jnp.zeros((16,), jnp.float32)
        return c
    lax.fori_loop(0, CK // 16, zfill, 0)

    def per_graph(g, carry):
        b = cid * GPC + g
        base_w = sid * TQ

        @pl.when(g == 0)
        def _():
            def zero_chunk(k, c):
                pltpu.async_copy(zero_v,
                                 acc_sh.at[pl.ds(base_w + k * CK, CK)], zsem)
                return c
            lax.fori_loop(0, NCK, zero_chunk, 0)

        base_e = b * EPG + sid * EPT
        pltpu.sync_copy(ei_hbm.at[pl.ds(base_e, EPT)], src_v)
        pltpu.sync_copy(ei_hbm.at[pl.ds(E + base_e, EPT)], dst_v)
        pltpu.sync_copy(ew_hbm.at[pl.ds(base_e, EPT)], ew_v)
        nb = b * NP

        def mkidx(i, c):
            j = i // VPC
            col = (i % VPC) * 16
            sl = src_v[pl.ds(i * 16, 16)] - nb
            dl = dst_v[pl.ds(i * 16, 16)] - nb
            idx_v[j, pl.ds(col, 16)] = _flat_addr(sl, dl)
            return c
        lax.fori_loop(0, EPT // 16, mkidx, 0)

        def zdrain(k, c):
            pltpu.make_async_copy(
                zero_v, acc_sh.at[pl.ds(base_w, CK)], zsem).wait()
            return c
        lax.fori_loop(0, NCK, zdrain, 0)
        plsc.subcore_barrier()

        descs = []
        for j in range(NCHUNK):
            descs.append(pltpu.async_copy(
                ew_v.at[pl.ds(j * CHUNK, CHUNK)],
                acc_sh.at[idx_v.at[j]], ssem, add=True))
        for dsc in descs:
            dsc.wait()
        plsc.subcore_barrier()

        bvs = (bounce0_v, bounce1_v, bounce2_v)
        sems = (csem0, csem1, csem2)

        def fire_zero(off):
            @pl.when(g < GPC - 1)
            def _():
                pltpu.async_copy(zero_v, acc_sh.at[pl.ds(off, CK)], zsem)

        h1d = [None, None, None]
        h2d = [None, None, None]
        for k in range(NCK):
            i = k % 3
            if h2d[i] is not None:
                h2d[i].wait()
            h1d[i] = pltpu.async_copy(
                acc_sh.at[pl.ds(base_w + k * CK, CK)], bvs[i], sems[i])
            if k >= 1:
                j = (k - 1) % 3
                h1d[j].wait()
                h2d[j] = pltpu.async_copy(
                    bvs[j],
                    adj_hbm.at[pl.ds(b * ACC + base_w + (k - 1) * CK, CK)],
                    sems[j])
                fire_zero(base_w + (k - 1) * CK)
        j = (NCK - 1) % 3
        h1d[j].wait()
        h2d[j] = pltpu.async_copy(
            bvs[j], adj_hbm.at[pl.ds(b * ACC + base_w + (NCK - 1) * CK, CK)],
            sems[j])
        fire_zero(base_w + (NCK - 1) * CK)
        for j in range(3):
            h2d[j].wait()
        plsc.subcore_barrier()
        return carry
    lax.fori_loop(0, GPC, per_graph, 0)


@functools.cache
def _build_adj_kernel():
    return pl.kernel(
        _adj_body,
        out_type=jax.ShapeDtypeStruct((B * ACC,), jnp.float32),
        mesh=plsc.VectorSubcoreMesh(core_axis_name="c", subcore_axis_name="s",
                                    num_cores=NC, num_subcores=NS),
        scratch_types=[
            pltpu.VMEM((EPT,), jnp.int32),
            pltpu.VMEM((EPT,), jnp.int32),
            pltpu.VMEM((EPT,), jnp.float32),
            pltpu.VMEM((NCHUNK, CHUNK), jnp.int32),
            pltpu.VMEM((CK,), jnp.float32),
            pltpu.VMEM((CK,), jnp.float32),
            pltpu.VMEM((CK,), jnp.float32),
            pltpu.VMEM((CK,), jnp.float32),
            pltpu.VMEM_SHARED((ACC,), jnp.float32),
            pltpu.SemaphoreType.DMA,
            pltpu.SemaphoreType.DMA,
            pltpu.SemaphoreType.DMA,
            pltpu.SemaphoreType.DMA,
            pltpu.SemaphoreType.DMA,
        ],
    )


def _adj_matmul(adj_ref, m):
    mp = jnp.concatenate(
        [m, jnp.zeros((CT * 128 - NP, m.shape[1]), m.dtype)],
        axis=0).astype(jnp.bfloat16)
    acc = None
    for tc in range(CT):
        part = jnp.dot(adj_ref[pl.ds(tc * NP, NP), :],
                       mp[tc * 128:(tc + 1) * 128],
                       preferred_element_type=jnp.float32)
        acc = part if acc is None else acc + part
    return acc


def _conv1_body(x_ref, adj_ref, wpre_ref, bpre_ref, wrel_ref, brel_ref,
                wroot_ref, h1_ref, abf_ref, sum_ref, sq_ref, d_ref):
    xb = x_ref[0]
    h0 = jnp.dot(xb, wpre_ref[...],
                 preferred_element_type=jnp.float32) + bpre_ref[...]
    mp = jnp.concatenate(
        [h0, jnp.zeros((CT * 128 - NP, H), h0.dtype)],
        axis=0).astype(jnp.bfloat16)
    agg = None
    dparts = []
    for tc in range(CT):
        a32 = adj_ref[pl.ds(tc * NP, NP), :]
        abf = a32.astype(jnp.bfloat16)
        abf_ref[pl.ds(tc * NP, NP), :] = abf
        part = jnp.dot(abf, mp[tc * 128:(tc + 1) * 128],
                       preferred_element_type=jnp.float32)
        agg = part if agg is None else agg + part
        dparts.append(jnp.sum(a32, axis=0))
    h1 = (jnp.dot(agg, wrel_ref[...], preferred_element_type=jnp.float32)
          + jnp.dot(h0, wroot_ref[...], preferred_element_type=jnp.float32)
          + brel_ref[...])
    h1_ref[0] = h1
    sum_ref[0] = jnp.sum(h1, axis=0, keepdims=True)
    sq_ref[0] = jnp.sum(h1 * h1, axis=0, keepdims=True)
    d_ref[0] = jnp.concatenate(dparts)[:NP].reshape(1, NP)


def _bn_stats(sum_ref, sq_ref):
    mu = jnp.sum(sum_ref[...], axis=0) / (B * NP)
    ex2 = jnp.sum(sq_ref[...], axis=0) / (B * NP)
    var = ex2 - mu * mu
    return mu, lax.rsqrt(var + 1e-5)


def _conv2_body(h1_ref, adj_ref, sum_ref, sq_ref, g_ref, be_ref, wrel_ref,
                brel_ref, wroot_ref, h2_ref, sum2_ref, sq2_ref):
    mu, inv = _bn_stats(sum_ref, sq_ref)
    hn = jnp.maximum((h1_ref[0] - mu) * inv * g_ref[...] + be_ref[...], 0.0)
    agg = _adj_matmul(adj_ref, hn)
    h2 = (jnp.dot(agg, wrel_ref[...], preferred_element_type=jnp.float32)
          + jnp.dot(hn, wroot_ref[...], preferred_element_type=jnp.float32)
          + brel_ref[...])
    h2_ref[0] = h2
    sum2_ref[0] = jnp.sum(h2, axis=0, keepdims=True)
    sq2_ref[0] = jnp.sum(h2 * h2, axis=0, keepdims=True)


def _pool_body(h2_ref, adj_ref, d_ref, sum_ref, sq_ref, g_ref, be_ref,
               wpool_ref, bpool_ref, wpt_ref, wpb_ref, bpost_ref,
               out_ref, mc_ref, ol_ref):
    b = pl.program_id(0)
    mu, inv = _bn_stats(sum_ref, sq_ref)
    hn = jnp.maximum((h2_ref[0] - mu) * inv * g_ref[...] + be_ref[...], 0.0)
    z = jnp.dot(hn, wpool_ref[...],
                preferred_element_type=jnp.float32) + bpool_ref[...]
    m = jnp.max(z, axis=1, keepdims=True)
    ez = jnp.exp(z - m)
    s = ez / jnp.sum(ez, axis=1, keepdims=True)
    p0 = jnp.maximum(jnp.sum(s[:, 0:1] * hn, axis=0, keepdims=True), 0.0)
    p1 = jnp.maximum(jnp.sum(s[:, 1:2] * hn, axis=0, keepdims=True), 0.0)
    out = (jnp.dot(p0, wpt_ref[...], preferred_element_type=jnp.float32)
           + jnp.dot(p1, wpb_ref[...], preferred_element_type=jnp.float32)
           + bpost_ref[...])
    out_ref[0] = out
    w = _adj_matmul(adj_ref, s)
    num = jnp.sum(w * s)
    den = jnp.sum(d_ref[0, 0] * jnp.sum(s * s, axis=1))
    s0 = s[:, 0:1]
    s1 = s[:, 1:2]
    s00 = jnp.sum(s0 * s0)
    s01 = jnp.sum(s0 * s1)
    s11 = jnp.sum(s1 * s1)
    fro = jnp.sqrt(s00 * s00 + 2.0 * s01 * s01 + s11 * s11)
    c = 1.0 / jnp.sqrt(jnp.float32(2.0))
    a00 = s00 / fro - c
    a01 = s01 / fro
    a11 = s11 / fro - c
    mc = -(num / den) * (1.0 / B)
    ob = jnp.sqrt(a00 * a00 + 2.0 * a01 * a01 + a11 * a11) * (1.0 / B)

    @pl.when(b == 0)
    def _():
        mc_ref[...] = jnp.zeros((1, 1), jnp.float32)
        ol_ref[...] = jnp.zeros((1, 1), jnp.float32)
    mc_ref[...] += jnp.reshape(mc, (1, 1))
    ol_ref[...] += jnp.reshape(ob, (1, 1))


def _full(shape):
    return pl.BlockSpec(shape, lambda b: tuple(0 for _ in shape))


_conv1 = pl.pallas_call(
    _conv1_body,
    grid=(B,),
    in_specs=[
        pl.BlockSpec((1, NP, H), lambda b: (b, 0, 0)),
        pl.BlockSpec((CT * NP, 128), lambda b: (b, 0)),
        _full((H, H)), _full((1, H)), _full((H, H)), _full((1, H)),
        _full((H, H)),
    ],
    out_specs=[
        pl.BlockSpec((1, NP, H), lambda b: (b, 0, 0)),
        pl.BlockSpec((CT * NP, 128), lambda b: (b, 0)),
        pl.BlockSpec((1, 1, H), lambda b: (b, 0, 0)),
        pl.BlockSpec((1, 1, H), lambda b: (b, 0, 0)),
        pl.BlockSpec((1, 1, NP), lambda b: (b, 0, 0)),
    ],
    out_shape=[
        jax.ShapeDtypeStruct((B, NP, H), jnp.float32),
        jax.ShapeDtypeStruct((B * CT * NP, 128), jnp.bfloat16),
        jax.ShapeDtypeStruct((B, 1, H), jnp.float32),
        jax.ShapeDtypeStruct((B, 1, H), jnp.float32),
        jax.ShapeDtypeStruct((B, 1, NP), jnp.float32),
    ],
)

_conv2 = pl.pallas_call(
    _conv2_body,
    grid=(B,),
    in_specs=[
        pl.BlockSpec((1, NP, H), lambda b: (b, 0, 0)),
        pl.BlockSpec((CT * NP, 128), lambda b: (b, 0)),
        pl.BlockSpec((B, 1, H), lambda b: (0, 0, 0)),
        pl.BlockSpec((B, 1, H), lambda b: (0, 0, 0)),
        _full((1, H)), _full((1, H)), _full((H, H)), _full((1, H)),
        _full((H, H)),
    ],
    out_specs=[
        pl.BlockSpec((1, NP, H), lambda b: (b, 0, 0)),
        pl.BlockSpec((1, 1, H), lambda b: (b, 0, 0)),
        pl.BlockSpec((1, 1, H), lambda b: (b, 0, 0)),
    ],
    out_shape=[
        jax.ShapeDtypeStruct((B, NP, H), jnp.float32),
        jax.ShapeDtypeStruct((B, 1, H), jnp.float32),
        jax.ShapeDtypeStruct((B, 1, H), jnp.float32),
    ],
)

_pool = pl.pallas_call(
    _pool_body,
    grid=(B,),
    in_specs=[
        pl.BlockSpec((1, NP, H), lambda b: (b, 0, 0)),
        pl.BlockSpec((CT * NP, 128), lambda b: (b, 0)),
        pl.BlockSpec((1, 1, NP), lambda b: (b, 0, 0)),
        pl.BlockSpec((B, 1, H), lambda b: (0, 0, 0)),
        pl.BlockSpec((B, 1, H), lambda b: (0, 0, 0)),
        _full((1, H)), _full((1, H)), _full((H, 2)), _full((1, 2)),
        _full((H, 2)), _full((H, 2)), _full((1, 2)),
    ],
    out_specs=[
        pl.BlockSpec((1, 1, 2), lambda b: (b, 0, 0)),
        pl.BlockSpec((1, 1), lambda b: (0, 0)),
        pl.BlockSpec((1, 1), lambda b: (0, 0)),
    ],
    out_shape=[
        jax.ShapeDtypeStruct((B, 1, 2), jnp.float32),
        jax.ShapeDtypeStruct((1, 1), jnp.float32),
        jax.ShapeDtypeStruct((1, 1), jnp.float32),
    ],
)


def kernel(x, edge_index, edge_feature, batch, W_pre, b_pre, Wrel1, brel1,
           Wroot1, g1, be1, Wrel2, brel2, Wroot2, g2, be2, W_pool, b_pool,
           W_post, b_post):
    ew = edge_feature.reshape(E)
    adj = _build_adj_kernel()(edge_index.reshape(2 * E),
                              ew).reshape(B * CT * NP, 128)
    x3 = x.reshape(B, NP, H)
    h1, abf, s1, q1, d = _conv1(x3, adj, W_pre, b_pre.reshape(1, H), Wrel1,
                                brel1.reshape(1, H), Wroot1)
    h2, s2, q2 = _conv2(h1, abf, s1, q1, g1.reshape(1, H), be1.reshape(1, H),
                        Wrel2, brel2.reshape(1, H), Wroot2)
    out3, mc, ol = _pool(h2, abf, d, s2, q2, g2.reshape(1, H),
                         be2.reshape(1, H), W_pool, b_pool.reshape(1, 2),
                         W_post[:H], W_post[H:], b_post.reshape(1, 2))
    return out3.reshape(B, 2), mc[0, 0], ol[0, 0]

# --- scband reference (transcript-rebuilt; emitter-appended) ---
"""Pipeline reference for scband-subtour-detector-44487271252594 (READ-ONLY COPY).

The authoritative reference and input builder live on the scoring server;
editing this copy changes nothing except your own understanding.
"""

import jax, jax.numpy as jnp
import numpy as np

EPS = 1e-15

def _bn(x, g, b):
    mu = jnp.mean(x, axis=0)
    var = jnp.var(x, axis=0)
    return (x - mu) / jnp.sqrt(var + 1e-5) * g + b

def _graph_conv(x, src, dst, ew, Wrel, brel, Wroot):
    msg = x[src] * ew
    agg = jnp.zeros_like(x).at[dst].add(msg)
    return agg @ Wrel + brel + x @ Wroot

def _dense_mincut_pool(x, adj, s, mask):
    s = jax.nn.softmax(s, axis=-1)
    m = mask[..., None].astype(x.dtype)
    x = x * m
    s = s * m
    out = jnp.einsum('bnk,bnf->bkf', s, x)
    out_adj = jnp.einsum('bnk,bnm,bml->bkl', s, adj, s)
    mincut_num = jnp.trace(out_adj, axis1=-2, axis2=-1)
    d_flat = jnp.sum(adj, axis=-1)
    mincut_den = jnp.einsum('bnk,bn,bnk->b', s, d_flat, s)
    mincut_loss = jnp.mean(-(mincut_num / mincut_den))
    ss = jnp.einsum('bnk,bnl->bkl', s, s)
    k = s.shape[-1]
    i_s = jnp.eye(k, dtype=x.dtype)
    ortho_loss = jnp.mean(jnp.linalg.norm(ss / jnp.linalg.norm(ss, axis=(-1, -2), keepdims=True) - i_s / jnp.linalg.norm(i_s), axis=(-1, -2)))
    diag_mask = jnp.eye(k, dtype=bool)
    out_adj = jnp.where(diag_mask[None], 0.0, out_adj)
    d = jnp.sqrt(jnp.sum(out_adj, axis=-1))[:, None, :] + EPS
    out_adj = (out_adj / d) / jnp.transpose(d, (0, 2, 1))
    return out, out_adj, mincut_loss, ortho_loss

def setup_inputs(seed: int = 0):
    key = jax.random.key(seed)
    ks = jax.random.split(key, 16)
    B, n_per, deg, Fin, H = 10, 1000, 32, 128, 128
    N = B * n_per
    E = N * deg
    batch = jnp.repeat(jnp.arange(B, dtype=jnp.int32), n_per)
    gid = jnp.repeat(jnp.arange(B, dtype=jnp.int32), n_per * deg)
    src = jax.random.randint(ks[0], (E,), 0, n_per, dtype=jnp.int32) + gid * n_per
    dst = jax.random.randint(ks[1], (E,), 0, n_per, dtype=jnp.int32) + gid * n_per
    edge_index = jnp.stack([src, dst])
    x = jax.random.normal(ks[2], (N, Fin), dtype=jnp.float32)
    edge_feature = jax.random.uniform(ks[3], (E, 1), dtype=jnp.float32)
    def lin(k, i, o):
        return (jax.random.normal(k, (i, o), dtype=jnp.float32) / np.sqrt(i)).astype(jnp.float32)
    return {
        'x': x, 'edge_index': edge_index, 'edge_feature': edge_feature, 'batch': batch,
        'W_pre': lin(ks[4], Fin, H), 'b_pre': jnp.zeros((H,), jnp.float32),
        'Wrel1': lin(ks[5], H, H), 'brel1': jnp.zeros((H,), jnp.float32), 'Wroot1': lin(ks[6], H, H),
        'g1': jnp.ones((H,), jnp.float32), 'be1': jnp.zeros((H,), jnp.float32),
        'Wrel2': lin(ks[7], H, H), 'brel2': jnp.zeros((H,), jnp.float32), 'Wroot2': lin(ks[8], H, H),
        'g2': jnp.ones((H,), jnp.float32), 'be2': jnp.zeros((H,), jnp.float32),
        'W_pool': lin(ks[9], H, 2), 'b_pool': jnp.zeros((2,), jnp.float32),
        'W_post': lin(ks[10], 2 * H, 2), 'b_post': jnp.zeros((2,), jnp.float32),
    }

def reference(x, edge_index, edge_feature, batch, W_pre, b_pre, Wrel1, brel1, Wroot1, g1, be1, Wrel2, brel2, Wroot2, g2, be2, W_pool, b_pool, W_post, b_post):
    src = edge_index[0]
    dst = edge_index[1]
    B = 10
    counts = jnp.bincount(batch, length=B)
    cum = jnp.concatenate([jnp.zeros((1,), counts.dtype), jnp.cumsum(counts)])
    local = jnp.arange(batch.shape[0]) - cum[batch]
    max_n = batch.shape[0] // B
    h = x @ W_pre + b_pre
    h = _graph_conv(h, src, dst, edge_feature, Wrel1, brel1, Wroot1)
    h = jax.nn.relu(_bn(h, g1, be1))
    h = _graph_conv(h, src, dst, edge_feature, Wrel2, brel2, Wroot2)
    h = jax.nn.relu(_bn(h, g2, be2))
    dense_x = jnp.zeros((B, max_n, h.shape[-1]), h.dtype).at[batch, local].set(h)
    mask = jnp.zeros((B, max_n), dtype=bool).at[batch, local].set(True)
    b_e = batch[src]
    sl = src - cum[b_e]
    dl = dst - cum[batch[dst]]
    adj = jnp.zeros((B, max_n, max_n), h.dtype).at[b_e, sl, dl].add(edge_feature.reshape(-1))
    s = dense_x @ W_pool + b_pool
    pooled, _, mc_loss, o_loss = _dense_mincut_pool(dense_x, adj, s, mask)
    pooled = jax.nn.relu(pooled).reshape(B, -1)
    out = pooled @ W_post + b_post
    return (out, mc_loss, o_loss)

if __name__ == "__main__":
    import jax
    _d = setup_inputs()
    print(jax.jit(kernel)(*tuple(_d.values())))

</pallas_src>

<mosaic_0001>
#map = affine_map<(d0, d1) -> (0)>
module attributes {stable_mosaic.version = 14 : i64} {
  func.func @_adj_body(%arg0: i32, %arg1: i32, %arg2: memref<640000xi32, #tpu.memory_space<hbm>>, %arg3: memref<320000xf32, #tpu.memory_space<hbm>>, %arg4: memref<10240000xf32, #tpu.memory_space<hbm>>, %arg5: memref<2000xi32, #tpu.memory_space<vmem>>, %arg6: memref<2000xi32, #tpu.memory_space<vmem>>, %arg7: memref<2000xf32, #tpu.memory_space<vmem>>, %arg8: memref<25x80xi32, #tpu.memory_space<vmem>>, %arg9: memref<8000xf32, #tpu.memory_space<vmem>>, %arg10: memref<8000xf32, #tpu.memory_space<vmem>>, %arg11: memref<8000xf32, #tpu.memory_space<vmem>>, %arg12: memref<8000xf32, #tpu.memory_space<vmem>>, %arg13: memref<1024000xf32, #tpu.memory_space<vmem_shared>>, %arg14: memref<!tpu.dma_semaphore, #tpu.memory_space<semaphore_mem>>, %arg15: memref<!tpu.dma_semaphore, #tpu.memory_space<semaphore_mem>>, %arg16: memref<!tpu.dma_semaphore, #tpu.memory_space<semaphore_mem>>, %arg17: memref<!tpu.dma_semaphore, #tpu.memory_space<semaphore_mem>>, %arg18: memref<!tpu.dma_semaphore, #tpu.memory_space<semaphore_mem>>) attributes {dimension_semantics = [#tpu.dimension_semantics<core_parallel>, #tpu.dimension_semantics<subcore_parallel>], iteration_bounds = array<i64: 2, 16>, scalar_prefetch = 0 : i64, scratch_operands = 14 : i64, tpu.core_type = #tpu.core_type<sc_vector_subcore>, window_params = [{transform_indices = #map}, {transform_indices = #map}, {transform_indices = #map}]} {
    %scan3A = arith.constant 0 : i32
    %scan3A_0 = arith.constant 0 : i32
    %scan3A_1 = arith.constant 500 : i32
    %scan3A_2 = arith.addi %scan3A_0, %scan3A_1 : i32
    %scan3A_3 = arith.constant 1 : i32
    scf.for %scan3A_11 = %scan3A_0 to %scan3A_2 step %scan3A_3  : i32 {
      %broadcast_in_dim3A = arith.constant 0.000000e+00 : f32
      %broadcast_in_dim3A_12 = vector.broadcast %broadcast_in_dim3A : f32 to vector<16xf32>
      %mul3A = arith.constant 16 : i32
      %mul3A_13 = arith.muli %scan3A_11, %mul3A : i32
      %swap3A = arith.index_cast %mul3A_13 : i32 to index
      %swap3A_14 = tpu.vector_load %arg9[%swap3A] {strides = array<i32>} : memref<8000xf32, #tpu.memory_space<vmem>>, vector<16xf32>,
      %swap3A_15 = vector.shape_cast %swap3A_14 : vector<16xf32> to vector<16xf32>
      %swap3A_16 = vector.shape_cast %broadcast_in_dim3A_12 : vector<16xf32> to vector<16xf32>
      tpu.vector_store %arg9[%swap3A], %swap3A_16 {strides = array<i32>} : memref<8000xf32, #tpu.memory_space<vmem>>, vector<16xf32>,
    }
    %scan3A_4 = arith.constant 500 : i32
    %scan3A_5 = arith.constant 0 : i32
    %scan3A_6 = arith.constant 0 : i32
    %scan3A_7 = arith.constant 5 : i32
    %scan3A_8 = arith.addi %scan3A_6, %scan3A_7 : i32
    %scan3A_9 = arith.constant 1 : i32
    scf.for %scan3A_11 = %scan3A_6 to %scan3A_8 step %scan3A_9  : i32 {
      %mul3A = arith.constant 5 : i32
      %mul3A_12 = arith.muli %arg0, %mul3A : i32
      %add3A = arith.addi %mul3A_12, %scan3A_11 : i32
      %mul3A_13 = arith.constant 64000 : i32
      %mul3A_14 = arith.muli %arg1, %mul3A_13 : i32
      %eq3A = arith.constant 0 : i32
      %eq3A_15 = arith.cmpi eq, %scan3A_11, %eq3A : i32
      %convert_element_type3A = arith.extui %eq3A_15 : i1 to i32
      %cond3A = arith.constant 0 : i32
      %cond3A_16 = arith.cmpi ne, %convert_element_type3A, %cond3A : i32
      scf.if %cond3A_16 {
        %scan3A_613 = arith.constant 0 : i32
        %scan3A_614 = arith.constant 0 : i32
        %scan3A_615 = arith.constant 8 : i32
        %scan3A_616 = arith.addi %scan3A_614, %scan3A_615 : i32
        %scan3A_617 = arith.constant 1 : i32
        scf.for %scan3A_619 = %scan3A_614 to %scan3A_616 step %scan3A_617  : i32 {
          %mul3A_620 = arith.constant 8000 : i32
          %mul3A_621 = arith.muli %scan3A_619, %mul3A_620 : i32
          %add3A_622 = arith.addi %mul3A_14, %mul3A_621 : i32
          %dma_start3A_623 = tpu.memref_slice %arg13[%add3A_622] : memref<1024000xf32, #tpu.memory_space<vmem_shared>> -> memref<8000xf32, #tpu.memory_space<vmem_shared>>
          %dma_start3A_624 = tpu.memref_slice %arg13[%add3A_622] : memref<1024000xf32, #tpu.memory_space<vmem_shared>> -> memref<8000xf32, #tpu.memory_space<vmem_shared>>
          tpu.enqueue_dma source(%arg9 : memref<8000xf32, #tpu.memory_space<vmem>>) target(%dma_start3A_624 : memref<8000xf32, #tpu.memory_space<vmem_shared>>) target_semaphore(%arg14 : memref<!tpu.dma_semaphore, #tpu.memory_space<semaphore_mem>>)
        }
        %scan3A_618 = arith.constant 8 : i32
      } else {
      }
      %mul3A_17 = arith.constant 32000 : i32
      %mul3A_18 = arith.muli %add3A, %mul3A_17 : i32
      %mul3A_19 = arith.constant 2000 : i32
      %mul3A_20 = arith.muli %arg1, %mul3A_19 : i32
      %add3A_21 = arith.addi %mul3A_18, %mul3A_20 : i32
      "tpu.region"() ({
        %run_scoped3A = tpu.sem_alloc : memref<!tpu.dma_semaphore, #tpu.memory_space<semaphore_mem>>
        %dma_start3A_613 = tpu.memref_slice %arg2[%add3A_21] : memref<640000xi32, #tpu.memory_space<hbm>> -> memref<2000xi32, #tpu.memory_space<hbm>>
        %dma_start3A_614 = tpu.memref_slice %arg2[%add3A_21] : memref<640000xi32, #tpu.memory_space<hbm>> -> memref<2000xi32, #tpu.memory_space<hbm>>
        tpu.enqueue_dma source(%dma_start3A_614 : memref<2000xi32, #tpu.memory_space<hbm>>) target(%arg5 : memref<2000xi32, #tpu.memory_space<vmem>>) target_semaphore(%run_scoped3A : memref<!tpu.dma_semaphore, #tpu.memory_space<semaphore_mem>>)
        %dma_wait3A_615 = tpu.memref_slice %arg2[%add3A_21] : memref<640000xi32, #tpu.memory_space<hbm>> -> memref<2000xi32, #tpu.memory_space<hbm>>
        %dma_wait3A_616 = tpu.memref_slice %arg2[%add3A_21] : memref<640000xi32, #tpu.memory_space<hbm>> -> memref<2000xi32, #tpu.memory_space<hbm>>
        tpu.wait_dma2 semaphore(%run_scoped3A : memref<!tpu.dma_semaphore, #tpu.memory_space<semaphore_mem>>) src(%dma_wait3A_616 : memref<2000xi32, #tpu.memory_space<hbm>>) dst(%arg5 : memref<2000xi32, #tpu.memory_space<vmem>>)
        tpu.yield
      }) : () -> ()
      %add3A_22 = arith.constant 320000 : i32
      %add3A_23 = arith.addi %add3A_22, %add3A_21 : i32
      "tpu.region"() ({
        %run_scoped3A = tpu.sem_alloc : memref<!tpu.dma_semaphore, #tpu.memory_space<semaphore_mem>>
        %dma_start3A_613 = tpu.memref_slice %arg2[%add3A_23] : memref<640000xi32, #tpu.memory_space<hbm>> -> memref<2000xi32, #tpu.memory_space<hbm>>
        %dma_start3A_614 = tpu.memref_slice %arg2[%add3A_23] : memref<640000xi32, #tpu.memory_space<hbm>> -> memref<2000xi32, #tpu.memory_space<hbm>>
        tpu.enqueue_dma source(%dma_start3A_614 : memref<2000xi32, #tpu.memory_space<hbm>>) target(%arg6 : memref<2000xi32, #tpu.memory_space<vmem>>) target_semaphore(%run_scoped3A : memref<!tpu.dma_semaphore, #tpu.memory_space<semaphore_mem>>)
        %dma_wait3A_615 = tpu.memref_slice %arg2[%add3A_23] : memref<640000xi32, #tpu.memory_space<hbm>> -> memref<2000xi32, #tpu.memory_space<hbm>>
        %dma_wait3A_616 = tpu.memref_slice %arg2[%add3A_23] : memref<640000xi32, #tpu.memory_space<hbm>> -> memref<2000xi32, #tpu.memory_space<hbm>>
        tpu.wait_dma2 semaphore(%run_scoped3A : memref<!tpu.dma_semaphore, #tpu.memory_space<semaphore_mem>>) src(%dma_wait3A_616 : memref<2000xi32, #tpu.memory_space<hbm>>) dst(%arg6 : memref<2000xi32, #tpu.memory_space<vmem>>)
        tpu.yield
      }) : () -> ()
      "tpu.region"() ({
        %run_scoped3A = tpu.sem_alloc : memref<!tpu.dma_semaphore, #tpu.memory_space<semaphore_mem>>
        %dma_start3A_613 = tpu.memref_slice %arg3[%add3A_21] : memref<320000xf32, #tpu.memory_space<hbm>> -> memref<2000xf32, #tpu.memory_space<hbm>>
        %dma_start3A_614 = tpu.memref_slice %arg3[%add3A_21] : memref<320000xf32, #tpu.memory_space<hbm>> -> memref<2000xf32, #tpu.memory_space<hbm>>
        tpu.enqueue_dma source(%dma_start3A_614 : memref<2000xf32, #tpu.memory_space<hbm>>) target(%arg7 : memref<2000xf32, #tpu.memory_space<vmem>>) target_semaphore(%run_scoped3A : memref<!tpu.dma_semaphore, #tpu.memory_space<semaphore_mem>>)
        %dma_wait3A_615 = tpu.memref_slice %arg3[%add3A_21] : memref<320000xf32, #tpu.memory_space<hbm>> -> memref<2000xf32, #tpu.memory_space<hbm>>
        %dma_wait3A_616 = tpu.memref_slice %arg3[%add3A_21] : memref<320000xf32, #tpu.memory_space<hbm>> -> memref<2000xf32, #tpu.memory_space<hbm>>
        tpu.wait_dma2 semaphore(%run_scoped3A : memref<!tpu.dma_semaphore, #tpu.memory_space<semaphore_mem>>) src(%dma_wait3A_616 : memref<2000xf32, #tpu.memory_space<hbm>>) dst(%arg7 : memref<2000xf32, #tpu.memory_space<vmem>>)
        tpu.yield
      }) : () -> ()
      %mul3A_24 = arith.constant 1000 : i32
      %mul3A_25 = arith.muli %add3A, %mul3A_24 : i32
      %scan3A_26 = arith.constant 0 : i32
      %scan3A_27 = arith.constant 0 : i32
      %scan3A_28 = arith.constant 125 : i32
      %scan3A_29 = arith.addi %scan3A_27, %scan3A_28 : i32
      %scan3A_30 = arith.constant 1 : i32
      scf.for %scan3A_613 = %scan3A_27 to %scan3A_29 step %scan3A_30  : i32 {
        %jit3A = arith.constant 5 : i32
        %div3A = arith.divsi %scan3A_613, %jit3A : i32
        %sign3A = arith.constant 0 : i32
        %sign3A_614 = arith.cmpi sgt, %scan3A_613, %sign3A : i32
        %sign3A_615 = arith.extui %sign3A_614 : i1 to i32
        %sign3A_616 = arith.constant 0 : i32
        %sign3A_617 = arith.cmpi slt, %scan3A_613, %sign3A_616 : i32
        %sign3A_618 = arith.extui %sign3A_617 : i1 to i32
        %sign3A_619 = arith.subi %sign3A_615, %sign3A_618 : i32
        %sign3A_620 = arith.constant 0 : i32
        %sign3A_621 = arith.cmpi sgt, %jit3A, %sign3A_620 : i32
        %sign3A_622 = arith.extui %sign3A_621 : i1 to i32
        %sign3A_623 = arith.constant 0 : i32
        %sign3A_624 = arith.cmpi slt, %jit3A, %sign3A_623 : i32
        %sign3A_625 = arith.extui %sign3A_624 : i1 to i32
        %sign3A_626 = arith.subi %sign3A_622, %sign3A_625 : i32
        %ne3A = arith.cmpi ne, %sign3A_619, %sign3A_626 : i32
        %rem3A = arith.remsi %scan3A_613, %jit3A : i32
        %ne3A_627 = arith.constant 0 : i32
        %ne3A_628 = arith.cmpi ne, %rem3A, %ne3A_627 : i32
        %and3A = arith.andi %ne3A, %ne3A_628 : i1
        %sub3A = arith.constant 1 : i32
        %sub3A_629 = arith.subi %div3A, %sub3A : i32
        %select_n3A = arith.select %and3A, %sub3A_629, %div3A : i32
        %jit3A_630 = arith.constant 5 : i32
        %eq3A_631 = arith.constant 0 : i32
        %eq3A_632 = arith.cmpi eq, %jit3A_630, %eq3A_631 : i32
        %jit3A_633 = arith.constant 1 : i32
        %select_n3A_634 = arith.select %eq3A_632, %jit3A_633, %jit3A_630 : i32
        %rem3A_635 = arith.remsi %scan3A_613, %select_n3A_634 : i32
        %ne3A_636 = arith.constant 0 : i32
        %ne3A_637 = arith.cmpi ne, %rem3A_635, %ne3A_636 : i32
        %lt3A_638 = arith.constant 0 : i32
        %lt3A_639 = arith.cmpi slt, %rem3A_635, %lt3A_638 : i32
        %lt3A_640 = arith.constant 0 : i32
        %lt3A_641 = arith.cmpi slt, %select_n3A_634, %lt3A_640 : i32
        %ne3A_642 = arith.xori %lt3A_639, %lt3A_641 : i1
        %and3A_643 = arith.andi %ne3A_642, %ne3A_637 : i1
        %add3A_644 = arith.addi %rem3A_635, %select_n3A_634 : i32
        %select_n3A_645 = arith.select %and3A_643, %add3A_644, %rem3A_635 : i32
        %mul3A_646 = arith.constant 16 : i32
        %mul3A_647 = arith.muli %select_n3A_645, %mul3A_646 : i32
        %mul3A_648 = arith.constant 16 : i32
        %mul3A_649 = arith.muli %scan3A_613, %mul3A_648 : i32
        %get3A = arith.index_cast %mul3A_649 : i32 to index
        %get3A_650 = tpu.vector_load %arg5[%get3A] {strides = array<i32>} : memref<2000xi32, #tpu.memory_space<vmem>>, vector<16xi32>,
        %get3A_651 = vector.shape_cast %get3A_650 : vector<16xi32> to vector<16xi32>
        %sub3A_652 = vector.broadcast %mul3A_25 : i32 to vector<16xi32>
        %sub3A_653 = arith.subi %get3A_651, %sub3A_652 : vector<16xi32>
        %mul3A_654 = arith.constant 16 : i32
        %mul3A_655 = arith.muli %scan3A_613, %mul3A_654 : i32
        %get3A_656 = arith.index_cast %mul3A_655 : i32 to index
        %get3A_657 = tpu.vector_load %arg6[%get3A_656] {strides = array<i32>} : memref<2000xi32, #tpu.memory_space<vmem>>, vector<16xi32>,
        %get3A_658 = vector.shape_cast %get3A_657 : vector<16xi32> to vector<16xi32>
        %sub3A_659 = vector.broadcast %mul3A_25 : i32 to vector<16xi32>
        %sub3A_660 = arith.subi %get3A_658, %sub3A_659 : vector<16xi32>
        %shift_right_arithmetic3A = arith.constant 7 : i32
        %shift_right_arithmetic3A_661 = vector.broadcast %shift_right_arithmetic3A : i32 to vector<16xi32>
        %shift_right_arithmetic3A_662 = arith.shrsi %sub3A_653, %shift_right_arithmetic3A_661 : vector<16xi32>
        %mul3A_663 = arith.constant 128000 : i32
        %mul3A_664 = vector.broadcast %mul3A_663 : i32 to vector<16xi32>
        %mul3A_665 = arith.muli %shift_right_arithmetic3A_662, %mul3A_664 : vector<16xi32>
        %mul3A_666 = arith.constant 128 : i32
        %mul3A_667 = vector.broadcast %mul3A_666 : i32 to vector<16xi32>
        %mul3A_668 = arith.muli %sub3A_660, %mul3A_667 : vector<16xi32>
        %add3A_669 = arith.addi %mul3A_665, %mul3A_668 : vector<16xi32>
        %and3A_670 = arith.constant 127 : i32
        %and3A_671 = vector.broadcast %and3A_670 : i32 to vector<16xi32>
        %and3A_672 = arith.andi %sub3A_653, %and3A_671 : vector<16xi32>
        %add3A_673 = arith.addi %add3A_669, %and3A_672 : vector<16xi32>
        %swap3A = arith.index_cast %select_n3A : i32 to index
        %swap3A_674 = arith.index_cast %mul3A_647 : i32 to index
        %swap3A_675 = tpu.vector_load %arg8[%swap3A, %swap3A_674] {strides = array<i32>} : memref<25x80xi32, #tpu.memory_space<vmem>>, vector<1x16xi32>,
        %swap3A_676 = vector.shape_cast %swap3A_675 : vector<1x16xi32> to vector<16xi32>
        %swap3A_677 = vector.shape_cast %add3A_673 : vector<16xi32> to vector<1x16xi32>
        tpu.vector_store %arg8[%swap3A, %swap3A_674], %swap3A_677 {strides = array<i32>} : memref<25x80xi32, #tpu.memory_space<vmem>>, vector<1x16xi32>,
      }
      %scan3A_31 = arith.constant 125 : i32
      %scan3A_32 = arith.constant 0 : i32
      %scan3A_33 = arith.constant 0 : i32
      %scan3A_34 = arith.constant 8 : i32
      %scan3A_35 = arith.addi %scan3A_33, %scan3A_34 : i32
      %scan3A_36 = arith.constant 1 : i32
      scf.for %scan3A_613 = %scan3A_33 to %scan3A_35 step %scan3A_36  : i32 {
        %dma_wait3A_614 = tpu.memref_slice %arg13[%mul3A_14] : memref<1024000xf32, #tpu.memory_space<vmem_shared>> -> memref<8000xf32, #tpu.memory_space<vmem_shared>>
        %dma_wait3A_615 = tpu.memref_slice %arg13[%mul3A_14] : memref<1024000xf32, #tpu.memory_space<vmem_shared>> -> memref<8000xf32, #tpu.memory_space<vmem_shared>>
        tpu.wait_dma2 semaphore(%arg14 : memref<!tpu.dma_semaphore, #tpu.memory_space<semaphore_mem>>) src(%arg9 : memref<8000xf32, #tpu.memory_space<vmem>>) dst(%dma_wait3A_615 : memref<8000xf32, #tpu.memory_space<vmem_shared>>)
      }
      %scan3A_37 = arith.constant 8 : i32
      %barrier3A = arith.constant 0 : index
      tpu.barrier barrier_id(%barrier3A)
      %dma_start3A = arith.constant 0 : i32
      %dma_start3A_38 = arith.constant 0 : i32
      %dma_start3A_39 = tpu.memref_slice %arg7[%dma_start3A_38] : memref<2000xf32, #tpu.memory_space<vmem>> -> memref<80xf32, #tpu.memory_space<vmem>>
      %dma_start3A_40 = arith.constant 0 : i32
      %dma_start3A_41 = tpu.memref_slice %arg8[%dma_start3A, %dma_start3A_40] : memref<25x80xi32, #tpu.memory_space<vmem>> -> memref<1x80xi32, #tpu.memory_space<vmem>>
      %dma_start3A_42 = tpu.memref_squeeze %dma_start3A_41 : memref<1x80xi32, #tpu.memory_space<vmem>> -> memref<80xi32, #tpu.memory_space<vmem>>
      %dma_start3A_43 = arith.constant 0 : i32
      %dma_start3A_44 = tpu.memref_slice %arg13[%dma_start3A_43] : memref<1024000xf32, #tpu.memory_space<vmem_shared>> -> memref<1024000xf32, #tpu.memory_space<vmem_shared>>
      tpu.enqueue_indirect_dma source(%dma_start3A_39 : memref<80xf32, #tpu.memory_space<vmem>>) target(%dma_start3A_44 : memref<1024000xf32, #tpu.memory_space<vmem_shared>>) offsets(%dma_start3A_42 : memref<80xi32, #tpu.memory_space<vmem>>) semaphore(%arg18 : memref<!tpu.dma_semaphore, #tpu.memory_space<semaphore_mem>>) {add = true}
      %dma_start3A_45 = arith.constant 1 : i32
      %dma_start3A_46 = arith.constant 80 : i32
      %dma_start3A_47 = tpu.memref_slice %arg7[%dma_start3A_46] : memref<2000xf32, #tpu.memory_space<vmem>> -> memref<80xf32, #tpu.memory_space<vmem>>
      %dma_start3A_48 = arith.constant 0 : i32
      %dma_start3A_49 = tpu.memref_slice %arg8[%dma_start3A_45, %dma_start3A_48] : memref<25x80xi32, #tpu.memory_space<vmem>> -> memref<1x80xi32, #tpu.memory_space<vmem>>
      %dma_start3A_50 = tpu.memref_squeeze %dma_start3A_49 : memref<1x80xi32, #tpu.memory_space<vmem>> -> memref<80xi32, #tpu.memory_space<vmem>>
      %dma_start3A_51 = arith.constant 0 : i32
      %dma_start3A_52 = tpu.memref_slice %arg13[%dma_start3A_51] : memref<1024000xf32, #tpu.memory_space<vmem_shared>> -> memref<1024000xf32, #tpu.memory_space<vmem_shared>>
      tpu.enqueue_indirect_dma source(%dma_start3A_47 : memref<80xf32, #tpu.memory_space<vmem>>) target(%dma_start3A_52 : memref<1024000xf32, #tpu.memory_space<vmem_shared>>) offsets(%dma_start3A_50 : memref<80xi32, #tpu.memory_space<vmem>>) semaphore(%arg18 : memref<!tpu.dma_semaphore, #tpu.memory_space<semaphore_mem>>) {add = true}
      %dma_start3A_53 = arith.constant 2 : i32
      %dma_start3A_54 = arith.constant 160 : i32
      %dma_start3A_55 = tpu.memref_slice %arg7[%dma_start3A_54] : memref<2000xf32, #tpu.memory_space<vmem>> -> memref<80xf32, #tpu.memory_space<vmem>>
      %dma_start3A_56 = arith.constant 0 : i32
      %dma_start3A_57 = tpu.memref_slice %arg8[%dma_start3A_53, %dma_start3A_56] : memref<25x80xi32, #tpu.memory_space<vmem>> -> memref<1x80xi32, #tpu.memory_space<vmem>>
      %dma_start3A_58 = tpu.memref_squeeze %dma_start3A_57 : memref<1x80xi32, #tpu.memory_space<vmem>> -> memref<80xi32, #tpu.memory_space<vmem>>
      %dma_start3A_59 = arith.constant 0 : i32
      %dma_start3A_60 = tpu.memref_slice %arg13[%dma_start3A_59] : memref<1024000xf32, #tpu.memory_space<vmem_shared>> -> memref<1024000xf32, #tpu.memory_space<vmem_shared>>
      tpu.enqueue_indirect_dma source(%dma_start3A_55 : memref<80xf32, #tpu.memory_space<vmem>>) target(%dma_start3A_60 : memref<1024000xf32, #tpu.memory_space<vmem_shared>>) offsets(%dma_start3A_58 : memref<80xi32, #tpu.memory_space<vmem>>) semaphore(%arg18 : memref<!tpu.dma_semaphore, #tpu.memory_space<semaphore_mem>>) {add = true}
      %dma_start3A_61 = arith.constant 3 : i32
      %dma_start3A_62 = arith.constant 240 : i32
      %dma_start3A_63 = tpu.memref_slice %arg7[%dma_start3A_62] : memref<2000xf32, #tpu.memory_space<vmem>> -> memref<80xf32, #tpu.memory_space<vmem>>
      %dma_start3A_64 = arith.constant 0 : i32
      %dma_start3A_65 = tpu.memref_slice %arg8[%dma_start3A_61, %dma_start3A_64] : memref<25x80xi32, #tpu.memory_space<vmem>> -> memref<1x80xi32, #tpu.memory_space<vmem>>
      %dma_start3A_66 = tpu.memref_squeeze %dma_start3A_65 : memref<1x80xi32, #tpu.memory_space<vmem>> -> memref<80xi32, #tpu.memory_space<vmem>>
      %dma_start3A_67 = arith.constant 0 : i32
      %dma_start3A_68 = tpu.memref_slice %arg13[%dma_start3A_67] : memref<1024000xf32, #tpu.memory_space<vmem_shared>> -> memref<1024000xf32, #tpu.memory_space<vmem_shared>>
      tpu.enqueue_indirect_dma source(%dma_start3A_63 : memref<80xf32, #tpu.memory_space<vmem>>) target(%dma_start3A_68 : memref<1024000xf32, #tpu.memory_space<vmem_shared>>) offsets(%dma_start3A_66 : memref<80xi32, #tpu.memory_space<vmem>>) semaphore(%arg18 : memref<!tpu.dma_semaphore, #tpu.memory_space<semaphore_mem>>) {add = true}
      %dma_start3A_69 = arith.constant 4 : i32
      %dma_start3A_70 = arith.constant 320 : i32
      %dma_start3A_71 = tpu.memref_slice %arg7[%dma_start3A_70] : memref<2000xf32, #tpu.memory_space<vmem>> -> memref<80xf32, #tpu.memory_space<vmem>>
      %dma_start3A_72 = arith.constant 0 : i32
      %dma_start3A_73 = tpu.memref_slice %arg8[%dma_start3A_69, %dma_start3A_72] : memref<25x80xi32, #tpu.memory_space<vmem>> -> memref<1x80xi32, #tpu.memory_space<vmem>>
      %dma_start3A_74 = tpu.memref_squeeze %dma_start3A_73 : memref<1x80xi32, #tpu.memory_space<vmem>> -> memref<80xi32, #tpu.memory_space<vmem>>
      %dma_start3A_75 = arith.constant 0 : i32
      %dma_start3A_76 = tpu.memref_slice %arg13[%dma_start3A_75] : memref<1024000xf32, #tpu.memory_space<vmem_shared>> -> memref<1024000xf32, #tpu.memory_space<vmem_shared>>
      tpu.enqueue_indirect_dma source(%dma_start3A_71 : memref<80xf32, #tpu.memory_space<vmem>>) target(%dma_start3A_76 : memref<1024000xf32, #tpu.memory_space<vmem_shared>>) offsets(%dma_start3A_74 : memref<80xi32, #tpu.memory_space<vmem>>) semaphore(%arg18 : memref<!tpu.dma_semaphore, #tpu.memory_space<semaphore_mem>>) {add = true}
      %dma_start3A_77 = arith.constant 5 : i32
      %dma_start3A_78 = arith.constant 400 : i32
      %dma_start3A_79 = tpu.memref_slice %arg7[%dma_start3A_78] : memref<2000xf32, #tpu.memory_space<vmem>> -> memref<80xf32, #tpu.memory_space<vmem>>
      %dma_start3A_80 = arith.constant 0 : i32
      %dma_start3A_81 = tpu.memref_slice %arg8[%dma_start3A_77, %dma_start3A_80] : memref<25x80xi32, #tpu.memory_space<vmem>> -> memref<1x80xi32, #tpu.memory_space<vmem>>
      %dma_start3A_82 = tpu.memref_squeeze %dma_start3A_81 : memref<1x80xi32, #tpu.memory_space<vmem>> -> memref<80xi32, #tpu.memory_space<vmem>>
      %dma_start3A_83 = arith.constant 0 : i32
      %dma_start3A_84 = tpu.memref_slice %arg13[%dma_start3A_83] : memref<1024000xf32, #tpu.memory_space<vmem_shared>> -> memref<1024000xf32, #tpu.memory_space<vmem_shared>>
      tpu.enqueue_indirect_dma source(%dma_start3A_79 : memref<80xf32, #tpu.memory_space<vmem>>) target(%dma_start3A_84 : memref<1024000xf32, #tpu.memory_space<vmem_shared>>) offsets(%dma_start3A_82 : memref<80xi32, #tpu.memory_space<vmem>>) semaphore(%arg18 : memref<!tpu.dma_semaphore, #tpu.memory_space<semaphore_mem>>) {add = true}
      %dma_start3A_85 = arith.constant 6 : i32
      %dma_start3A_86 = arith.constant 480 : i32
      %dma_start3A_87 = tpu.memref_slice %arg7[%dma_start3A_86] : memref<2000xf32, #tpu.memory_space<vmem>> -> memref<80xf32, #tpu.memory_space<vmem>>
      %dma_start3A_88 = arith.constant 0 : i32
      %dma_start3A_89 = tpu.memref_slice %arg8[%dma_start3A_85, %dma_start3A_88] : memref<25x80xi32, #tpu.memory_space<vmem>> -> memref<1x80xi32, #tpu.memory_space<vmem>>
      %dma_start3A_90 = tpu.memref_squeeze %dma_start3A_89 : memref<1x80xi32, #tpu.memory_space<vmem>> -> memref<80xi32, #tpu.memory_space<vmem>>
      %dma_start3A_91 = arith.constant 0 : i32
      %dma_start3A_92 = tpu.memref_slice %arg13[%dma_start3A_91] : memref<1024000xf32, #tpu.memory_space<vmem_shared>> -> memref<1024000xf32, #tpu.memory_space<vmem_shared>>
      tpu.enqueue_indirect_dma source(%dma_start3A_87 : memref<80xf32, #tpu.memory_space<vmem>>) target(%dma_start3A_92 : memref<1024000xf32, #tpu.memory_space<vmem_shared>>) offsets(%dma_start3A_90 : memref<80xi32, #tpu.memory_space<vmem>>) semaphore(%arg18 : memref<!tpu.dma_semaphore, #tpu.memory_space<semaphore_mem>>) {add = true}
      %dma_start3A_93 = arith.constant 7 : i32
      %dma_start3A_94 = arith.constant 560 : i32
      %dma_start3A_95 = tpu.memref_slice %arg7[%dma_start3A_94] : memref<2000xf32, #tpu.memory_space<vmem>> -> memref<80xf32, #tpu.memory_space<vmem>>
      %dma_start3A_96 = arith.constant 0 : i32
      %dma_start3A_97 = tpu.memref_slice %arg8[%dma_start3A_93, %dma_start3A_96] : memref<25x80xi32, #tpu.memory_space<vmem>> -> memref<1x80xi32, #tpu.memory_space<vmem>>
      %dma_start3A_98 = tpu.memref_squeeze %dma_start3A_97 : memref<1x80xi32, #tpu.memory_space<vmem>> -> memref<80xi32, #tpu.memory_space<vmem>>
      %dma_start3A_99 = arith.constant 0 : i32
      %dma_start3A_100 = tpu.memref_slice %arg13[%dma_start3A_99] : memref<1024000xf32, #tpu.memory_space<vmem_shared>> -> memref<1024000xf32, #tpu.memory_space<vmem_shared>>
      tpu.enqueue_indirect_dma source(%dma_start3A_95 : memref<80xf32, #tpu.memory_space<vmem>>) target(%dma_start3A_100 : memref<1024000xf32, #tpu.memory_space<vmem_shared>>) offsets(%dma_start3A_98 : memref<80xi32, #tpu.memory_space<vmem>>) semaphore(%arg18 : memref<!tpu.dma_semaphore, #tpu.memory_space<semaphore_mem>>) {add = true}
      %dma_start3A_101 = arith.constant 8 : i32
      %dma_start3A_102 = arith.constant 640 : i32
      %dma_start3A_103 = tpu.memref_slice %arg7[%dma_start3A_102] : memref<2000xf32, #tpu.memory_space<vmem>> -> memref<80xf32, #tpu.memory_space<vmem>>
      %dma_start3A_104 = arith.constant 0 : i32
      %dma_start3A_105 = tpu.memref_slice %arg8[%dma_start3A_101, %dma_start3A_104] : memref<25x80xi32, #tpu.memory_space<vmem>> -> memref<1x80xi32, #tpu.memory_space<vmem>>
      %dma_start3A_106 = tpu.memref_squeeze %dma_start3A_105 : memref<1x80xi32, #tpu.memory_space<vmem>> -> memref<80xi32, #tpu.memory_space<vmem>>
      %dma_start3A_107 = arith.constant 0 : i32
      %dma_start3A_108 = tpu.memref_slice %arg13[%dma_start3A_107] : memref<1024000xf32, #tpu.memory_space<vmem_shared>> -> memref<1024000xf32, #tpu.memory_space<vmem_shared>>
      tpu.enqueue_indirect_dma source(%dma_start3A_103 : memref<80xf32, #tpu.memory_space<vmem>>) target(%dma_start3A_108 : memref<1024000xf32, #tpu.memory_space<vmem_shared>>) offsets(%dma_start3A_106 : memref<80xi32, #tpu.memory_space<vmem>>) semaphore(%arg18 : memref<!tpu.dma_semaphore, #tpu.memory_space<semaphore_mem>>) {add = true}
      %dma_start3A_109 = arith.constant 9 : i32
      %dma_start3A_110 = arith.constant 720 : i32
      %dma_start3A_111 = tpu.memref_slice %arg7[%dma_start3A_110] : memref<2000xf32, #tpu.memory_space<vmem>> -> memref<80xf32, #tpu.memory_space<vmem>>
      %dma_start3A_112 = arith.constant 0 : i32
      %dma_start3A_113 = tpu.memref_slice %arg8[%dma_start3A_109, %dma_start3A_112] : memref<25x80xi32, #tpu.memory_space<vmem>> -> memref<1x80xi32, #tpu.memory_space<vmem>>
      %dma_start3A_114 = tpu.memref_squeeze %dma_start3A_113 : memref<1x80xi32, #tpu.memory_space<vmem>> -> memref<80xi32, #tpu.memory_space<vmem>>
      %dma_start3A_115 = arith.constant 0 : i32
      %dma_start3A_116 = tpu.memref_slice %arg13[%dma_start3A_115] : memref<1024000xf32, #tpu.memory_space<vmem_shared>> -> memref<1024000xf32, #tpu.memory_space<vmem_shared>>
      tpu.enqueue_indirect_dma source(%dma_start3A_111 : memref<80xf32, #tpu.memory_space<vmem>>) target(%dma_start3A_116 : memref<1024000xf32, #tpu.memory_space<vmem_shared>>) offsets(%dma_start3A_114 : memref<80xi32, #tpu.memory_space<vmem>>) semaphore(%arg18 : memref<!tpu.dma_semaphore, #tpu.memory_space<semaphore_mem>>) {add = true}
      %dma_start3A_117 = arith.constant 10 : i32
      %dma_start3A_118 = arith.constant 800 : i32
      %dma_start3A_119 = tpu.memref_slice %arg7[%dma_start3A_118] : memref<2000xf32, #tpu.memory_space<vmem>> -> memref<80xf32, #tpu.memory_space<vmem>>
      %dma_start3A_120 = arith.constant 0 : i32
      %dma_start3A_121 = tpu.memref_slice %arg8[%dma_start3A_117, %dma_start3A_120] : memref<25x80xi32, #tpu.memory_space<vmem>> -> memref<1x80xi32, #tpu.memory_space<vmem>>
      %dma_start3A_122 = tpu.memref_squeeze %dma_start3A_121 : memref<1x80xi32, #tpu.memory_space<vmem>> -> memref<80xi32, #tpu.memory_space<vmem>>
      %dma_start3A_123 = arith.constant 0 : i32
      %dma_start3A_124 = tpu.memref_slice %arg13[%dma_start3A_123] : memref<1024000xf32, #tpu.memory_space<vmem_shared>> -> memref<1024000xf32, #tpu.memory_space<vmem_shared>>
      tpu.enqueue_indirect_dma source(%dma_start3A_119 : memref<80xf32, #tpu.memory_space<vmem>>) target(%dma_start3A_124 : memref<1024000xf32, #tpu.memory_space<vmem_shared>>) offsets(%dma_start3A_122 : memref<80xi32, #tpu.memory_space<vmem>>) semaphore(%arg18 : memref<!tpu.dma_semaphore, #tpu.memory_space<semaphore_mem>>) {add = true}
      %dma_start3A_125 = arith.constant 11 : i32
      %dma_start3A_126 = arith.constant 880 : i32
      %dma_start3A_127 = tpu.memref_slice %arg7[%dma_start3A_126] : memref<2000xf32, #tpu.memory_space<vmem>> -> memref<80xf32, #tpu.memory_space<vmem>>
      %dma_start3A_128 = arith.constant 0 : i32
      %dma_start3A_129 = tpu.memref_slice %arg8[%dma_start3A_125, %dma_start3A_128] : memref<25x80xi32, #tpu.memory_space<vmem>> -> memref<1x80xi32, #tpu.memory_space<vmem>>
      %dma_start3A_130 = tpu.memref_squeeze %dma_start3A_129 : memref<1x80xi32, #tpu.memory_space<vmem>> -> memref<80xi32, #tpu.memory_space<vmem>>
      %dma_start3A_131 = arith.constant 0 : i32
      %dma_start3A_132 = tpu.memref_slice %arg13[%dma_start3A_131] : memref<1024000xf32, #tpu.memory_space<vmem_shared>> -> memref<1024000xf32, #tpu.memory_space<vmem_shared>>
      tpu.enqueue_indirect_dma source(%dma_start3A_127 : memref<80xf32, #tpu.memory_space<vmem>>) target(%dma_start3A_132 : memref<1024000xf32, #tpu.memory_space<vmem_shared>>) offsets(%dma_start3A_130 : memref<80xi32, #tpu.memory_space<vmem>>) semaphore(%arg18 : memref<!tpu.dma_semaphore, #tpu.memory_space<semaphore_mem>>) {add = true}
      %dma_start3A_133 = arith.constant 12 : i32
      %dma_start3A_134 = arith.constant 960 : i32
      %dma_start3A_135 = tpu.memref_slice %arg7[%dma_start3A_134] : memref<2000xf32, #tpu.memory_space<vmem>> -> memref<80xf32, #tpu.memory_space<vmem>>
      %dma_start3A_136 = arith.constant 0 : i32
      %dma_start3A_137 = tpu.memref_slice %arg8[%dma_start3A_133, %dma_start3A_136] : memref<25x80xi32, #tpu.memory_space<vmem>> -> memref<1x80xi32, #tpu.memory_space<vmem>>
      %dma_start3A_138 = tpu.memref_squeeze %dma_start3A_137 : memref<1x80xi32, #tpu.memory_space<vmem>> -> memref<80xi32, #tpu.memory_space<vmem>>
      %dma_start3A_139 = arith.constant 0 : i32
      %dma_start3A_140 = tpu.memref_slice %arg13[%dma_start3A_139] : memref<1024000xf32, #tpu.memory_space<vmem_shared>> -> memref<1024000xf32, #tpu.memory_space<vmem_shared>>
      tpu.enqueue_indirect_dma source(%dma_start3A_135 : memref<80xf32, #tpu.memory_space<vmem>>) target(%dma_start3A_140 : memref<1024000xf32, #tpu.memory_space<vmem_shared>>) offsets(%dma_start3A_138 : memref<80xi32, #tpu.memory_space<vmem>>) semaphore(%arg18 : memref<!tpu.dma_semaphore, #tpu.memory_space<semaphore_mem>>) {add = true}
      %dma_start3A_141 = arith.constant 13 : i32
      %dma_start3A_142 = arith.constant 1040 : i32
      %dma_start3A_143 = tpu.memref_slice %arg7[%dma_start3A_142] : memref<2000xf32, #tpu.memory_space<vmem>> -> memref<80xf32, #tpu.memory_space<vmem>>
      %dma_start3A_144 = arith.constant 0 : i32
      %dma_start3A_145 = tpu.memref_slice %arg8[%dma_start3A_141, %dma_start3A_144] : memref<25x80xi32, #tpu.memory_space<vmem>> -> memref<1x80xi32, #tpu.memory_space<vmem>>
      %dma_start3A_146 = tpu.memref_squeeze %dma_start3A_145 : memref<1x80xi32, #tpu.memory_space<vmem>> -> memref<80xi32, #tpu.memory_space<vmem>>
      %dma_start3A_147 = arith.constant 0 : i32
      %dma_start3A_148 = tpu.memref_slice %arg13[%dma_start3A_147] : memref<1024000xf32, #tpu.memory_space<vmem_shared>> -> memref<1024000xf32, #tpu.memory_space<vmem_shared>>
      tpu.enqueue_indirect_dma source(%dma_start3A_143 : memref<80xf32, #tpu.memory_space<vmem>>) target(%dma_start3A_148 : memref<1024000xf32, #tpu.memory_space<vmem_shared>>) offsets(%dma_start3A_146 : memref<80xi32, #tpu.memory_space<vmem>>) semaphore(%arg18 : memref<!tpu.dma_semaphore, #tpu.memory_space<semaphore_mem>>) {add = true}
      %dma_start3A_149 = arith.constant 14 : i32
      %dma_start3A_150 = arith.constant 1120 : i32
      %dma_start3A_151 = tpu.memref_slice %arg7[%dma_start3A_150] : memref<2000xf32, #tpu.memory_space<vmem>> -> memref<80xf32, #tpu.memory_space<vmem>>
      %dma_start3A_152 = arith.constant 0 : i32
      %dma_start3A_153 = tpu.memref_slice %arg8[%dma_start3A_149, %dma_start3A_152] : memref<25x80xi32, #tpu.memory_space<vmem>> -> memref<1x80xi32, #tpu.memory_space<vmem>>
      %dma_start3A_154 = tpu.memref_squeeze %dma_start3A_153 : memref<1x80xi32, #tpu.memory_space<vmem>> -> memref<80xi32, #tpu.memory_space<vmem>>
      %dma_start3A_155 = arith.constant 0 : i32
      %dma_start3A_156 = tpu.memref_slice %arg13[%dma_start3A_155] : memref<1024000xf32, #tpu.memory_space<vmem_shared>> -> memref<1024000xf32, #tpu.memory_space<vmem_shared>>
      tpu.enqueue_indirect_dma source(%dma_start3A_151 : memref<80xf32, #tpu.memory_space<vmem>>) target(%dma_start3A_156 : memref<1024000xf32, #tpu.memory_space<vmem_shared>>) offsets(%dma_start3A_154 : memref<80xi32, #tpu.memory_space<vmem>>) semaphore(%arg18 : memref<!tpu.dma_semaphore, #tpu.memory_space<semaphore_mem>>) {add = true}
      %dma_start3A_157 = arith.constant 15 : i32
      %dma_start3A_158 = arith.constant 1200 : i32
      %dma_start3A_159 = tpu.memref_slice %arg7[%dma_start3A_158] : memref<2000xf32, #tpu.memory_space<vmem>> -> memref<80xf32, #tpu.memory_space<vmem>>
      %dma_start3A_160 = arith.constant 0 : i32
      %dma_start3A_161 = tpu.memref_slice %arg8[%dma_start3A_157, %dma_start3A_160] : memref<25x80xi32, #tpu.memory_space<vmem>> -> memref<1x80xi32, #tpu.memory_space<vmem>>
      %dma_start3A_162 = tpu.memref_squeeze %dma_start3A_161 : memref<1x80xi32, #tpu.memory_space<vmem>> -> memref<80xi32, #tpu.memory_space<vmem>>
      %dma_start3A_163 = arith.constant 0 : i32
      %dma_start3A_164 = tpu.memref_slice %arg13[%dma_start3A_163] : memref<1024000xf32, #tpu.memory_space<vmem_shared>> -> memref<1024000xf32, #tpu.memory_space<vmem_shared>>
      tpu.enqueue_indirect_dma source(%dma_start3A_159 : memref<80xf32, #tpu.memory_space<vmem>>) target(%dma_start3A_164 : memref<1024000xf32, #tpu.memory_space<vmem_shared>>) offsets(%dma_start3A_162 : memref<80xi32, #tpu.memory_space<vmem>>) semaphore(%arg18 : memref<!tpu.dma_semaphore, #tpu.memory_space<semaphore_mem>>) {add = true}
      %dma_start3A_165 = arith.constant 16 : i32
      %dma_start3A_166 = arith.constant 1280 : i32
      %dma_start3A_167 = tpu.memref_slice %arg7[%dma_start3A_166] : memref<2000xf32, #tpu.memory_space<vmem>> -> memref<80xf32, #tpu.memory_space<vmem>>
      %dma_start3A_168 = arith.constant 0 : i32
      %dma_start3A_169 = tpu.memref_slice %arg8[%dma_start3A_165, %dma_start3A_168] : memref<25x80xi32, #tpu.memory_space<vmem>> -> memref<1x80xi32, #tpu.memory_space<vmem>>
      %dma_start3A_170 = tpu.memref_squeeze %dma_start3A_169 : memref<1x80xi32, #tpu.memory_space<vmem>> -> memref<80xi32, #tpu.memory_space<vmem>>
      %dma_start3A_171 = arith.constant 0 : i32
      %dma_start3A_172 = tpu.memref_slice %arg13[%dma_start3A_171] : memref<1024000xf32, #tpu.memory_space<vmem_shared>> -> memref<1024000xf32, #tpu.memory_space<vmem_shared>>
      tpu.enqueue_indirect_dma source(%dma_start3A_167 : memref<80xf32, #tpu.memory_space<vmem>>) target(%dma_start3A_172 : memref<1024000xf32, #tpu.memory_space<vmem_shared>>) offsets(%dma_start3A_170 : memref<80xi32, #tpu.memory_space<vmem>>) semaphore(%arg18 : memref<!tpu.dma_semaphore, #tpu.memory_space<semaphore_mem>>) {add = true}
      %dma_start3A_173 = arith.constant 17 : i32
      %dma_start3A_174 = arith.constant 1360 : i32
      %dma_start3A_175 = tpu.memref_slice %arg7[%dma_start3A_174] : memref<2000xf32, #tpu.memory_space<vmem>> -> memref<80xf32, #tpu.memory_space<vmem>>
      %dma_start3A_176 = arith.constant 0 : i32
      %dma_start3A_177 = tpu.memref_slice %arg8[%dma_start3A_173, %dma_start3A_176] : memref<25x80xi32, #tpu.memory_space<vmem>> -> memref<1x80xi32, #tpu.memory_space<vmem>>
      %dma_start3A_178 = tpu.memref_squeeze %dma_start3A_177 : memref<1x80xi32, #tpu.memory_space<vmem>> -> memref<80xi32, #tpu.memory_space<vmem>>
      %dma_start3A_179 = arith.constant 0 : i32
      %dma_start3A_180 = tpu.memref_slice %arg13[%dma_start3A_179] : memref<1024000xf32, #tpu.memory_space<vmem_shared>> -> memref<1024000xf32, #tpu.memory_space<vmem_shared>>
      tpu.enqueue_indirect_dma source(%dma_start3A_175 : memref<80xf32, #tpu.memory_space<vmem>>) target(%dma_start3A_180 : memref<1024000xf32, #tpu.memory_space<vmem_shared>>) offsets(%dma_start3A_178 : memref<80xi32, #tpu.memory_space<vmem>>) semaphore(%arg18 : memref<!tpu.dma_semaphore, #tpu.memory_space<semaphore_mem>>) {add = true}
      %dma_start3A_181 = arith.constant 18 : i32
      %dma_start3A_182 = arith.constant 1440 : i32
      %dma_start3A_183 = tpu.memref_slice %arg7[%dma_start3A_182] : memref<2000xf32, #tpu.memory_space<vmem>> -> memref<80xf32, #tpu.memory_space<vmem>>
      %dma_start3A_184 = arith.constant 0 : i32
      %dma_start3A_185 = tpu.memref_slice %arg8[%dma_start3A_181, %dma_start3A_184] : memref<25x80xi32, #tpu.memory_space<vmem>> -> memref<1x80xi32, #tpu.memory_space<vmem>>
      %dma_start3A_186 = tpu.memref_squeeze %dma_start3A_185 : memref<1x80xi32, #tpu.memory_space<vmem>> -> memref<80xi32, #tpu.memory_space<vmem>>
      %dma_start3A_187 = arith.constant 0 : i32
      %dma_start3A_188 = tpu.memref_slice %arg13[%dma_start3A_187] : memref<1024000xf32, #tpu.memory_space<vmem_shared>> -> memref<1024000xf32, #tpu.memory_space<vmem_shared>>
      tpu.enqueue_indirect_dma source(%dma_start3A_183 : memref<80xf32, #tpu.memory_space<vmem>>) target(%dma_start3A_188 : memref<1024000xf32, #tpu.memory_space<vmem_shared>>) offsets(%dma_start3A_186 : memref<80xi32, #tpu.memory_space<vmem>>) semaphore(%arg18 : memref<!tpu.dma_semaphore, #tpu.memory_space<semaphore_mem>>) {add = true}
      %dma_start3A_189 = arith.constant 19 : i32
      %dma_start3A_190 = arith.constant 1520 : i32
      %dma_start3A_191 = tpu.memref_slice %arg7[%dma_start3A_190] : memref<2000xf32, #tpu.memory_space<vmem>> -> memref<80xf32, #tpu.memory_space<vmem>>
      %dma_start3A_192 = arith.constant 0 : i32
      %dma_start3A_193 = tpu.memref_slice %arg8[%dma_start3A_189, %dma_start3A_192] : memref<25x80xi32, #tpu.memory_space<vmem>> -> memref<1x80xi32, #tpu.memory_space<vmem>>
      %dma_start3A_194 = tpu.memref_squeeze %dma_start3A_193 : memref<1x80xi32, #tpu.memory_space<vmem>> -> memref<80xi32, #tpu.memory_space<vmem>>
      %dma_start3A_195 = arith.constant 0 : i32
      %dma_start3A_196 = tpu.memref_slice %arg13[%dma_start3A_195] : memref<1024000xf32, #tpu.memory_space<vmem_shared>> -> memref<1024000xf32, #tpu.memory_space<vmem_shared>>
      tpu.enqueue_indirect_dma source(%dma_start3A_191 : memref<80xf32, #tpu.memory_space<vmem>>) target(%dma_start3A_196 : memref<1024000xf32, #tpu.memory_space<vmem_shared>>) offsets(%dma_start3A_194 : memref<80xi32, #tpu.memory_space<vmem>>) semaphore(%arg18 : memref<!tpu.dma_semaphore, #tpu.memory_space<semaphore_mem>>) {add = true}
      %dma_start3A_197 = arith.constant 20 : i32
      %dma_start3A_198 = arith.constant 1600 : i32
      %dma_start3A_199 = tpu.memref_slice %arg7[%dma_start3A_198] : memref<2000xf32, #tpu.memory_space<vmem>> -> memref<80xf32, #tpu.memory_space<vmem>>
      %dma_start3A_200 = arith.constant 0 : i32
      %dma_start3A_201 = tpu.memref_slice %arg8[%dma_start3A_197, %dma_start3A_200] : memref<25x80xi32, #tpu.memory_space<vmem>> -> memref<1x80xi32, #tpu.memory_space<vmem>>
      %dma_start3A_202 = tpu.memref_squeeze %dma_start3A_201 : memref<1x80xi32, #tpu.memory_space<vmem>> -> memref<80xi32, #tpu.memory_space<vmem>>
      %dma_start3A_203 = arith.constant 0 : i32
      %dma_start3A_204 = tpu.memref_slice %arg13[%dma_start3A_203] : memref<1024000xf32, #tpu.memory_space<vmem_shared>> -> memref<1024000xf32, #tpu.memory_space<vmem_shared>>
      tpu.enqueue_indirect_dma source(%dma_start3A_199 : memref<80xf32, #tpu.memory_space<vmem>>) target(%dma_start3A_204 : memref<1024000xf32, #tpu.memory_space<vmem_shared>>) offsets(%dma_start3A_202 : memref<80xi32, #tpu.memory_space<vmem>>) semaphore(%arg18 : memref<!tpu.dma_semaphore, #tpu.memory_space<semaphore_mem>>) {add = true}
      %dma_start3A_205 = arith.constant 21 : i32
      %dma_start3A_206 = arith.constant 1680 : i32
      %dma_start3A_207 = tpu.memref_slice %arg7[%dma_start3A_206] : memref<2000xf32, #tpu.memory_space<vmem>> -> memref<80xf32, #tpu.memory_space<vmem>>
      %dma_start3A_208 = arith.constant 0 : i32
      %dma_start3A_209 = tpu.memref_slice %arg8[%dma_start3A_205, %dma_start3A_208] : memref<25x80xi32, #tpu.memory_space<vmem>> -> memref<1x80xi32, #tpu.memory_space<vmem>>
      %dma_start3A_210 = tpu.memref_squeeze %dma_start3A_209 : memref<1x80xi32, #tpu.memory_space<vmem>> -> memref<80xi32, #tpu.memory_space<vmem>>
      %dma_start3A_211 = arith.constant 0 : i32
      %dma_start3A_212 = tpu.memref_slice %arg13[%dma_start3A_211] : memref<1024000xf32, #tpu.memory_space<vmem_shared>> -> memref<1024000xf32, #tpu.memory_space<vmem_shared>>
      tpu.enqueue_indirect_dma source(%dma_start3A_207 : memref<80xf32, #tpu.memory_space<vmem>>) target(%dma_start3A_212 : memref<1024000xf32, #tpu.memory_space<vmem_shared>>) offsets(%dma_start3A_210 : memref<80xi32, #tpu.memory_space<vmem>>) semaphore(%arg18 : memref<!tpu.dma_semaphore, #tpu.memory_space<semaphore_mem>>) {add = true}
      %dma_start3A_213 = arith.constant 22 : i32
      %dma_start3A_214 = arith.constant 1760 : i32
      %dma_start3A_215 = tpu.memref_slice %arg7[%dma_start3A_214] : memref<2000xf32, #tpu.memory_space<vmem>> -> memref<80xf32, #tpu.memory_space<vmem>>
      %dma_start3A_216 = arith.constant 0 : i32
      %dma_start3A_217 = tpu.memref_slice %arg8[%dma_start3A_213, %dma_start3A_216] : memref<25x80xi32, #tpu.memory_space<vmem>> -> memref<1x80xi32, #tpu.memory_space<vmem>>
      %dma_start3A_218 = tpu.memref_squeeze %dma_start3A_217 : memref<1x80xi32, #tpu.memory_space<vmem>> -> memref<80xi32, #tpu.memory_space<vmem>>
      %dma_start3A_219 = arith.constant 0 : i32
      %dma_start3A_220 = tpu.memref_slice %arg13[%dma_start3A_219] : memref<1024000xf32, #tpu.memory_space<vmem_shared>> -> memref<1024000xf32, #tpu.memory_space<vmem_shared>>
      tpu.enqueue_indirect_dma source(%dma_start3A_215 : memref<80xf32, #tpu.memory_space<vmem>>) target(%dma_start3A_220 : memref<1024000xf32, #tpu.memory_space<vmem_shared>>) offsets(%dma_start3A_218 : memref<80xi32, #tpu.memory_space<vmem>>) semaphore(%arg18 : memref<!tpu.dma_semaphore, #tpu.memory_space<semaphore_mem>>) {add = true}
      %dma_start3A_221 = arith.constant 23 : i32
      %dma_start3A_222 = arith.constant 1840 : i32
      %dma_start3A_223 = tpu.memref_slice %arg7[%dma_start3A_222] : memref<2000xf32, #tpu.memory_space<vmem>> -> memref<80xf32, #tpu.memory_space<vmem>>
      %dma_start3A_224 = arith.constant 0 : i32
      %dma_start3A_225 = tpu.memref_slice %arg8[%dma_start3A_221, %dma_start3A_224] : memref<25x80xi32, #tpu.memory_space<vmem>> -> memref<1x80xi32, #tpu.memory_space<vmem>>
      %dma_start3A_226 = tpu.memref_squeeze %dma_start3A_225 : memref<1x80xi32, #tpu.memory_space<vmem>> -> memref<80xi32, #tpu.memory_space<vmem>>
      %dma_start3A_227 = arith.constant 0 : i32
      %dma_start3A_228 = tpu.memref_slice %arg13[%dma_start3A_227] : memref<1024000xf32, #tpu.memory_space<vmem_shared>> -> memref<1024000xf32, #tpu.memory_space<vmem_shared>>
      tpu.enqueue_indirect_dma source(%dma_start3A_223 : memref<80xf32, #tpu.memory_space<vmem>>) target(%dma_start3A_228 : memref<1024000xf32, #tpu.memory_space<vmem_shared>>) offsets(%dma_start3A_226 : memref<80xi32, #tpu.memory_space<vmem>>) semaphore(%arg18 : memref<!tpu.dma_semaphore, #tpu.memory_space<semaphore_mem>>) {add = true}
      %dma_start3A_229 = arith.constant 24 : i32
      %dma_start3A_230 = arith.constant 1920 : i32
      %dma_start3A_231 = tpu.memref_slice %arg7[%dma_start3A_230] : memref<2000xf32, #tpu.memory_space<vmem>> -> memref<80xf32, #tpu.memory_space<vmem>>
      %dma_start3A_232 = arith.constant 0 : i32
      %dma_start3A_233 = tpu.memref_slice %arg8[%dma_start3A_229, %dma_start3A_232] : memref<25x80xi32, #tpu.memory_space<vmem>> -> memref<1x80xi32, #tpu.memory_space<vmem>>
      %dma_start3A_234 = tpu.memref_squeeze %dma_start3A_233 : memref<1x80xi32, #tpu.memory_space<vmem>> -> memref<80xi32, #tpu.memory_space<vmem>>
      %dma_start3A_235 = arith.constant 0 : i32
      %dma_start3A_236 = tpu.memref_slice %arg13[%dma_start3A_235] : memref<1024000xf32, #tpu.memory_space<vmem_shared>> -> memref<1024000xf32, #tpu.memory_space<vmem_shared>>
      tpu.enqueue_indirect_dma source(%dma_start3A_231 : memref<80xf32, #tpu.memory_space<vmem>>) target(%dma_start3A_236 : memref<1024000xf32, #tpu.memory_space<vmem_shared>>) offsets(%dma_start3A_234 : memref<80xi32, #tpu.memory_space<vmem>>) semaphore(%arg18 : memref<!tpu.dma_semaphore, #tpu.memory_space<semaphore_mem>>) {add = true}
      %dma_wait3A = arith.constant 0 : i32
      %dma_wait3A_237 = arith.constant 0 : i32
      %dma_wait3A_238 = tpu.memref_slice %arg7[%dma_wait3A_237] : memref<2000xf32, #tpu.memory_space<vmem>> -> memref<80xf32, #tpu.memory_space<vmem>>
      %dma_wait3A_239 = arith.constant 0 : i32
      %dma_wait3A_240 = tpu.memref_slice %arg8[%dma_wait3A, %dma_wait3A_239] : memref<25x80xi32, #tpu.memory_space<vmem>> -> memref<1x80xi32, #tpu.memory_space<vmem>>
      %dma_wait3A_241 = tpu.memref_squeeze %dma_wait3A_240 : memref<1x80xi32, #tpu.memory_space<vmem>> -> memref<80xi32, #tpu.memory_space<vmem>>
      %dma_wait3A_242 = arith.constant 0 : i32
      %dma_wait3A_243 = tpu.memref_slice %arg13[%dma_wait3A_242] : memref<1024000xf32, #tpu.memory_space<vmem_shared>> -> memref<1024000xf32, #tpu.memory_space<vmem_shared>>
      tpu.wait_indirect_dma semaphore(%arg18 : memref<!tpu.dma_semaphore, #tpu.memory_space<semaphore_mem>>) src(%dma_wait3A_238 : memref<80xf32, #tpu.memory_space<vmem>>) dst(%dma_wait3A_243 : memref<1024000xf32, #tpu.memory_space<vmem_shared>>)
      %dma_wait3A_244 = arith.constant 1 : i32
      %dma_wait3A_245 = arith.constant 80 : i32
      %dma_wait3A_246 = tpu.memref_slice %arg7[%dma_wait3A_245] : memref<2000xf32, #tpu.memory_space<vmem>> -> memref<80xf32, #tpu.memory_space<vmem>>
      %dma_wait3A_247 = arith.constant 0 : i32
      %dma_wait3A_248 = tpu.memref_slice %arg8[%dma_wait3A_244, %dma_wait3A_247] : memref<25x80xi32, #tpu.memory_space<vmem>> -> memref<1x80xi32, #tpu.memory_space<vmem>>
      %dma_wait3A_249 = tpu.memref_squeeze %dma_wait3A_248 : memref<1x80xi32, #tpu.memory_space<vmem>> -> memref<80xi32, #tpu.memory_space<vmem>>
      %dma_wait3A_250 = arith.constant 0 : i32
      %dma_wait3A_251 = tpu.memref_slice %arg13[%dma_wait3A_250] : memref<1024000xf32, #tpu.memory_space<vmem_shared>> -> memref<1024000xf32, #tpu.memory_space<vmem_shared>>
      tpu.wait_indirect_dma semaphore(%arg18 : memref<!tpu.dma_semaphore, #tpu.memory_space<semaphore_mem>>) src(%dma_wait3A_246 : memref<80xf32, #tpu.memory_space<vmem>>) dst(%dma_wait3A_251 : memref<1024000xf32, #tpu.memory_space<vmem_shared>>)
      %dma_wait3A_252 = arith.constant 2 : i32
      %dma_wait3A_253 = arith.constant 160 : i32
      %dma_wait3A_254 = tpu.memref_slice %arg7[%dma_wait3A_253] : memref<2000xf32, #tpu.memory_space<vmem>> -> memref<80xf32, #tpu.memory_space<vmem>>
      %dma_wait3A_255 = arith.constant 0 : i32
      %dma_wait3A_256 = tpu.memref_slice %arg8[%dma_wait3A_252, %dma_wait3A_255] : memref<25x80xi32, #tpu.memory_space<vmem>> -> memref<1x80xi32, #tpu.memory_space<vmem>>
      %dma_wait3A_257 = tpu.memref_squeeze %dma_wait3A_256 : memref<1x80xi32, #tpu.memory_space<vmem>> -> memref<80xi32, #tpu.memory_space<vmem>>
      %dma_wait3A_258 = arith.constant 0 : i32
      %dma_wait3A_259 = tpu.memref_slice %arg13[%dma_wait3A_258] : memref<1024000xf32, #tpu.memory_space<vmem_shared>> -> memref<1024000xf32, #tpu.memory_space<vmem_shared>>
      tpu.wait_indirect_dma semaphore(%arg18 : memref<!tpu.dma_semaphore, #tpu.memory_space<semaphore_mem>>) src(%dma_wait3A_254 : memref<80xf32, #tpu.memory_space<vmem>>) dst(%dma_wait3A_259 : memref<1024000xf32, #tpu.memory_space<vmem_shared>>)
      %dma_wait3A_260 = arith.constant 3 : i32
      %dma_wait3A_261 = arith.constant 240 : i32
      %dma_wait3A_262 = tpu.memref_slice %arg7[%dma_wait3A_261] : memref<2000xf32, #tpu.memory_space<vmem>> -> memref<80xf32, #tpu.memory_space<vmem>>
      %dma_wait3A_263 = arith.constant 0 : i32
      %dma_wait3A_264 = tpu.memref_slice %arg8[%dma_wait3A_260, %dma_wait3A_263] : memref<25x80xi32, #tpu.memory_space<vmem>> -> memref<1x80xi32, #tpu.memory_space<vmem>>
      %dma_wait3A_265 = tpu.memref_squeeze %dma_wait3A_264 : memref<1x80xi32, #tpu.memory_space<vmem>> -> memref<80xi32, #tpu.memory_space<vmem>>
      %dma_wait3A_266 = arith.constant 0 : i32
      %dma_wait3A_267 = tpu.memref_slice %arg13[%dma_wait3A_266] : memref<1024000xf32, #tpu.memory_space<vmem_shared>> -> memref<1024000xf32, #tpu.memory_space<vmem_shared>>
      tpu.wait_indirect_dma semaphore(%arg18 : memref<!tpu.dma_semaphore, #tpu.memory_space<semaphore_mem>>) src(%dma_wait3A_262 : memref<80xf32, #tpu.memory_space<vmem>>) dst(%dma_wait3A_267 : memref<1024000xf32, #tpu.memory_space<vmem_shared>>)
      %dma_wait3A_268 = arith.constant 4 : i32
      %dma_wait3A_269 = arith.constant 320 : i32
      %dma_wait3A_270 = tpu.memref_slice %arg7[%dma_wait3A_269] : memref<2000xf32, #tpu.memory_space<vmem>> -> memref<80xf32, #tpu.memory_space<vmem>>
      %dma_wait3A_271 = arith.constant 0 : i32
      %dma_wait3A_272 = tpu.memref_slice %arg8[%dma_wait3A_268, %dma_wait3A_271] : memref<25x80xi32, #tpu.memory_space<vmem>> -> memref<1x80xi32, #tpu.memory_space<vmem>>
      %dma_wait3A_273 = tpu.memref_squeeze %dma_wait3A_272 : memref<1x80xi32, #tpu.memory_space<vmem>> -> memref<80xi32, #tpu.memory_space<vmem>>
      %dma_wait3A_274 = arith.constant 0 : i32
      %dma_wait3A_275 = tpu.memref_slice %arg13[%dma_wait3A_274] : memref<1024000xf32, #tpu.memory_space<vmem_shared>> -> memref<1024000xf32, #tpu.memory_space<vmem_shared>>
      tpu.wait_indirect_dma semaphore(%arg18 : memref<!tpu.dma_semaphore, #tpu.memory_space<semaphore_mem>>) src(%dma_wait3A_270 : memref<80xf32, #tpu.memory_space<vmem>>) dst(%dma_wait3A_275 : memref<1024000xf32, #tpu.memory_space<vmem_shared>>)
      %dma_wait3A_276 = arith.constant 5 : i32
      %dma_wait3A_277 = arith.constant 400 : i32
      %dma_wait3A_278 = tpu.memref_slice %arg7[%dma_wait3A_277] : memref<2000xf32, #tpu.memory_space<vmem>> -> memref<80xf32, #tpu.memory_space<vmem>>
      %dma_wait3A_279 = arith.constant 0 : i32
      %dma_wait3A_280 = tpu.memref_slice %arg8[%dma_wait3A_276, %dma_wait3A_279] : memref<25x80xi32, #tpu.memory_space<vmem>> -> memref<1x80xi32, #tpu.memory_space<vmem>>
      %dma_wait3A_281 = tpu.memref_squeeze %dma_wait3A_280 : memref<1x80xi32, #tpu.memory_space<vmem>> -> memref<80xi32, #tpu.memory_space<vmem>>
      %dma_wait3A_282 = arith.constant 0 : i32
      %dma_wait3A_283 = tpu.memref_slice %arg13[%dma_wait3A_282] : memref<1024000xf32, #tpu.memory_space<vmem_shared>> -> memref<1024000xf32, #tpu.memory_space<vmem_shared>>
      tpu.wait_indirect_dma semaphore(%arg18 : memref<!tpu.dma_semaphore, #tpu.memory_space<semaphore_mem>>) src(%dma_wait3A_278 : memref<80xf32, #tpu.memory_space<vmem>>) dst(%dma_wait3A_283 : memref<1024000xf32, #tpu.memory_space<vmem_shared>>)
      %dma_wait3A_284 = arith.constant 6 : i32
      %dma_wait3A_285 = arith.constant 480 : i32
      %dma_wait3A_286 = tpu.memref_slice %arg7[%dma_wait3A_285] : memref<2000xf32, #tpu.memory_space<vmem>> -> memref<80xf32, #tpu.memory_space<vmem>>
      %dma_wait3A_287 = arith.constant 0 : i32
      %dma_wait3A_288 = tpu.memref_slice %arg8[%dma_wait3A_284, %dma_wait3A_287] : memref<25x80xi32, #tpu.memory_space<vmem>> -> memref<1x80xi32, #tpu.memory_space<vmem>>
      %dma_wait3A_289 = tpu.memref_squeeze %dma_wait3A_288 : memref<1x80xi32, #tpu.memory_space<vmem>> -> memref<80xi32, #tpu.memory_space<vmem>>
      %dma_wait3A_290 = arith.constant 0 : i32
      %dma_wait3A_291 = tpu.memref_slice %arg13[%dma_wait3A_290] : memref<1024000xf32, #tpu.memory_space<vmem_shared>> -> memref<1024000xf32, #tpu.memory_space<vmem_shared>>
      tpu.wait_indirect_dma semaphore(%arg18 : memref<!tpu.dma_semaphore, #tpu.memory_space<semaphore_mem>>) src(%dma_wait3A_286 : memref<80xf32, #tpu.memory_space<vmem>>) dst(%dma_wait3A_291 : memref<1024000xf32, #tpu.memory_space<vmem_shared>>)
      %dma_wait3A_292 = arith.constant 7 : i32
      %dma_wait3A_293 = arith.constant 560 : i32
      %dma_wait3A_294 = tpu.memref_slice %arg7[%dma_wait3A_293] : memref<2000xf32, #tpu.memory_space<vmem>> -> memref<80xf32, #tpu.memory_space<vmem>>
      %dma_wait3A_295 = arith.constant 0 : i32
      %dma_wait3A_296 = tpu.memref_slice %arg8[%dma_wait3A_292, %dma_wait3A_295] : memref<25x80xi32, #tpu.memory_space<vmem>> -> memref<1x80xi32, #tpu.memory_space<vmem>>
      %dma_wait3A_297 = tpu.memref_squeeze %dma_wait3A_296 : memref<1x80xi32, #tpu.memory_space<vmem>> -> memref<80xi32, #tpu.memory_space<vmem>>
      %dma_wait3A_298 = arith.constant 0 : i32
      %dma_wait3A_299 = tpu.memref_slice %arg13[%dma_wait3A_298] : memref<1024000xf32, #tpu.memory_space<vmem_shared>> -> memref<1024000xf32, #tpu.memory_space<vmem_shared>>
      tpu.wait_indirect_dma semaphore(%arg18 : memref<!tpu.dma_semaphore, #tpu.memory_space<semaphore_mem>>) src(%dma_wait3A_294 : memref<80xf32, #tpu.memory_space<vmem>>) dst(%dma_wait3A_299 : memref<1024000xf32, #tpu.memory_space<vmem_shared>>)
      %dma_wait3A_300 = arith.constant 8 : i32
      %dma_wait3A_301 = arith.constant 640 : i32
      %dma_wait3A_302 = tpu.memref_slice %arg7[%dma_wait3A_301] : memref<2000xf32, #tpu.memory_space<vmem>> -> memref<80xf32, #tpu.memory_space<vmem>>
      %dma_wait3A_303 = arith.constant 0 : i32
      %dma_wait3A_304 = tpu.memref_slice %arg8[%dma_wait3A_300, %dma_wait3A_303] : memref<25x80xi32, #tpu.memory_space<vmem>> -> memref<1x80xi32, #tpu.memory_space<vmem>>
      %dma_wait3A_305 = tpu.memref_squeeze %dma_wait3A_304 : memref<1x80xi32, #tpu.memory_space<vmem>> -> memref<80xi32, #tpu.memory_space<vmem>>
      %dma_wait3A_306 = arith.constant 0 : i32
      %dma_wait3A_307 = tpu.memref_slice %arg13[%dma_wait3A_306] : memref<1024000xf32, #tpu.memory_space<vmem_shared>> -> memref<1024000xf32, #tpu.memory_space<vmem_shared>>
      tpu.wait_indirect_dma semaphore(%arg18 : memref<!tpu.dma_semaphore, #tpu.memory_space<semaphore_mem>>) src(%dma_wait3A_302 : memref<80xf32, #tpu.memory_space<vmem>>) dst(%dma_wait3A_307 : memref<1024000xf32, #tpu.memory_space<vmem_shared>>)
      %dma_wait3A_308 = arith.constant 9 : i32
      %dma_wait3A_309 = arith.constant 720 : i32
      %dma_wait3A_310 = tpu.memref_slice %arg7[%dma_wait3A_309] : memref<2000xf32, #tpu.memory_space<vmem>> -> memref<80xf32, #tpu.memory_space<vmem>>
      %dma_wait3A_311 = arith.constant 0 : i32
      %dma_wait3A_312 = tpu.memref_slice %arg8[%dma_wait3A_308, %dma_wait3A_311] : memref<25x80xi32, #tpu.memory_space<vmem>> -> memref<1x80xi32, #tpu.memory_space<vmem>>
      %dma_wait3A_313 = tpu.memref_squeeze %dma_wait3A_312 : memref<1x80xi32, #tpu.memory_space<vmem>> -> memref<80xi32, #tpu.memory_space<vmem>>
      %dma_wait3A_314 = arith.constant 0 : i32
      %dma_wait3A_315 = tpu.memref_slice %arg13[%dma_wait3A_314] : memref<1024000xf32, #tpu.memory_space<vmem_shared>> -> memref<1024000xf32, #tpu.memory_space<vmem_shared>>
      tpu.wait_indirect_dma semaphore(%arg18 : memref<!tpu.dma_semaphore, #tpu.memory_space<semaphore_mem>>) src(%dma_wait3A_310 : memref<80xf32, #tpu.memory_space<vmem>>) dst(%dma_wait3A_315 : memref<1024000xf32, #tpu.memory_space<vmem_shared>>)
      %dma_wait3A_316 = arith.constant 10 : i32
      %dma_wait3A_317 = arith.constant 800 : i32
      %dma_wait3A_318 = tpu.memref_slice %arg7[%dma_wait3A_317] : memref<2000xf32, #tpu.memory_space<vmem>> -> memref<80xf32, #tpu.memory_space<vmem>>
      %dma_wait3A_319 = arith.constant 0 : i32
      %dma_wait3A_320 = tpu.memref_slice %arg8[%dma_wait3A_316, %dma_wait3A_319] : memref<25x80xi32, #tpu.memory_space<vmem>> -> memref<1x80xi32, #tpu.memory_space<vmem>>
      %dma_wait3A_321 = tpu.memref_squeeze %dma_wait3A_320 : memref<1x80xi32, #tpu.memory_space<vmem>> -> memref<80xi32, #tpu.memory_space<vmem>>
      %dma_wait3A_322 = arith.constant 0 : i32
      %dma_wait3A_323 = tpu.memref_slice %arg13[%dma_wait3A_322] : memref<1024000xf32, #tpu.memory_space<vmem_shared>> -> memref<1024000xf32, #tpu.memory_space<vmem_shared>>
      tpu.wait_indirect_dma semaphore(%arg18 : memref<!tpu.dma_semaphore, #tpu.memory_space<semaphore_mem>>) src(%dma_wait3A_318 : memref<80xf32, #tpu.memory_space<vmem>>) dst(%dma_wait3A_323 : memref<1024000xf32, #tpu.memory_space<vmem_shared>>)
      %dma_wait3A_324 = arith.constant 11 : i32
      %dma_wait3A_325 = arith.constant 880 : i32
      %dma_wait3A_326 = tpu.memref_slice %arg7[%dma_wait3A_325] : memref<2000xf32, #tpu.memory_space<vmem>> -> memref<80xf32, #tpu.memory_space<vmem>>
      %dma_wait3A_327 = arith.constant 0 : i32
      %dma_wait3A_328 = tpu.memref_slice %arg8[%dma_wait3A_324, %dma_wait3A_327] : memref<25x80xi32, #tpu.memory_space<vmem>> -> memref<1x80xi32, #tpu.memory_space<vmem>>
      %dma_wait3A_329 = tpu.memref_squeeze %dma_wait3A_328 : memref<1x80xi32, #tpu.memory_space<vmem>> -> memref<80xi32, #tpu.memory_space<vmem>>
      %dma_wait3A_330 = arith.constant 0 : i32
      %dma_wait3A_331 = tpu.memref_slice %arg13[%dma_wait3A_330] : memref<1024000xf32, #tpu.memory_space<vmem_shared>> -> memref<1024000xf32, #tpu.memory_space<vmem_shared>>
      tpu.wait_indirect_dma semaphore(%arg18 : memref<!tpu.dma_semaphore, #tpu.memory_space<semaphore_mem>>) src(%dma_wait3A_326 : memref<80xf32, #tpu.memory_space<vmem>>) dst(%dma_wait3A_331 : memref<1024000xf32, #tpu.memory_space<vmem_shared>>)
      %dma_wait3A_332 = arith.constant 12 : i32
      %dma_wait3A_333 = arith.constant 960 : i32
      %dma_wait3A_334 = tpu.memref_slice %arg7[%dma_wait3A_333] : memref<2000xf32, #tpu.memory_space<vmem>> -> memref<80xf32, #tpu.memory_space<vmem>>
      %dma_wait3A_335 = arith.constant 0 : i32
      %dma_wait3A_336 = tpu.memref_slice %arg8[%dma_wait3A_332, %dma_wait3A_335] : memref<25x80xi32, #tpu.memory_space<vmem>> -> memref<1x80xi32, #tpu.memory_space<vmem>>
      %dma_wait3A_337 = tpu.memref_squeeze %dma_wait3A_336 : memref<1x80xi32, #tpu.memory_space<vmem>> -> memref<80xi32, #tpu.memory_space<vmem>>
      %dma_wait3A_338 = arith.constant 0 : i32
      %dma_wait3A_339 = tpu.memref_slice %arg13[%dma_wait3A_338] : memref<1024000xf32, #tpu.memory_space<vmem_shared>> -> memref<1024000xf32, #tpu.memory_space<vmem_shared>>
      tpu.wait_indirect_dma semaphore(%arg18 : memref<!tpu.dma_semaphore, #tpu.memory_space<semaphore_mem>>) src(%dma_wait3A_334 : memref<80xf32, #tpu.memory_space<vmem>>) dst(%dma_wait3A_339 : memref<1024000xf32, #tpu.memory_space<vmem_shared>>)
      %dma_wait3A_340 = arith.constant 13 : i32
      %dma_wait3A_341 = arith.constant 1040 : i32
      %dma_wait3A_342 = tpu.memref_slice %arg7[%dma_wait3A_341] : memref<2000xf32, #tpu.memory_space<vmem>> -> memref<80xf32, #tpu.memory_space<vmem>>
      %dma_wait3A_343 = arith.constant 0 : i32
      %dma_wait3A_344 = tpu.memref_slice %arg8[%dma_wait3A_340, %dma_wait3A_343] : memref<25x80xi32, #tpu.memory_space<vmem>> -> memref<1x80xi32, #tpu.memory_space<vmem>>
      %dma_wait3A_345 = tpu.memref_squeeze %dma_wait3A_344 : memref<1x80xi32, #tpu.memory_space<vmem>> -> memref<80xi32, #tpu.memory_space<vmem>>
      %dma_wait3A_346 = arith.constant 0 : i32
      %dma_wait3A_347 = tpu.memref_slice %arg13[%dma_wait3A_346] : memref<1024000xf32, #tpu.memory_space<vmem_shared>> -> memref<1024000xf32, #tpu.memory_space<vmem_shared>>
      tpu.wait_indirect_dma semaphore(%arg18 : memref<!tpu.dma_semaphore, #tpu.memory_space<semaphore_mem>>) src(%dma_wait3A_342 : memref<80xf32, #tpu.memory_space<vmem>>) dst(%dma_wait3A_347 : memref<1024000xf32, #tpu.memory_space<vmem_shared>>)
      %dma_wait3A_348 = arith.constant 14 : i32
      %dma_wait3A_349 = arith.constant 1120 : i32
      %dma_wait3A_350 = tpu.memref_slice %arg7[%dma_wait3A_349] : memref<2000xf32, #tpu.memory_space<vmem>> -> memref<80xf32, #tpu.memory_space<vmem>>
      %dma_wait3A_351 = arith.constant 0 : i32
      %dma_wait3A_352 = tpu.memref_slice %arg8[%dma_wait3A_348, %dma_wait3A_351] : memref<25x80xi32, #tpu.memory_space<vmem>> -> memref<1x80xi32, #tpu.memory_space<vmem>>
      %dma_wait3A_353 = tpu.memref_squeeze %dma_wait3A_352 : memref<1x80xi32, #tpu.memory_space<vmem>> -> memref<80xi32, #tpu.memory_space<vmem>>
      %dma_wait3A_354 = arith.constant 0 : i32
      %dma_wait3A_355 = tpu.memref_slice %arg13[%dma_wait3A_354] : memref<1024000xf32, #tpu.memory_space<vmem_shared>> -> memref<1024000xf32, #tpu.memory_space<vmem_shared>>
      tpu.wait_indirect_dma semaphore(%arg18 : memref<!tpu.dma_semaphore, #tpu.memory_space<semaphore_mem>>) src(%dma_wait3A_350 : memref<80xf32, #tpu.memory_space<vmem>>) dst(%dma_wait3A_355 : memref<1024000xf32, #tpu.memory_space<vmem_shared>>)
      %dma_wait3A_356 = arith.constant 15 : i32
      %dma_wait3A_357 = arith.constant 1200 : i32
      %dma_wait3A_358 = tpu.memref_slice %arg7[%dma_wait3A_357] : memref<2000xf32, #tpu.memory_space<vmem>> -> memref<80xf32, #tpu.memory_space<vmem>>
      %dma_wait3A_359 = arith.constant 0 : i32
      %dma_wait3A_360 = tpu.memref_slice %arg8[%dma_wait3A_356, %dma_wait3A_359] : memref<25x80xi32, #tpu.memory_space<vmem>> -> memref<1x80xi32, #tpu.memory_space<vmem>>
      %dma_wait3A_361 = tpu.memref_squeeze %dma_wait3A_360 : memref<1x80xi32, #tpu.memory_space<vmem>> -> memref<80xi32, #tpu.memory_space<vmem>>
      %dma_wait3A_362 = arith.constant 0 : i32
      %dma_wait3A_363 = tpu.memref_slice %arg13[%dma_wait3A_362] : memref<1024000xf32, #tpu.memory_space<vmem_shared>> -> memref<1024000xf32, #tpu.memory_space<vmem_shared>>
      tpu.wait_indirect_dma semaphore(%arg18 : memref<!tpu.dma_semaphore, #tpu.memory_space<semaphore_mem>>) src(%dma_wait3A_358 : memref<80xf32, #tpu.memory_space<vmem>>) dst(%dma_wait3A_363 : memref<1024000xf32, #tpu.memory_space<vmem_shared>>)
      %dma_wait3A_364 = arith.constant 16 : i32
      %dma_wait3A_365 = arith.constant 1280 : i32
      %dma_wait3A_366 = tpu.memref_slice %arg7[%dma_wait3A_365] : memref<2000xf32, #tpu.memory_space<vmem>> -> memref<80xf32, #tpu.memory_space<vmem>>
      %dma_wait3A_367 = arith.constant 0 : i32
      %dma_wait3A_368 = tpu.memref_slice %arg8[%dma_wait3A_364, %dma_wait3A_367] : memref<25x80xi32, #tpu.memory_space<vmem>> -> memref<1x80xi32, #tpu.memory_space<vmem>>
      %dma_wait3A_369 = tpu.memref_squeeze %dma_wait3A_368 : memref<1x80xi32, #tpu.memory_space<vmem>> -> memref<80xi32, #tpu.memory_space<vmem>>
      %dma_wait3A_370 = arith.constant 0 : i32
      %dma_wait3A_371 = tpu.memref_slice %arg13[%dma_wait3A_370] : memref<1024000xf32, #tpu.memory_space<vmem_shared>> -> memref<1024000xf32, #tpu.memory_space<vmem_shared>>
      tpu.wait_indirect_dma semaphore(%arg18 : memref<!tpu.dma_semaphore, #tpu.memory_space<semaphore_mem>>) src(%dma_wait3A_366 : memref<80xf32, #tpu.memory_space<vmem>>) dst(%dma_wait3A_371 : memref<1024000xf32, #tpu.memory_space<vmem_shared>>)
      %dma_wait3A_372 = arith.constant 17 : i32
      %dma_wait3A_373 = arith.constant 1360 : i32
      %dma_wait3A_374 = tpu.memref_slice %arg7[%dma_wait3A_373] : memref<2000xf32, #tpu.memory_space<vmem>> -> memref<80xf32, #tpu.memory_space<vmem>>
      %dma_wait3A_375 = arith.constant 0 : i32
      %dma_wait3A_376 = tpu.memref_slice %arg8[%dma_wait3A_372, %dma_wait3A_375] : memref<25x80xi32, #tpu.memory_space<vmem>> -> memref<1x80xi32, #tpu.memory_space<vmem>>
      %dma_wait3A_377 = tpu.memref_squeeze %dma_wait3A_376 : memref<1x80xi32, #tpu.memory_space<vmem>> -> memref<80xi32, #tpu.memory_space<vmem>>
      %dma_wait3A_378 = arith.constant 0 : i32
      %dma_wait3A_379 = tpu.memref_slice %arg13[%dma_wait3A_378] : memref<1024000xf32, #tpu.memory_space<vmem_shared>> -> memref<1024000xf32, #tpu.memory_space<vmem_shared>>
      tpu.wait_indirect_dma semaphore(%arg18 : memref<!tpu.dma_semaphore, #tpu.memory_space<semaphore_mem>>) src(%dma_wait3A_374 : memref<80xf32, #tpu.memory_space<vmem>>) dst(%dma_wait3A_379 : memref<1024000xf32, #tpu.memory_space<vmem_shared>>)
      %dma_wait3A_380 = arith.constant 18 : i32
      %dma_wait3A_381 = arith.constant 1440 : i32
      %dma_wait3A_382 = tpu.memref_slice %arg7[%dma_wait3A_381] : memref<2000xf32, #tpu.memory_space<vmem>> -> memref<80xf32, #tpu.memory_space<vmem>>
      %dma_wait3A_383 = arith.constant 0 : i32
      %dma_wait3A_384 = tpu.memref_slice %arg8[%dma_wait3A_380, %dma_wait3A_383] : memref<25x80xi32, #tpu.memory_space<vmem>> -> memref<1x80xi32, #tpu.memory_space<vmem>>
      %dma_wait3A_385 = tpu.memref_squeeze %dma_wait3A_384 : memref<1x80xi32, #tpu.memory_space<vmem>> -> memref<80xi32, #tpu.memory_space<vmem>>
      %dma_wait3A_386 = arith.constant 0 : i32
      %dma_wait3A_387 = tpu.memref_slice %arg13[%dma_wait3A_386] : memref<1024000xf32, #tpu.memory_space<vmem_shared>> -> memref<1024000xf32, #tpu.memory_space<vmem_shared>>
      tpu.wait_indirect_dma semaphore(%arg18 : memref<!tpu.dma_semaphore, #tpu.memory_space<semaphore_mem>>) src(%dma_wait3A_382 : memref<80xf32, #tpu.memory_space<vmem>>) dst(%dma_wait3A_387 : memref<1024000xf32, #tpu.memory_space<vmem_shared>>)
      %dma_wait3A_388 = arith.constant 19 : i32
      %dma_wait3A_389 = arith.constant 1520 : i32
      %dma_wait3A_390 = tpu.memref_slice %arg7[%dma_wait3A_389] : memref<2000xf32, #tpu.memory_space<vmem>> -> memref<80xf32, #tpu.memory_space<vmem>>
      %dma_wait3A_391 = arith.constant 0 : i32
      %dma_wait3A_392 = tpu.memref_slice %arg8[%dma_wait3A_388, %dma_wait3A_391] : memref<25x80xi32, #tpu.memory_space<vmem>> -> memref<1x80xi32, #tpu.memory_space<vmem>>
      %dma_wait3A_393 = tpu.memref_squeeze %dma_wait3A_392 : memref<1x80xi32, #tpu.memory_space<vmem>> -> memref<80xi32, #tpu.memory_space<vmem>>
      %dma_wait3A_394 = arith.constant 0 : i32
      %dma_wait3A_395 = tpu.memref_slice %arg13[%dma_wait3A_394] : memref<1024000xf32, #tpu.memory_space<vmem_shared>> -> memref<1024000xf32, #tpu.memory_space<vmem_shared>>
      tpu.wait_indirect_dma semaphore(%arg18 : memref<!tpu.dma_semaphore, #tpu.memory_space<semaphore_mem>>) src(%dma_wait3A_390 : memref<80xf32, #tpu.memory_space<vmem>>) dst(%dma_wait3A_395 : memref<1024000xf32, #tpu.memory_space<vmem_shared>>)
      %dma_wait3A_396 = arith.constant 20 : i32
      %dma_wait3A_397 = arith.constant 1600 : i32
      %dma_wait3A_398 = tpu.memref_slice %arg7[%dma_wait3A_397] : memref<2000xf32, #tpu.memory_space<vmem>> -> memref<80xf32, #tpu.memory_space<vmem>>
      %dma_wait3A_399 = arith.constant 0 : i32
      %dma_wait3A_400 = tpu.memref_slice %arg8[%dma_wait3A_396, %dma_wait3A_399] : memref<25x80xi32, #tpu.memory_space<vmem>> -> memref<1x80xi32, #tpu.memory_space<vmem>>
      %dma_wait3A_401 = tpu.memref_squeeze %dma_wait3A_400 : memref<1x80xi32, #tpu.memory_space<vmem>> -> memref<80xi32, #tpu.memory_space<vmem>>
      %dma_wait3A_402 = arith.constant 0 : i32
      %dma_wait3A_403 = tpu.memref_slice %arg13[%dma_wait3A_402] : memref<1024000xf32, #tpu.memory_space<vmem_shared>> -> memref<1024000xf32, #tpu.memory_space<vmem_shared>>
      tpu.wait_indirect_dma semaphore(%arg18 : memref<!tpu.dma_semaphore, #tpu.memory_space<semaphore_mem>>) src(%dma_wait3A_398 : memref<80xf32, #tpu.memory_space<vmem>>) dst(%dma_wait3A_403 : memref<1024000xf32, #tpu.memory_space<vmem_shared>>)
      %dma_wait3A_404 = arith.constant 21 : i32
      %dma_wait3A_405 = arith.constant 1680 : i32
      %dma_wait3A_406 = tpu.memref_slice %arg7[%dma_wait3A_405] : memref<2000xf32, #tpu.memory_space<vmem>> -> memref<80xf32, #tpu.memory_space<vmem>>
      %dma_wait3A_407 = arith.constant 0 : i32
      %dma_wait3A_408 = tpu.memref_slice %arg8[%dma_wait3A_404, %dma_wait3A_407] : memref<25x80xi32, #tpu.memory_space<vmem>> -> memref<1x80xi32, #tpu.memory_space<vmem>>
      %dma_wait3A_409 = tpu.memref_squeeze %dma_wait3A_408 : memref<1x80xi32, #tpu.memory_space<vmem>> -> memref<80xi32, #tpu.memory_space<vmem>>
      %dma_wait3A_410 = arith.constant 0 : i32
      %dma_wait3A_411 = tpu.memref_slice %arg13[%dma_wait3A_410] : memref<1024000xf32, #tpu.memory_space<vmem_shared>> -> memref<1024000xf32, #tpu.memory_space<vmem_shared>>
      tpu.wait_indirect_dma semaphore(%arg18 : memref<!tpu.dma_semaphore, #tpu.memory_space<semaphore_mem>>) src(%dma_wait3A_406 : memref<80xf32, #tpu.memory_space<vmem>>) dst(%dma_wait3A_411 : memref<1024000xf32, #tpu.memory_space<vmem_shared>>)
      %dma_wait3A_412 = arith.constant 22 : i32
      %dma_wait3A_413 = arith.constant 1760 : i32
      %dma_wait3A_414 = tpu.memref_slice %arg7[%dma_wait3A_413] : memref<2000xf32, #tpu.memory_space<vmem>> -> memref<80xf32, #tpu.memory_space<vmem>>
      %dma_wait3A_415 = arith.constant 0 : i32
      %dma_wait3A_416 = tpu.memref_slice %arg8[%dma_wait3A_412, %dma_wait3A_415] : memref<25x80xi32, #tpu.memory_space<vmem>> -> memref<1x80xi32, #tpu.memory_space<vmem>>
      %dma_wait3A_417 = tpu.memref_squeeze %dma_wait3A_416 : memref<1x80xi32, #tpu.memory_space<vmem>> -> memref<80xi32, #tpu.memory_space<vmem>>
      %dma_wait3A_418 = arith.constant 0 : i32
      %dma_wait3A_419 = tpu.memref_slice %arg13[%dma_wait3A_418] : memref<1024000xf32, #tpu.memory_space<vmem_shared>> -> memref<1024000xf32, #tpu.memory_space<vmem_shared>>
      tpu.wait_indirect_dma semaphore(%arg18 : memref<!tpu.dma_semaphore, #tpu.memory_space<semaphore_mem>>) src(%dma_wait3A_414 : memref<80xf32, #tpu.memory_space<vmem>>) dst(%dma_wait3A_419 : memref<1024000xf32, #tpu.memory_space<vmem_shared>>)
      %dma_wait3A_420 = arith.constant 23 : i32
      %dma_wait3A_421 = arith.constant 1840 : i32
      %dma_wait3A_422 = tpu.memref_slice %arg7[%dma_wait3A_421] : memref<2000xf32, #tpu.memory_space<vmem>> -> memref<80xf32, #tpu.memory_space<vmem>>
      %dma_wait3A_423 = arith.constant 0 : i32
      %dma_wait3A_424 = tpu.memref_slice %arg8[%dma_wait3A_420, %dma_wait3A_423] : memref<25x80xi32, #tpu.memory_space<vmem>> -> memref<1x80xi32, #tpu.memory_space<vmem>>
      %dma_wait3A_425 = tpu.memref_squeeze %dma_wait3A_424 : memref<1x80xi32, #tpu.memory_space<vmem>> -> memref<80xi32, #tpu.memory_space<vmem>>
      %dma_wait3A_426 = arith.constant 0 : i32
      %dma_wait3A_427 = tpu.memref_slice %arg13[%dma_wait3A_426] : memref<1024000xf32, #tpu.memory_space<vmem_shared>> -> memref<1024000xf32, #tpu.memory_space<vmem_shared>>
      tpu.wait_indirect_dma semaphore(%arg18 : memref<!tpu.dma_semaphore, #tpu.memory_space<semaphore_mem>>) src(%dma_wait3A_422 : memref<80xf32, #tpu.memory_space<vmem>>) dst(%dma_wait3A_427 : memref<1024000xf32, #tpu.memory_space<vmem_shared>>)
      %dma_wait3A_428 = arith.constant 24 : i32
      %dma_wait3A_429 = arith.constant 1920 : i32
      %dma_wait3A_430 = tpu.memref_slice %arg7[%dma_wait3A_429] : memref<2000xf32, #tpu.memory_space<vmem>> -> memref<80xf32, #tpu.memory_space<vmem>>
      %dma_wait3A_431 = arith.constant 0 : i32
      %dma_wait3A_432 = tpu.memref_slice %arg8[%dma_wait3A_428, %dma_wait3A_431] : memref<25x80xi32, #tpu.memory_space<vmem>> -> memref<1x80xi32, #tpu.memory_space<vmem>>
      %dma_wait3A_433 = tpu.memref_squeeze %dma_wait3A_432 : memref<1x80xi32, #tpu.memory_space<vmem>> -> memref<80xi32, #tpu.memory_space<vmem>>
      %dma_wait3A_434 = arith.constant 0 : i32
      %dma_wait3A_435 = tpu.memref_slice %arg13[%dma_wait3A_434] : memref<1024000xf32, #tpu.memory_space<vmem_shared>> -> memref<1024000xf32, #tpu.memory_space<vmem_shared>>
      tpu.wait_indirect_dma semaphore(%arg18 : memref<!tpu.dma_semaphore, #tpu.memory_space<semaphore_mem>>) src(%dma_wait3A_430 : memref<80xf32, #tpu.memory_space<vmem>>) dst(%dma_wait3A_435 : memref<1024000xf32, #tpu.memory_space<vmem_shared>>)
      %barrier3A_436 = arith.constant 0 : index
      tpu.barrier barrier_id(%barrier3A_436)
      %add3A_437 = arith.constant 0 : i32
      %add3A_438 = arith.addi %mul3A_14, %add3A_437 : i32
      %dma_start3A_439 = tpu.memref_slice %arg13[%add3A_438] : memref<1024000xf32, #tpu.memory_space<vmem_shared>> -> memref<8000xf32, #tpu.memory_space<vmem_shared>>
      %dma_start3A_440 = tpu.memref_slice %arg13[%add3A_438] : memref<1024000xf32, #tpu.memory_space<vmem_shared>> -> memref<8000xf32, #tpu.memory_space<vmem_shared>>
      tpu.enqueue_dma source(%dma_start3A_440 : memref<8000xf32, #tpu.memory_space<vmem_shared>>) target(%arg10 : memref<8000xf32, #tpu.memory_space<vmem>>) target_semaphore(%arg15 : memref<!tpu.dma_semaphore, #tpu.memory_space<semaphore_mem>>)
      %add3A_441 = arith.constant 8000 : i32
      %add3A_442 = arith.addi %mul3A_14, %add3A_441 : i32
      %dma_start3A_443 = tpu.memref_slice %arg13[%add3A_442] : memref<1024000xf32, #tpu.memory_space<vmem_shared>> -> memref<8000xf32, #tpu.memory_space<vmem_shared>>
      %dma_start3A_444 = tpu.memref_slice %arg13[%add3A_442] : memref<1024000xf32, #tpu.memory_space<vmem_shared>> -> memref<8000xf32, #tpu.memory_space<vmem_shared>>
      tpu.enqueue_dma source(%dma_start3A_444 : memref<8000xf32, #tpu.memory_space<vmem_shared>>) target(%arg11 : memref<8000xf32, #tpu.memory_space<vmem>>) target_semaphore(%arg16 : memref<!tpu.dma_semaphore, #tpu.memory_space<semaphore_mem>>)
      %dma_wait3A_445 = tpu.memref_slice %arg13[%add3A_438] : memref<1024000xf32, #tpu.memory_space<vmem_shared>> -> memref<8000xf32, #tpu.memory_space<vmem_shared>>
      %dma_wait3A_446 = tpu.memref_slice %arg13[%add3A_438] : memref<1024000xf32, #tpu.memory_space<vmem_shared>> -> memref<8000xf32, #tpu.memory_space<vmem_shared>>
      tpu.wait_dma2 semaphore(%arg15 : memref<!tpu.dma_semaphore, #tpu.memory_space<semaphore_mem>>) src(%dma_wait3A_446 : memref<8000xf32, #tpu.memory_space<vmem_shared>>) dst(%arg10 : memref<8000xf32, #tpu.memory_space<vmem>>)
      %mul3A_447 = arith.constant 1024000 : i32
      %mul3A_448 = arith.muli %add3A, %mul3A_447 : i32
      %add3A_449 = arith.addi %mul3A_448, %mul3A_14 : i32
      %add3A_450 = arith.constant 0 : i32
      %add3A_451 = arith.addi %add3A_449, %add3A_450 : i32
      %dma_start3A_452 = tpu.memref_slice %arg4[%add3A_451] : memref<10240000xf32, #tpu.memory_space<hbm>> -> memref<8000xf32, #tpu.memory_space<hbm>>
      %dma_start3A_453 = tpu.memref_slice %arg4[%add3A_451] : memref<10240000xf32, #tpu.memory_space<hbm>> -> memref<8000xf32, #tpu.memory_space<hbm>>
      tpu.enqueue_dma source(%arg10 : memref<8000xf32, #tpu.memory_space<vmem>>) target(%dma_start3A_453 : memref<8000xf32, #tpu.memory_space<hbm>>) target_semaphore(%arg15 : memref<!tpu.dma_semaphore, #tpu.memory_space<semaphore_mem>>)
      %add3A_454 = arith.constant 0 : i32
      %add3A_455 = arith.addi %mul3A_14, %add3A_454 : i32
      %lt3A = arith.constant 4 : i32
      %lt3A_456 = arith.cmpi slt, %scan3A_11, %lt3A : i32
      %convert_element_type3A_457 = arith.extui %lt3A_456 : i1 to i32
      %cond3A_458 = arith.constant 0 : i32
      %cond3A_459 = arith.cmpi ne, %convert_element_type3A_457, %cond3A_458 : i32
      scf.if %cond3A_459 {
        %dma_start3A_613 = tpu.memref_slice %arg13[%add3A_455] : memref<1024000xf32, #tpu.memory_space<vmem_shared>> -> memref<8000xf32, #tpu.memory_space<vmem_shared>>
        %dma_start3A_614 = tpu.memref_slice %arg13[%add3A_455] : memref<1024000xf32, #tpu.memory_space<vmem_shared>> -> memref<8000xf32, #tpu.memory_space<vmem_shared>>
        tpu.enqueue_dma source(%arg9 : memref<8000xf32, #tpu.memory_space<vmem>>) target(%dma_start3A_614 : memref<8000xf32, #tpu.memory_space<vmem_shared>>) target_semaphore(%arg14 : memref<!tpu.dma_semaphore, #tpu.memory_space<semaphore_mem>>)
      } else {
      }
      %add3A_460 = arith.constant 16000 : i32
      %add3A_461 = arith.addi %mul3A_14, %add3A_460 : i32
      %dma_start3A_462 = tpu.memref_slice %arg13[%add3A_461] : memref<1024000xf32, #tpu.memory_space<vmem_shared>> -> memref<8000xf32, #tpu.memory_space<vmem_shared>>
      %dma_start3A_463 = tpu.memref_slice %arg13[%add3A_461] : memref<1024000xf32, #tpu.memory_space<vmem_shared>> -> memref<8000xf32, #tpu.memory_space<vmem_shared>>
      tpu.enqueue_dma source(%dma_start3A_463 : memref<8000xf32, #tpu.memory_space<vmem_shared>>) target(%arg12 : memref<8000xf32, #tpu.memory_space<vmem>>) target_semaphore(%arg17 : memref<!tpu.dma_semaphore, #tpu.memory_space<semaphore_mem>>)
      %dma_wait3A_464 = tpu.memref_slice %arg13[%add3A_442] : memref<1024000xf32, #tpu.memory_space<vmem_shared>> -> memref<8000xf32, #tpu.memory_space<vmem_shared>>
      %dma_wait3A_465 = tpu.memref_slice %arg13[%add3A_442] : memref<1024000xf32, #tpu.memory_space<vmem_shared>> -> memref<8000xf32, #tpu.memory_space<vmem_shared>>
      tpu.wait_dma2 semaphore(%arg16 : memref<!tpu.dma_semaphore, #tpu.memory_space<semaphore_mem>>) src(%dma_wait3A_465 : memref<8000xf32, #tpu.memory_space<vmem_shared>>) dst(%arg11 : memref<8000xf32, #tpu.memory_space<vmem>>)
      %mul3A_466 = arith.constant 1024000 : i32
      %mul3A_467 = arith.muli %add3A, %mul3A_466 : i32
      %add3A_468 = arith.addi %mul3A_467, %mul3A_14 : i32
      %add3A_469 = arith.constant 8000 : i32
      %add3A_470 = arith.addi %add3A_468, %add3A_469 : i32
      %dma_start3A_471 = tpu.memref_slice %arg4[%add3A_470] : memref<10240000xf32, #tpu.memory_space<hbm>> -> memref<8000xf32, #tpu.memory_space<hbm>>
      %dma_start3A_472 = tpu.memref_slice %arg4[%add3A_470] : memref<10240000xf32, #tpu.memory_space<hbm>> -> memref<8000xf32, #tpu.memory_space<hbm>>
      tpu.enqueue_dma source(%arg11 : memref<8000xf32, #tpu.memory_space<vmem>>) target(%dma_start3A_472 : memref<8000xf32, #tpu.memory_space<hbm>>) target_semaphore(%arg16 : memref<!tpu.dma_semaphore, #tpu.memory_space<semaphore_mem>>)
      %add3A_473 = arith.constant 8000 : i32
      %add3A_474 = arith.addi %mul3A_14, %add3A_473 : i32
      %lt3A_475 = arith.constant 4 : i32
      %lt3A_476 = arith.cmpi slt, %scan3A_11, %lt3A_475 : i32
      %convert_element_type3A_477 = arith.extui %lt3A_476 : i1 to i32
      %cond3A_478 = arith.constant 0 : i32
      %cond3A_479 = arith.cmpi ne, %convert_element_type3A_477, %cond3A_478 : i32
      scf.if %cond3A_479 {
        %dma_start3A_613 = tpu.memref_slice %arg13[%add3A_474] : memref<1024000xf32, #tpu.memory_space<vmem_shared>> -> memref<8000xf32, #tpu.memory_space<vmem_shared>>
        %dma_start3A_614 = tpu.memref_slice %arg13[%add3A_474] : memref<1024000xf32, #tpu.memory_space<vmem_shared>> -> memref<8000xf32, #tpu.memory_space<vmem_shared>>
        tpu.enqueue_dma source(%arg9 : memref<8000xf32, #tpu.memory_space<vmem>>) target(%dma_start3A_614 : memref<8000xf32, #tpu.memory_space<vmem_shared>>) target_semaphore(%arg14 : memref<!tpu.dma_semaphore, #tpu.memory_space<semaphore_mem>>)
      } else {
      }
      %dma_wait3A_480 = tpu.memref_slice %arg4[%add3A_451] : memref<10240000xf32, #tpu.memory_space<hbm>> -> memref<8000xf32, #tpu.memory_space<hbm>>
      %dma_wait3A_481 = tpu.memref_slice %arg4[%add3A_451] : memref<10240000xf32, #tpu.memory_space<hbm>> -> memref<8000xf32, #tpu.memory_space<hbm>>
      tpu.wait_dma2 semaphore(%arg15 : memref<!tpu.dma_semaphore, #tpu.memory_space<semaphore_mem>>) src(%arg10 : memref<8000xf32, #tpu.memory_space<vmem>>) dst(%dma_wait3A_481 : memref<8000xf32, #tpu.memory_space<hbm>>)
      %add3A_482 = arith.constant 24000 : i32
      %add3A_483 = arith.addi %mul3A_14, %add3A_482 : i32
      %dma_start3A_484 = tpu.memref_slice %arg13[%add3A_483] : memref<1024000xf32, #tpu.memory_space<vmem_shared>> -> memref<8000xf32, #tpu.memory_space<vmem_shared>>
      %dma_start3A_485 = tpu.memref_slice %arg13[%add3A_483] : memref<1024000xf32, #tpu.memory_space<vmem_shared>> -> memref<8000xf32, #tpu.memory_space<vmem_shared>>
      tpu.enqueue_dma source(%dma_start3A_485 : memref<8000xf32, #tpu.memory_space<vmem_shared>>) target(%arg10 : memref<8000xf32, #tpu.memory_space<vmem>>) target_semaphore(%arg15 : memref<!tpu.dma_semaphore, #tpu.memory_space<semaphore_mem>>)
      %dma_wait3A_486 = tpu.memref_slice %arg13[%add3A_461] : memref<1024000xf32, #tpu.memory_space<vmem_shared>> -> memref<8000xf32, #tpu.memory_space<vmem_shared>>
      %dma_wait3A_487 = tpu.memref_slice %arg13[%add3A_461] : memref<1024000xf32, #tpu.memory_space<vmem_shared>> -> memref<8000xf32, #tpu.memory_space<vmem_shared>>
      tpu.wait_dma2 semaphore(%arg17 : memref<!tpu.dma_semaphore, #tpu.memory_space<semaphore_mem>>) src(%dma_wait3A_487 : memref<8000xf32, #tpu.memory_space<vmem_shared>>) dst(%arg12 : memref<8000xf32, #tpu.memory_space<vmem>>)
      %mul3A_488 = arith.constant 1024000 : i32
      %mul3A_489 = arith.muli %add3A, %mul3A_488 : i32
      %add3A_490 = arith.addi %mul3A_489, %mul3A_14 : i32
      %add3A_491 = arith.constant 16000 : i32
      %add3A_492 = arith.addi %add3A_490, %add3A_491 : i32
      %dma_start3A_493 = tpu.memref_slice %arg4[%add3A_492] : memref<10240000xf32, #tpu.memory_space<hbm>> -> memref<8000xf32, #tpu.memory_space<hbm>>
      %dma_start3A_494 = tpu.memref_slice %arg4[%add3A_492] : memref<10240000xf32, #tpu.memory_space<hbm>> -> memref<8000xf32, #tpu.memory_space<hbm>>
      tpu.enqueue_dma source(%arg12 : memref<8000xf32, #tpu.memory_space<vmem>>) target(%dma_start3A_494 : memref<8000xf32, #tpu.memory_space<hbm>>) target_semaphore(%arg17 : memref<!tpu.dma_semaphore, #tpu.memory_space<semaphore_mem>>)
      %add3A_495 = arith.constant 16000 : i32
      %add3A_496 = arith.addi %mul3A_14, %add3A_495 : i32
      %lt3A_497 = arith.constant 4 : i32
      %lt3A_498 = arith.cmpi slt, %scan3A_11, %lt3A_497 : i32
      %convert_element_type3A_499 = arith.extui %lt3A_498 : i1 to i32
      %cond3A_500 = arith.constant 0 : i32
      %cond3A_501 = arith.cmpi ne, %convert_element_type3A_499, %cond3A_500 : i32
      scf.if %cond3A_501 {
        %dma_start3A_613 = tpu.memref_slice %arg13[%add3A_496] : memref<1024000xf32, #tpu.memory_space<vmem_shared>> -> memref<8000xf32, #tpu.memory_space<vmem_shared>>
        %dma_start3A_614 = tpu.memref_slice %arg13[%add3A_496] : memref<1024000xf32, #tpu.memory_space<vmem_shared>> -> memref<8000xf32, #tpu.memory_space<vmem_shared>>
        tpu.enqueue_dma source(%arg9 : memref<8000xf32, #tpu.memory_space<vmem>>) target(%dma_start3A_614 : memref<8000xf32, #tpu.memory_space<vmem_shared>>) target_semaphore(%arg14 : memref<!tpu.dma_semaphore, #tpu.memory_space<semaphore_mem>>)
      } else {
      }
      %dma_wait3A_502 = tpu.memref_slice %arg4[%add3A_470] : memref<10240000xf32, #tpu.memory_space<hbm>> -> memref<8000xf32, #tpu.memory_space<hbm>>
      %dma_wait3A_503 = tpu.memref_slice %arg4[%add3A_470] : memref<10240000xf32, #tpu.memory_space<hbm>> -> memref<8000xf32, #tpu.memory_space<hbm>>
      tpu.wait_dma2 semaphore(%arg16 : memref<!tpu.dma_semaphore, #tpu.memory_space<semaphore_mem>>) src(%arg11 : memref<8000xf32, #tpu.memory_space<vmem>>) dst(%dma_wait3A_503 : memref<8000xf32, #tpu.memory_space<hbm>>)
      %add3A_504 = arith.constant 32000 : i32
      %add3A_505 = arith.addi %mul3A_14, %add3A_504 : i32
      %dma_start3A_506 = tpu.memref_slice %arg13[%add3A_505] : memref<1024000xf32, #tpu.memory_space<vmem_shared>> -> memref<8000xf32, #tpu.memory_space<vmem_shared>>
      %dma_start3A_507 = tpu.memref_slice %arg13[%add3A_505] : memref<1024000xf32, #tpu.memory_space<vmem_shared>> -> memref<8000xf32, #tpu.memory_space<vmem_shared>>
      tpu.enqueue_dma source(%dma_start3A_507 : memref<8000xf32, #tpu.memory_space<vmem_shared>>) target(%arg11 : memref<8000xf32, #tpu.memory_space<vmem>>) target_semaphore(%arg16 : memref<!tpu.dma_semaphore, #tpu.memory_space<semaphore_mem>>)
      %dma_wait3A_508 = tpu.memref_slice %arg13[%add3A_483] : memref<1024000xf32, #tpu.memory_space<vmem_shared>> -> memref<8000xf32, #tpu.memory_space<vmem_shared>>
      %dma_wait3A_509 = tpu.memref_slice %arg13[%add3A_483] : memref<1024000xf32, #tpu.memory_space<vmem_shared>> -> memref<8000xf32, #tpu.memory_space<vmem_shared>>
      tpu.wait_dma2 semaphore(%arg15 : memref<!tpu.dma_semaphore, #tpu.memory_space<semaphore_mem>>) src(%dma_wait3A_509 : memref<8000xf32, #tpu.memory_space<vmem_shared>>) dst(%arg10 : memref<8000xf32, #tpu.memory_space<vmem>>)
      %mul3A_510 = arith.constant 1024000 : i32
      %mul3A_511 = arith.muli %add3A, %mul3A_510 : i32
      %add3A_512 = arith.addi %mul3A_511, %mul3A_14 : i32
      %add3A_513 = arith.constant 24000 : i32
      %add3A_514 = arith.addi %add3A_512, %add3A_513 : i32
      %dma_start3A_515 = tpu.memref_slice %arg4[%add3A_514] : memref<10240000xf32, #tpu.memory_space<hbm>> -> memref<8000xf32, #tpu.memory_space<hbm>>
      %dma_start3A_516 = tpu.memref_slice %arg4[%add3A_514] : memref<10240000xf32, #tpu.memory_space<hbm>> -> memref<8000xf32, #tpu.memory_space<hbm>>
      tpu.enqueue_dma source(%arg10 : memref<8000xf32, #tpu.memory_space<vmem>>) target(%dma_start3A_516 : memref<8000xf32, #tpu.memory_space<hbm>>) target_semaphore(%arg15 : memref<!tpu.dma_semaphore, #tpu.memory_space<semaphore_mem>>)
      %add3A_517 = arith.constant 24000 : i32
      %add3A_518 = arith.addi %mul3A_14, %add3A_517 : i32
      %lt3A_519 = arith.constant 4 : i32
      %lt3A_520 = arith.cmpi slt, %scan3A_11, %lt3A_519 : i32
      %convert_element_type3A_521 = arith.extui %lt3A_520 : i1 to i32
      %cond3A_522 = arith.constant 0 : i32
      %cond3A_523 = arith.cmpi ne, %convert_element_type3A_521, %cond3A_522 : i32
      scf.if %cond3A_523 {
        %dma_start3A_613 = tpu.memref_slice %arg13[%add3A_518] : memref<1024000xf32, #tpu.memory_space<vmem_shared>> -> memref<8000xf32, #tpu.memory_space<vmem_shared>>
        %dma_start3A_614 = tpu.memref_slice %arg13[%add3A_518] : memref<1024000xf32, #tpu.memory_space<vmem_shared>> -> memref<8000xf32, #tpu.memory_space<vmem_shared>>
        tpu.enqueue_dma source(%arg9 : memref<8000xf32, #tpu.memory_space<vmem>>) target(%dma_start3A_614 : memref<8000xf32, #tpu.memory_space<vmem_shared>>) target_semaphore(%arg14 : memref<!tpu.dma_semaphore, #tpu.memory_space<semaphore_mem>>)
      } else {
      }
      %dma_wait3A_524 = tpu.memref_slice %arg4[%add3A_492] : memref<10240000xf32, #tpu.memory_space<hbm>> -> memref<8000xf32, #tpu.memory_space<hbm>>
      %dma_wait3A_525 = tpu.memref_slice %arg4[%add3A_492] : memref<10240000xf32, #tpu.memory_space<hbm>> -> memref<8000xf32, #tpu.memory_space<hbm>>
      tpu.wait_dma2 semaphore(%arg17 : memref<!tpu.dma_semaphore, #tpu.memory_space<semaphore_mem>>) src(%arg12 : memref<8000xf32, #tpu.memory_space<vmem>>) dst(%dma_wait3A_525 : memref<8000xf32, #tpu.memory_space<hbm>>)
      %add3A_526 = arith.constant 40000 : i32
      %add3A_527 = arith.addi %mul3A_14, %add3A_526 : i32
      %dma_start3A_528 = tpu.memref_slice %arg13[%add3A_527] : memref<1024000xf32, #tpu.memory_space<vmem_shared>> -> memref<8000xf32, #tpu.memory_space<vmem_shared>>
      %dma_start3A_529 = tpu.memref_slice %arg13[%add3A_527] : memref<1024000xf32, #tpu.memory_space<vmem_shared>> -> memref<8000xf32, #tpu.memory_space<vmem_shared>>
      tpu.enqueue_dma source(%dma_start3A_529 : memref<8000xf32, #tpu.memory_space<vmem_shared>>) target(%arg12 : memref<8000xf32, #tpu.memory_space<vmem>>) target_semaphore(%arg17 : memref<!tpu.dma_semaphore, #tpu.memory_space<semaphore_mem>>)
      %dma_wait3A_530 = tpu.memref_slice %arg13[%add3A_505] : memref<1024000xf32, #tpu.memory_space<vmem_shared>> -> memref<8000xf32, #tpu.memory_space<vmem_shared>>
      %dma_wait3A_531 = tpu.memref_slice %arg13[%add3A_505] : memref<1024000xf32, #tpu.memory_space<vmem_shared>> -> memref<8000xf32, #tpu.memory_space<vmem_shared>>
      tpu.wait_dma2 semaphore(%arg16 : memref<!tpu.dma_semaphore, #tpu.memory_space<semaphore_mem>>) src(%dma_wait3A_531 : memref<8000xf32, #tpu.memory_space<vmem_shared>>) dst(%arg11 : memref<8000xf32, #tpu.memory_space<vmem>>)
      %mul3A_532 = arith.constant 1024000 : i32
      %mul3A_533 = arith.muli %add3A, %mul3A_532 : i32
      %add3A_534 = arith.addi %mul3A_533, %mul3A_14 : i32
      %add3A_535 = arith.constant 32000 : i32
      %add3A_536 = arith.addi %add3A_534, %add3A_535 : i32
      %dma_start3A_537 = tpu.memref_slice %arg4[%add3A_536] : memref<10240000xf32, #tpu.memory_space<hbm>> -> memref<8000xf32, #tpu.memory_space<hbm>>
      %dma_start3A_538 = tpu.memref_slice %arg4[%add3A_536] : memref<10240000xf32, #tpu.memory_space<hbm>> -> memref<8000xf32, #tpu.memory_space<hbm>>
      tpu.enqueue_dma source(%arg11 : memref<8000xf32, #tpu.memory_space<vmem>>) target(%dma_start3A_538 : memref<8000xf32, #tpu.memory_space<hbm>>) target_semaphore(%arg16 : memref<!tpu.dma_semaphore, #tpu.memory_space<semaphore_mem>>)
      %add3A_539 = arith.constant 32000 : i32
      %add3A_540 = arith.addi %mul3A_14, %add3A_539 : i32
      %lt3A_541 = arith.constant 4 : i32
      %lt3A_542 = arith.cmpi slt, %scan3A_11, %lt3A_541 : i32
      %convert_element_type3A_543 = arith.extui %lt3A_542 : i1 to i32
      %cond3A_544 = arith.constant 0 : i32
      %cond3A_545 = arith.cmpi ne, %convert_element_type3A_543, %cond3A_544 : i32
      scf.if %cond3A_545 {
        %dma_start3A_613 = tpu.memref_slice %arg13[%add3A_540] : memref<1024000xf32, #tpu.memory_space<vmem_shared>> -> memref<8000xf32, #tpu.memory_space<vmem_shared>>
        %dma_start3A_614 = tpu.memref_slice %arg13[%add3A_540] : memref<1024000xf32, #tpu.memory_space<vmem_shared>> -> memref<8000xf32, #tpu.memory_space<vmem_shared>>
        tpu.enqueue_dma source(%arg9 : memref<8000xf32, #tpu.memory_space<vmem>>) target(%dma_start3A_614 : memref<8000xf32, #tpu.memory_space<vmem_shared>>) target_semaphore(%arg14 : memref<!tpu.dma_semaphore, #tpu.memory_space<semaphore_mem>>)
      } else {
      }
      %dma_wait3A_546 = tpu.memref_slice %arg4[%add3A_514] : memref<10240000xf32, #tpu.memory_space<hbm>> -> memref<8000xf32, #tpu.memory_space<hbm>>
      %dma_wait3A_547 = tpu.memref_slice %arg4[%add3A_514] : memref<10240000xf32, #tpu.memory_space<hbm>> -> memref<8000xf32, #tpu.memory_space<hbm>>
      tpu.wait_dma2 semaphore(%arg15 : memref<!tpu.dma_semaphore, #tpu.memory_space<semaphore_mem>>) src(%arg10 : memref<8000xf32, #tpu.memory_space<vmem>>) dst(%dma_wait3A_547 : memref<8000xf32, #tpu.memory_space<hbm>>)
      %add3A_548 = arith.constant 48000 : i32
      %add3A_549 = arith.addi %mul3A_14, %add3A_548 : i32
      %dma_start3A_550 = tpu.memref_slice %arg13[%add3A_549] : memref<1024000xf32, #tpu.memory_space<vmem_shared>> -> memref<8000xf32, #tpu.memory_space<vmem_shared>>
      %dma_start3A_551 = tpu.memref_slice %arg13[%add3A_549] : memref<1024000xf32, #tpu.memory_space<vmem_shared>> -> memref<8000xf32, #tpu.memory_space<vmem_shared>>
      tpu.enqueue_dma source(%dma_start3A_551 : memref<8000xf32, #tpu.memory_space<vmem_shared>>) target(%arg10 : memref<8000xf32, #tpu.memory_space<vmem>>) target_semaphore(%arg15 : memref<!tpu.dma_semaphore, #tpu.memory_space<semaphore_mem>>)
      %dma_wait3A_552 = tpu.memref_slice %arg13[%add3A_527] : memref<1024000xf32, #tpu.memory_space<vmem_shared>> -> memref<8000xf32, #tpu.memory_space<vmem_shared>>
      %dma_wait3A_553 = tpu.memref_slice %arg13[%add3A_527] : memref<1024000xf32, #tpu.memory_space<vmem_shared>> -> memref<8000xf32, #tpu.memory_space<vmem_shared>>
      tpu.wait_dma2 semaphore(%arg17 : memref<!tpu.dma_semaphore, #tpu.memory_space<semaphore_mem>>) src(%dma_wait3A_553 : memref<8000xf32, #tpu.memory_space<vmem_shared>>) dst(%arg12 : memref<8000xf32, #tpu.memory_space<vmem>>)
      %mul3A_554 = arith.constant 1024000 : i32
      %mul3A_555 = arith.muli %add3A, %mul3A_554 : i32
      %add3A_556 = arith.addi %mul3A_555, %mul3A_14 : i32
      %add3A_557 = arith.constant 40000 : i32
      %add3A_558 = arith.addi %add3A_556, %add3A_557 : i32
      %dma_start3A_559 = tpu.memref_slice %arg4[%add3A_558] : memref<10240000xf32, #tpu.memory_space<hbm>> -> memref<8000xf32, #tpu.memory_space<hbm>>
      %dma_start3A_560 = tpu.memref_slice %arg4[%add3A_558] : memref<10240000xf32, #tpu.memory_space<hbm>> -> memref<8000xf32, #tpu.memory_space<hbm>>
      tpu.enqueue_dma source(%arg12 : memref<8000xf32, #tpu.memory_space<vmem>>) target(%dma_start3A_560 : memref<8000xf32, #tpu.memory_space<hbm>>) target_semaphore(%arg17 : memref<!tpu.dma_semaphore, #tpu.memory_space<semaphore_mem>>)
      %add3A_561 = arith.constant 40000 : i32
      %add3A_562 = arith.addi %mul3A_14, %add3A_561 : i32
      %lt3A_563 = arith.constant 4 : i32
      %lt3A_564 = arith.cmpi slt, %scan3A_11, %lt3A_563 : i32
      %convert_element_type3A_565 = arith.extui %lt3A_564 : i1 to i32
      %cond3A_566 = arith.constant 0 : i32
      %cond3A_567 = arith.cmpi ne, %convert_element_type3A_565, %cond3A_566 : i32
      scf.if %cond3A_567 {
        %dma_start3A_613 = tpu.memref_slice %arg13[%add3A_562] : memref<1024000xf32, #tpu.memory_space<vmem_shared>> -> memref<8000xf32, #tpu.memory_space<vmem_shared>>
        %dma_start3A_614 = tpu.memref_slice %arg13[%add3A_562] : memref<1024000xf32, #tpu.memory_space<vmem_shared>> -> memref<8000xf32, #tpu.memory_space<vmem_shared>>
        tpu.enqueue_dma source(%arg9 : memref<8000xf32, #tpu.memory_space<vmem>>) target(%dma_start3A_614 : memref<8000xf32, #tpu.memory_space<vmem_shared>>) target_semaphore(%arg14 : memref<!tpu.dma_semaphore, #tpu.memory_space<semaphore_mem>>)
      } else {
      }
      %dma_wait3A_568 = tpu.memref_slice %arg4[%add3A_536] : memref<10240000xf32, #tpu.memory_space<hbm>> -> memref<8000xf32, #tpu.memory_space<hbm>>
      %dma_wait3A_569 = tpu.memref_slice %arg4[%add3A_536] : memref<10240000xf32, #tpu.memory_space<hbm>> -> memref<8000xf32, #tpu.memory_space<hbm>>
      tpu.wait_dma2 semaphore(%arg16 : memref<!tpu.dma_semaphore, #tpu.memory_space<semaphore_mem>>) src(%arg11 : memref<8000xf32, #tpu.memory_space<vmem>>) dst(%dma_wait3A_569 : memref<8000xf32, #tpu.memory_space<hbm>>)
      %add3A_570 = arith.constant 56000 : i32
      %add3A_571 = arith.addi %mul3A_14, %add3A_570 : i32
      %dma_start3A_572 = tpu.memref_slice %arg13[%add3A_571] : memref<1024000xf32, #tpu.memory_space<vmem_shared>> -> memref<8000xf32, #tpu.memory_space<vmem_shared>>
      %dma_start3A_573 = tpu.memref_slice %arg13[%add3A_571] : memref<1024000xf32, #tpu.memory_space<vmem_shared>> -> memref<8000xf32, #tpu.memory_space<vmem_shared>>
      tpu.enqueue_dma source(%dma_start3A_573 : memref<8000xf32, #tpu.memory_space<vmem_shared>>) target(%arg11 : memref<8000xf32, #tpu.memory_space<vmem>>) target_semaphore(%arg16 : memref<!tpu.dma_semaphore, #tpu.memory_space<semaphore_mem>>)
      %dma_wait3A_574 = tpu.memref_slice %arg13[%add3A_549] : memref<1024000xf32, #tpu.memory_space<vmem_shared>> -> memref<8000xf32, #tpu.memory_space<vmem_shared>>
      %dma_wait3A_575 = tpu.memref_slice %arg13[%add3A_549] : memref<1024000xf32, #tpu.memory_space<vmem_shared>> -> memref<8000xf32, #tpu.memory_space<vmem_shared>>
      tpu.wait_dma2 semaphore(%arg15 : memref<!tpu.dma_semaphore, #tpu.memory_space<semaphore_mem>>) src(%dma_wait3A_575 : memref<8000xf32, #tpu.memory_space<vmem_shared>>) dst(%arg10 : memref<8000xf32, #tpu.memory_space<vmem>>)
      %mul3A_576 = arith.constant 1024000 : i32
      %mul3A_577 = arith.muli %add3A, %mul3A_576 : i32
      %add3A_578 = arith.addi %mul3A_577, %mul3A_14 : i32
      %add3A_579 = arith.constant 48000 : i32
      %add3A_580 = arith.addi %add3A_578, %add3A_579 : i32
      %dma_start3A_581 = tpu.memref_slice %arg4[%add3A_580] : memref<10240000xf32, #tpu.memory_space<hbm>> -> memref<8000xf32, #tpu.memory_space<hbm>>
      %dma_start3A_582 = tpu.memref_slice %arg4[%add3A_580] : memref<10240000xf32, #tpu.memory_space<hbm>> -> memref<8000xf32, #tpu.memory_space<hbm>>
      tpu.enqueue_dma source(%arg10 : memref<8000xf32, #tpu.memory_space<vmem>>) target(%dma_start3A_582 : memref<8000xf32, #tpu.memory_space<hbm>>) target_semaphore(%arg15 : memref<!tpu.dma_semaphore, #tpu.memory_space<semaphore_mem>>)
      %add3A_583 = arith.constant 48000 : i32
      %add3A_584 = arith.addi %mul3A_14, %add3A_583 : i32
      %lt3A_585 = arith.constant 4 : i32
      %lt3A_586 = arith.cmpi slt, %scan3A_11, %lt3A_585 : i32
      %convert_element_type3A_587 = arith.extui %lt3A_586 : i1 to i32
      %cond3A_588 = arith.constant 0 : i32
      %cond3A_589 = arith.cmpi ne, %convert_element_type3A_587, %cond3A_588 : i32
      scf.if %cond3A_589 {
        %dma_start3A_613 = tpu.memref_slice %arg13[%add3A_584] : memref<1024000xf32, #tpu.memory_space<vmem_shared>> -> memref<8000xf32, #tpu.memory_space<vmem_shared>>
        %dma_start3A_614 = tpu.memref_slice %arg13[%add3A_584] : memref<1024000xf32, #tpu.memory_space<vmem_shared>> -> memref<8000xf32, #tpu.memory_space<vmem_shared>>
        tpu.enqueue_dma source(%arg9 : memref<8000xf32, #tpu.memory_space<vmem>>) target(%dma_start3A_614 : memref<8000xf32, #tpu.memory_space<vmem_shared>>) target_semaphore(%arg14 : memref<!tpu.dma_semaphore, #tpu.memory_space<semaphore_mem>>)
      } else {
      }
      %dma_wait3A_590 = tpu.memref_slice %arg13[%add3A_571] : memref<1024000xf32, #tpu.memory_space<vmem_shared>> -> memref<8000xf32, #tpu.memory_space<vmem_shared>>
      %dma_wait3A_591 = tpu.memref_slice %arg13[%add3A_571] : memref<1024000xf32, #tpu.memory_space<vmem_shared>> -> memref<8000xf32, #tpu.memory_space<vmem_shared>>
      tpu.wait_dma2 semaphore(%arg16 : memref<!tpu.dma_semaphore, #tpu.memory_space<semaphore_mem>>) src(%dma_wait3A_591 : memref<8000xf32, #tpu.memory_space<vmem_shared>>) dst(%arg11 : memref<8000xf32, #tpu.memory_space<vmem>>)
      %mul3A_592 = arith.constant 1024000 : i32
      %mul3A_593 = arith.muli %add3A, %mul3A_592 : i32
      %add3A_594 = arith.addi %mul3A_593, %mul3A_14 : i32
      %add3A_595 = arith.constant 56000 : i32
      %add3A_596 = arith.addi %add3A_594, %add3A_595 : i32
      %dma_start3A_597 = tpu.memref_slice %arg4[%add3A_596] : memref<10240000xf32, #tpu.memory_space<hbm>> -> memref<8000xf32, #tpu.memory_space<hbm>>
      %dma_start3A_598 = tpu.memref_slice %arg4[%add3A_596] : memref<10240000xf32, #tpu.memory_space<hbm>> -> memref<8000xf32, #tpu.memory_space<hbm>>
      tpu.enqueue_dma source(%arg11 : memref<8000xf32, #tpu.memory_space<vmem>>) target(%dma_start3A_598 : memref<8000xf32, #tpu.memory_space<hbm>>) target_semaphore(%arg16 : memref<!tpu.dma_semaphore, #tpu.memory_space<semaphore_mem>>)
      %add3A_599 = arith.constant 56000 : i32
      %add3A_600 = arith.addi %mul3A_14, %add3A_599 : i32
      %lt3A_601 = arith.constant 4 : i32
      %lt3A_602 = arith.cmpi slt, %scan3A_11, %lt3A_601 : i32
      %convert_element_type3A_603 = arith.extui %lt3A_602 : i1 to i32
      %cond3A_604 = arith.constant 0 : i32
      %cond3A_605 = arith.cmpi ne, %convert_element_type3A_603, %cond3A_604 : i32
      scf.if %cond3A_605 {
        %dma_start3A_613 = tpu.memref_slice %arg13[%add3A_600] : memref<1024000xf32, #tpu.memory_space<vmem_shared>> -> memref<8000xf32, #tpu.memory_space<vmem_shared>>
        %dma_start3A_614 = tpu.memref_slice %arg13[%add3A_600] : memref<1024000xf32, #tpu.memory_space<vmem_shared>> -> memref<8000xf32, #tpu.memory_space<vmem_shared>>
        tpu.enqueue_dma source(%arg9 : memref<8000xf32, #tpu.memory_space<vmem>>) target(%dma_start3A_614 : memref<8000xf32, #tpu.memory_space<vmem_shared>>) target_semaphore(%arg14 : memref<!tpu.dma_semaphore, #tpu.memory_space<semaphore_mem>>)
      } else {
      }
      %dma_wait3A_606 = tpu.memref_slice %arg4[%add3A_580] : memref<10240000xf32, #tpu.memory_space<hbm>> -> memref<8000xf32, #tpu.memory_space<hbm>>
      %dma_wait3A_607 = tpu.memref_slice %arg4[%add3A_580] : memref<10240000xf32, #tpu.memory_space<hbm>> -> memref<8000xf32, #tpu.memory_space<hbm>>
      tpu.wait_dma2 semaphore(%arg15 : memref<!tpu.dma_semaphore, #tpu.memory_space<semaphore_mem>>) src(%arg10 : memref<8000xf32, #tpu.memory_space<vmem>>) dst(%dma_wait3A_607 : memref<8000xf32, #tpu.memory_space<hbm>>)
      %dma_wait3A_608 = tpu.memref_slice %arg4[%add3A_596] : memref<10240000xf32, #tpu.memory_space<hbm>> -> memref<8000xf32, #tpu.memory_space<hbm>>
      %dma_wait3A_609 = tpu.memref_slice %arg4[%add3A_596] : memref<10240000xf32, #tpu.memory_space<hbm>> -> memref<8000xf32, #tpu.memory_space<hbm>>
      tpu.wait_dma2 semaphore(%arg16 : memref<!tpu.dma_semaphore, #tpu.memory_space<semaphore_mem>>) src(%arg11 : memref<8000xf32, #tpu.memory_space<vmem>>) dst(%dma_wait3A_609 : memref<8000xf32, #tpu.memory_space<hbm>>)
      %dma_wait3A_610 = tpu.memref_slice %arg4[%add3A_558] : memref<10240000xf32, #tpu.memory_space<hbm>> -> memref<8000xf32, #tpu.memory_space<hbm>>
      %dma_wait3A_611 = tpu.memref_slice %arg4[%add3A_558] : memref<10240000xf32, #tpu.memory_space<hbm>> -> memref<8000xf32, #tpu.memory_space<hbm>>
      tpu.wait_dma2 semaphore(%arg17 : memref<!tpu.dma_semaphore, #tpu.memory_space<semaphore_mem>>) src(%arg12 : memref<8000xf32, #tpu.memory_space<vmem>>) dst(%dma_wait3A_611 : memref<8000xf32, #tpu.memory_space<hbm>>)
      %barrier3A_612 = arith.constant 0 : index
      tpu.barrier barrier_id(%barrier3A_612)
    }
    %scan3A_10 = arith.constant 5 : i32
    return
  }
}

module attributes {stable_mosaic.version = 14 : i64} {
  func.func @_conv1_body(%arg0: i32, %arg1: memref<1x1000x128xf32, #tpu.memory_space<vmem>>, %arg2: memref<8000x128xf32, #tpu.memory_space<vmem>>, %arg3: memref<128x128xf32, #tpu.memory_space<vmem>>, %arg4: memref<1x128xf32, #tpu.memory_space<vmem>>, %arg5: memref<128x128xf32, #tpu.memory_space<vmem>>, %arg6: memref<1x128xf32, #tpu.memory_space<vmem>>, %arg7: memref<128x128xf32, #tpu.memory_space<vmem>>, %arg8: memref<1x1000x128xf32, #tpu.memory_space<vmem>>, %arg9: memref<8000x128xbf16, #tpu.memory_space<vmem>>, %arg10: memref<1x1x128xf32, #tpu.memory_space<vmem>>, %arg11: memref<1x1x128xf32, #tpu.memory_space<vmem>>, %arg12: memref<1x1x1000xf32, #tpu.memory_space<vmem>>) attributes {dimension_semantics = [#tpu.dimension_semantics<arbitrary>], iteration_bounds = array<i64: 10>, scalar_prefetch = 0 : i64, scratch_operands = 0 : i64, tpu.core_type = #tpu.core_type<tc>, window_params = [{transform_indices = @transform_0, window_bounds = array<i64: 1, 1000, 128>}, {transform_indices = @transform_1, window_bounds = array<i64: 8000, 128>}, {pipeline_mode = #tpu.pipeline_mode<synchronous>, transform_indices = @transform_2, window_bounds = array<i64: 128, 128>}, {pipeline_mode = #tpu.pipeline_mode<synchronous>, transform_indices = @transform_3, window_bounds = array<i64: 1, 128>}, {pipeline_mode = #tpu.pipeline_mode<synchronous>, transform_indices = @transform_4, window_bounds = array<i64: 128, 128>}, {pipeline_mode = #tpu.pipeline_mode<synchronous>, transform_indices = @transform_5, window_bounds = array<i64: 1, 128>}, {pipeline_mode = #tpu.pipeline_mode<synchronous>, transform_indices = @transform_6, window_bounds = array<i64: 128, 128>}, {transform_indices = @transform_7, window_bounds = array<i64: 1, 1000, 128>}, {transform_indices = @transform_8, window_bounds = array<i64: 8000, 128>}, {transform_indices = @transform_9, window_bounds = array<i64: 1, 1, 128>}, {transform_indices = @transform_10, window_bounds = array<i64: 1, 1, 128>}, {transform_indices = @transform_11, window_bounds = array<i64: 1, 1, 1000>}]} {
    %get3A = arith.constant 0 : index
    %get3A_0 = arith.constant 0 : index
    %get3A_1 = arith.constant 0 : index
    %get3A_2 = vector.load %arg1[%get3A, %get3A_0, %get3A_1] : memref<1x1000x128xf32, #tpu.memory_space<vmem>>, vector<1x1000x128xf32>
    %get3A_3 = vector.shape_cast %get3A_2 : vector<1x1000x128xf32> to vector<1000x128xf32>
    %get3A_4 = arith.constant 0 : index
    %get3A_5 = arith.constant 0 : index
    %get3A_6 = vector.load %arg3[%get3A_4, %get3A_5] : memref<128x128xf32, #tpu.memory_space<vmem>>, vector<128x128xf32>
    %dot_general3A = arith.constant dense<0.000000e+00> : vector<1000x128xf32>
    %dot_general3A_7 = tpu.matmul %get3A_3, %get3A_6, %dot_general3A {dimension_numbers = #tpu.dot_dimension_numbers<[1], [0], [0], [1], [0, 0, 1, 1], [], []>, transpose_lhs_hint = false} : vector<1000x128xf32>, vector<128x128xf32>, vector<1000x128xf32> -> vector<1000x128xf32>
    %get3A_8 = arith.constant 0 : index
    %get3A_9 = arith.constant 0 : index
    %get3A_10 = vector.load %arg4[%get3A_8, %get3A_9] : memref<1x128xf32, #tpu.memory_space<vmem>>, vector<1x128xf32>
    %add3A = vector.broadcast %get3A_10 : vector<1x128xf32> to vector<1000x128xf32>
    %add3A_11 = arith.addf %dot_general3A_7, %add3A : vector<1000x128xf32>
    %broadcast_in_dim3A = arith.constant 0.000000e+00 : f32
    %broadcast_in_dim3A_12 = vector.broadcast %broadcast_in_dim3A : f32 to vector<24x128xf32>
    %concatenate3A = tpu.concatenate %add3A_11, %broadcast_in_dim3A_12 in 0 : vector<1000x128xf32>, vector<24x128xf32> -> vector<1024x128xf32>
    %convert_element_type3A = arith.truncf %concatenate3A : vector<1024x128xf32> to vector<1024x128xbf16>
    %get3A_13 = arith.constant 0 : index
    %get3A_14 = arith.constant 0 : index
    %get3A_15 = vector.load %arg2[%get3A_13, %get3A_14] : memref<8000x128xf32, #tpu.memory_space<vmem>>, vector<1000x128xf32>
    %convert_element_type3A_16 = arith.truncf %get3A_15 : vector<1000x128xf32> to vector<1000x128xbf16>
    %swap3A = arith.constant 0 : index
    %swap3A_17 = arith.constant 0 : index
    %swap3A_18 = vector.load %arg9[%swap3A, %swap3A_17] : memref<8000x128xbf16, #tpu.memory_space<vmem>>, vector<1000x128xbf16>
    tpu.vector_store %arg9[%swap3A, %swap3A_17], %convert_element_type3A_16 {strides = array<i32>} : memref<8000x128xbf16, #tpu.memory_space<vmem>>, vector<1000x128xbf16>,
    %slice3A = vector.extract_strided_slice %convert_element_type3A {offsets = [0, 0], sizes = [128, 128], strides = [1, 1]} : vector<1024x128xbf16> to vector<128x128xbf16>
    %dot_general3A_19 = arith.constant dense<0.000000e+00> : vector<1000x128xf32>
    %dot_general3A_20 = tpu.matmul %convert_element_type3A_16, %slice3A, %dot_general3A_19 {dimension_numbers = #tpu.dot_dimension_numbers<[1], [0], [0], [1], [0, 0, 1, 1], [], []>, transpose_lhs_hint = false} : vector<1000x128xbf16>, vector<128x128xbf16>, vector<1000x128xf32> -> vector<1000x128xf32>
    %reduce_sum3A = arith.constant dense<0.000000e+00> : vector<128xf32>
    %reduce_sum3A_21 = vector.multi_reduction <add>, %get3A_15, %reduce_sum3A [0] : vector<1000x128xf32> to vector<128xf32>
    %get3A_22 = arith.constant 1000 : index
    %get3A_23 = arith.constant 0 : index
    %get3A_24 = vector.load %arg2[%get3A_22, %get3A_23] : memref<8000x128xf32, #tpu.memory_space<vmem>>, vector<1000x128xf32>
    %convert_element_type3A_25 = arith.truncf %get3A_24 : vector<1000x128xf32> to vector<1000x128xbf16>
    %swap3A_26 = arith.constant 1000 : index
    %swap3A_27 = arith.constant 0 : index
    %swap3A_28 = vector.load %arg9[%swap3A_26, %swap3A_27] : memref<8000x128xbf16, #tpu.memory_space<vmem>>, vector<1000x128xbf16>
    tpu.vector_store %arg9[%swap3A_26, %swap3A_27], %convert_element_type3A_25 {strides = array<i32>} : memref<8000x128xbf16, #tpu.memory_space<vmem>>, vector<1000x128xbf16>,
    %slice3A_29 = vector.extract_strided_slice %convert_element_type3A {offsets = [128, 0], sizes = [128, 128], strides = [1, 1]} : vector<1024x128xbf16> to vector<128x128xbf16>
    %dot_general3A_30 = arith.constant dense<0.000000e+00> : vector<1000x128xf32>
    %dot_general3A_31 = tpu.matmul %convert_element_type3A_25, %slice3A_29, %dot_general3A_30 {dimension_numbers = #tpu.dot_dimension_numbers<[1], [0], [0], [1], [0, 0, 1, 1], [], []>, transpose_lhs_hint = false} : vector<1000x128xbf16>, vector<128x128xbf16>, vector<1000x128xf32> -> vector<1000x128xf32>
    %add3A_32 = arith.addf %dot_general3A_20, %dot_general3A_31 : vector<1000x128xf32>
    %reduce_sum3A_33 = arith.constant dense<0.000000e+00> : vector<128xf32>
    %reduce_sum3A_34 = vector.multi_reduction <add>, %get3A_24, %reduce_sum3A_33 [0] : vector<1000x128xf32> to vector<128xf32>
    %get3A_35 = arith.constant 2000 : index
    %get3A_36 = arith.constant 0 : index
    %get3A_37 = vector.load %arg2[%get3A_35, %get3A_36] : memref<8000x128xf32, #tpu.memory_space<vmem>>, vector<1000x128xf32>
    %convert_element_type3A_38 = arith.truncf %get3A_37 : vector<1000x128xf32> to vector<1000x128xbf16>
    %swap3A_39 = arith.constant 2000 : index
    %swap3A_40 = arith.constant 0 : index
    %swap3A_41 = vector.load %arg9[%swap3A_39, %swap3A_40] : memref<8000x128xbf16, #tpu.memory_space<vmem>>, vector<1000x128xbf16>
    tpu.vector_store %arg9[%swap3A_39, %swap3A_40], %convert_element_type3A_38 {strides = array<i32>} : memref<8000x128xbf16, #tpu.memory_space<vmem>>, vector<1000x128xbf16>,
    %slice3A_42 = vector.extract_strided_slice %convert_element_type3A {offsets = [256, 0], sizes = [128, 128], strides = [1, 1]} : vector<1024x128xbf16> to vector<128x128xbf16>
    %dot_general3A_43 = arith.constant dense<0.000000e+00> : vector<1000x128xf32>
    %dot_general3A_44 = tpu.matmul %convert_element_type3A_38, %slice3A_42, %dot_general3A_43 {dimension_numbers = #tpu.dot_dimension_numbers<[1], [0], [0], [1], [0, 0, 1, 1], [], []>, transpose_lhs_hint = false} : vector<1000x128xbf16>, vector<128x128xbf16>, vector<1000x128xf32> -> vector<1000x128xf32>
    %add3A_45 = arith.addf %add3A_32, %dot_general3A_44 : vector<1000x128xf32>
    %reduce_sum3A_46 = arith.constant dense<0.000000e+00> : vector<128xf32>
    %reduce_sum3A_47 = vector.multi_reduction <add>, %get3A_37, %reduce_sum3A_46 [0] : vector<1000x128xf32> to vector<128xf32>
    %get3A_48 = arith.constant 3000 : index
    %get3A_49 = arith.constant 0 : index
    %get3A_50 = vector.load %arg2[%get3A_48, %get3A_49] : memref<8000x128xf32, #tpu.memory_space<vmem>>, vector<1000x128xf32>
    %convert_element_type3A_51 = arith.truncf %get3A_50 : vector<1000x128xf32> to vector<1000x128xbf16>
    %swap3A_52 = arith.constant 3000 : index
    %swap3A_53 = arith.constant 0 : index
    %swap3A_54 = vector.load %arg9[%swap3A_52, %swap3A_53] : memref<8000x128xbf16, #tpu.memory_space<vmem>>, vector<1000x128xbf16>
    tpu.vector_store %arg9[%swap3A_52, %swap3A_53], %convert_element_type3A_51 {strides = array<i32>} : memref<8000x128xbf16, #tpu.memory_space<vmem>>, vector<1000x128xbf16>,
    %slice3A_55 = vector.extract_strided_slice %convert_element_type3A {offsets = [384, 0], sizes = [128, 128], strides = [1, 1]} : vector<1024x128xbf16> to vector<128x128xbf16>
    %dot_general3A_56 = arith.constant dense<0.000000e+00> : vector<1000x128xf32>
    %dot_general3A_57 = tpu.matmul %convert_element_type3A_51, %slice3A_55, %dot_general3A_56 {dimension_numbers = #tpu.dot_dimension_numbers<[1], [0], [0], [1], [0, 0, 1, 1], [], []>, transpose_lhs_hint = false} : vector<1000x128xbf16>, vector<128x128xbf16>, vector<1000x128xf32> -> vector<1000x128xf32>
    %add3A_58 = arith.addf %add3A_45, %dot_general3A_57 : vector<1000x128xf32>
    %reduce_sum3A_59 = arith.constant dense<0.000000e+00> : vector<128xf32>
    %reduce_sum3A_60 = vector.multi_reduction <add>, %get3A_50, %reduce_sum3A_59 [0] : vector<1000x128xf32> to vector<128xf32>
    %get3A_61 = arith.constant 4000 : index
    %get3A_62 = arith.constant 0 : index
    %get3A_63 = vector.load %arg2[%get3A_61, %get3A_62] : memref<8000x128xf32, #tpu.memory_space<vmem>>, vector<1000x128xf32>
    %convert_element_type3A_64 = arith.truncf %get3A_63 : vector<1000x128xf32> to vector<1000x128xbf16>
    %swap3A_65 = arith.constant 4000 : index
    %swap3A_66 = arith.constant 0 : index
    %swap3A_67 = vector.load %arg9[%swap3A_65, %swap3A_66] : memref<8000x128xbf16, #tpu.memory_space<vmem>>, vector<1000x128xbf16>
    tpu.vector_store %arg9[%swap3A_65, %swap3A_66], %convert_element_type3A_64 {strides = array<i32>} : memref<8000x128xbf16, #tpu.memory_space<vmem>>, vector<1000x128xbf16>,
    %slice3A_68 = vector.extract_strided_slice %convert_element_type3A {offsets = [512, 0], sizes = [128, 128], strides = [1, 1]} : vector<1024x128xbf16> to vector<128x128xbf16>
    %dot_general3A_69 = arith.constant dense<0.000000e+00> : vector<1000x128xf32>
    %dot_general3A_70 = tpu.matmul %convert_element_type3A_64, %slice3A_68, %dot_general3A_69 {dimension_numbers = #tpu.dot_dimension_numbers<[1], [0], [0], [1], [0, 0, 1, 1], [], []>, transpose_lhs_hint = false} : vector<1000x128xbf16>, vector<128x128xbf16>, vector<1000x128xf32> -> vector<1000x128xf32>
    %add3A_71 = arith.addf %add3A_58, %dot_general3A_70 : vector<1000x128xf32>
    %reduce_sum3A_72 = arith.constant dense<0.000000e+00> : vector<128xf32>
    %reduce_sum3A_73 = vector.multi_reduction <add>, %get3A_63, %reduce_sum3A_72 [0] : vector<1000x128xf32> to vector<128xf32>
    %get3A_74 = arith.constant 5000 : index
    %get3A_75 = arith.constant 0 : index
    %get3A_76 = vector.load %arg2[%get3A_74, %get3A_75] : memref<8000x128xf32, #tpu.memory_space<vmem>>, vector<1000x128xf32>
    %convert_element_type3A_77 = arith.truncf %get3A_76 : vector<1000x128xf32> to vector<1000x128xbf16>
    %swap3A_78 = arith.constant 5000 : index
    %swap3A_79 = arith.constant 0 : index
    %swap3A_80 = vector.load %arg9[%swap3A_78, %swap3A_79] : memref<8000x128xbf16, #tpu.memory_space<vmem>>, vector<1000x128xbf16>
    tpu.vector_store %arg9[%swap3A_78, %swap3A_79], %convert_element_type3A_77 {strides = array<i32>} : memref<8000x128xbf16, #tpu.memory_space<vmem>>, vector<1000x128xbf16>,
    %slice3A_81 = vector.extract_strided_slice %convert_element_type3A {offsets = [640, 0], sizes = [128, 128], strides = [1, 1]} : vector<1024x128xbf16> to vector<128x128xbf16>
    %dot_general3A_82 = arith.constant dense<0.000000e+00> : vector<1000x128xf32>
    %dot_general3A_83 = tpu.matmul %convert_element_type3A_77, %slice3A_81, %dot_general3A_82 {dimension_numbers = #tpu.dot_dimension_numbers<[1], [0], [0], [1], [0, 0, 1, 1], [], []>, transpose_lhs_hint = false} : vector<1000x128xbf16>, vector<128x128xbf16>, vector<1000x128xf32> -> vector<1000x128xf32>
    %add3A_84 = arith.addf %add3A_71, %dot_general3A_83 : vector<1000x128xf32>
    %reduce_sum3A_85 = arith.constant dense<0.000000e+00> : vector<128xf32>
    %reduce_sum3A_86 = vector.multi_reduction <add>, %get3A_76, %reduce_sum3A_85 [0] : vector<1000x128xf32> to vector<128xf32>
    %get3A_87 = arith.constant 6000 : index
    %get3A_88 = arith.constant 0 : index
    %get3A_89 = vector.load %arg2[%get3A_87, %get3A_88] : memref<8000x128xf32, #tpu.memory_space<vmem>>, vector<1000x128xf32>
    %convert_element_type3A_90 = arith.truncf %get3A_89 : vector<1000x128xf32> to vector<1000x128xbf16>
    %swap3A_91 = arith.constant 6000 : index
    %swap3A_92 = arith.constant 0 : index
    %swap3A_93 = vector.load %arg9[%swap3A_91, %swap3A_92] : memref<8000x128xbf16, #tpu.memory_space<vmem>>, vector<1000x128xbf16>
    tpu.vector_store %arg9[%swap3A_91, %swap3A_92], %convert_element_type3A_90 {strides = array<i32>} : memref<8000x128xbf16, #tpu.memory_space<vmem>>, vector<1000x128xbf16>,
    %slice3A_94 = vector.extract_strided_slice %convert_element_type3A {offsets = [768, 0], sizes = [128, 128], strides = [1, 1]} : vector<1024x128xbf16> to vector<128x128xbf16>
    %dot_general3A_95 = arith.constant dense<0.000000e+00> : vector<1000x128xf32>
    %dot_general3A_96 = tpu.matmul %convert_element_type3A_90, %slice3A_94, %dot_general3A_95 {dimension_numbers = #tpu.dot_dimension_numbers<[1], [0], [0], [1], [0, 0, 1, 1], [], []>, transpose_lhs_hint = false} : vector<1000x128xbf16>, vector<128x128xbf16>, vector<1000x128xf32> -> vector<1000x128xf32>
    %add3A_97 = arith.addf %add3A_84, %dot_general3A_96 : vector<1000x128xf32>
    %reduce_sum3A_98 = arith.constant dense<0.000000e+00> : vector<128xf32>
    %reduce_sum3A_99 = vector.multi_reduction <add>, %get3A_89, %reduce_sum3A_98 [0] : vector<1000x128xf32> to vector<128xf32>
    %get3A_100 = arith.constant 7000 : index
    %get3A_101 = arith.constant 0 : index
    %get3A_102 = vector.load %arg2[%get3A_100, %get3A_101] : memref<8000x128xf32, #tpu.memory_space<vmem>>, vector<1000x128xf32>
    %convert_element_type3A_103 = arith.truncf %get3A_102 : vector<1000x128xf32> to vector<1000x128xbf16>
    %swap3A_104 = arith.constant 7000 : index
    %swap3A_105 = arith.constant 0 : index
    %swap3A_106 = vector.load %arg9[%swap3A_104, %swap3A_105] : memref<8000x128xbf16, #tpu.memory_space<vmem>>, vector<1000x128xbf16>
    tpu.vector_store %arg9[%swap3A_104, %swap3A_105], %convert_element_type3A_103 {strides = array<i32>} : memref<8000x128xbf16, #tpu.memory_space<vmem>>, vector<1000x128xbf16>,
    %slice3A_107 = vector.extract_strided_slice %convert_element_type3A {offsets = [896, 0], sizes = [128, 128], strides = [1, 1]} : vector<1024x128xbf16> to vector<128x128xbf16>
    %dot_general3A_108 = arith.constant dense<0.000000e+00> : vector<1000x128xf32>
    %dot_general3A_109 = tpu.matmul %convert_element_type3A_103, %slice3A_107, %dot_general3A_108 {dimension_numbers = #tpu.dot_dimension_numbers<[1], [0], [0], [1], [0, 0, 1, 1], [], []>, transpose_lhs_hint = false} : vector<1000x128xbf16>, vector<128x128xbf16>, vector<1000x128xf32> -> vector<1000x128xf32>
    %add3A_110 = arith.addf %add3A_97, %dot_general3A_109 : vector<1000x128xf32>
    %reduce_sum3A_111 = arith.constant dense<0.000000e+00> : vector<128xf32>
    %reduce_sum3A_112 = vector.multi_reduction <add>, %get3A_102, %reduce_sum3A_111 [0] : vector<1000x128xf32> to vector<128xf32>
    %get3A_113 = arith.constant 0 : index
    %get3A_114 = arith.constant 0 : index
    %get3A_115 = vector.load %arg5[%get3A_113, %get3A_114] : memref<128x128xf32, #tpu.memory_space<vmem>>, vector<128x128xf32>
    %dot_general3A_116 = arith.constant dense<0.000000e+00> : vector<1000x128xf32>
    %dot_general3A_117 = tpu.matmul %add3A_110, %get3A_115, %dot_general3A_116 {dimension_numbers = #tpu.dot_dimension_numbers<[1], [0], [0], [1], [0, 0, 1, 1], [], []>, transpose_lhs_hint = false} : vector<1000x128xf32>, vector<128x128xf32>, vector<1000x128xf32> -> vector<1000x128xf32>
    %get3A_118 = arith.constant 0 : index
    %get3A_119 = arith.constant 0 : index
    %get3A_120 = vector.load %arg7[%get3A_118, %get3A_119] : memref<128x128xf32, #tpu.memory_space<vmem>>, vector<128x128xf32>
    %dot_general3A_121 = arith.constant dense<0.000000e+00> : vector<1000x128xf32>
    %dot_general3A_122 = tpu.matmul %add3A_11, %get3A_120, %dot_general3A_121 {dimension_numbers = #tpu.dot_dimension_numbers<[1], [0], [0], [1], [0, 0, 1, 1], [], []>, transpose_lhs_hint = false} : vector<1000x128xf32>, vector<128x128xf32>, vector<1000x128xf32> -> vector<1000x128xf32>
    %add3A_123 = arith.addf %dot_general3A_117, %dot_general3A_122 : vector<1000x128xf32>
    %get3A_124 = arith.constant 0 : index
    %get3A_125 = arith.constant 0 : index
    %get3A_126 = vector.load %arg6[%get3A_124, %get3A_125] : memref<1x128xf32, #tpu.memory_space<vmem>>, vector<1x128xf32>
    %add3A_127 = vector.broadcast %get3A_126 : vector<1x128xf32> to vector<1000x128xf32>
    %add3A_128 = arith.addf %add3A_123, %add3A_127 : vector<1000x128xf32>
    %swap3A_129 = arith.constant 0 : index
    %swap3A_130 = arith.constant 0 : index
    %swap3A_131 = arith.constant 0 : index
    %swap3A_132 = vector.load %arg8[%swap3A_129, %swap3A_130, %swap3A_131] : memref<1x1000x128xf32, #tpu.memory_space<vmem>>, vector<1x1000x128xf32>
    %swap3A_133 = vector.shape_cast %swap3A_132 : vector<1x1000x128xf32> to vector<1000x128xf32>
    %swap3A_134 = vector.shape_cast %add3A_128 : vector<1000x128xf32> to vector<1x1000x128xf32>
    tpu.vector_store %arg8[%swap3A_129, %swap3A_130, %swap3A_131], %swap3A_134 {strides = array<i32>} : memref<1x1000x128xf32, #tpu.memory_space<vmem>>, vector<1x1000x128xf32>,
    %reduce_sum3A_135 = arith.constant dense<0.000000e+00> : vector<128xf32>
    %reduce_sum3A_136 = vector.multi_reduction <add>, %add3A_128, %reduce_sum3A_135 [0] : vector<1000x128xf32> to vector<128xf32>
    %broadcast_in_dim3A_137 = vector.shape_cast %reduce_sum3A_136 : vector<128xf32> to vector<1x128xf32>
    %swap3A_138 = arith.constant 0 : index
    %swap3A_139 = arith.constant 0 : index
    %swap3A_140 = arith.constant 0 : index
    %swap3A_141 = vector.load %arg10[%swap3A_138, %swap3A_139, %swap3A_140] : memref<1x1x128xf32, #tpu.memory_space<vmem>>, vector<1x1x128xf32>
    %swap3A_142 = vector.shape_cast %swap3A_141 : vector<1x1x128xf32> to vector<1x128xf32>
    %swap3A_143 = vector.shape_cast %broadcast_in_dim3A_137 : vector<1x128xf32> to vector<1x1x128xf32>
    tpu.vector_store %arg10[%swap3A_138, %swap3A_139, %swap3A_140], %swap3A_143 {strides = array<i32>} : memref<1x1x128xf32, #tpu.memory_space<vmem>>, vector<1x1x128xf32>,
    %mul3A = arith.mulf %add3A_128, %add3A_128 : vector<1000x128xf32>
    %reduce_sum3A_144 = arith.constant dense<0.000000e+00> : vector<128xf32>
    %reduce_sum3A_145 = vector.multi_reduction <add>, %mul3A, %reduce_sum3A_144 [0] : vector<1000x128xf32> to vector<128xf32>
    %broadcast_in_dim3A_146 = vector.shape_cast %reduce_sum3A_145 : vector<128xf32> to vector<1x128xf32>
    %swap3A_147 = arith.constant 0 : index
    %swap3A_148 = arith.constant 0 : index
    %swap3A_149 = arith.constant 0 : index
    %swap3A_150 = vector.load %arg11[%swap3A_147, %swap3A_148, %swap3A_149] : memref<1x1x128xf32, #tpu.memory_space<vmem>>, vector<1x1x128xf32>
    %swap3A_151 = vector.shape_cast %swap3A_150 : vector<1x1x128xf32> to vector<1x128xf32>
    %swap3A_152 = vector.shape_cast %broadcast_in_dim3A_146 : vector<1x128xf32> to vector<1x1x128xf32>
    tpu.vector_store %arg11[%swap3A_147, %swap3A_148, %swap3A_149], %swap3A_152 {strides = array<i32>} : memref<1x1x128xf32, #tpu.memory_space<vmem>>, vector<1x1x128xf32>,
    %concatenate3A_153 = tpu.concatenate %reduce_sum3A_21, %reduce_sum3A_34, %reduce_sum3A_47, %reduce_sum3A_60, %reduce_sum3A_73, %reduce_sum3A_86, %reduce_sum3A_99, %reduce_sum3A_112 in 0 : vector<128xf32>, vector<128xf32>, vector<128xf32>, vector<128xf32>, vector<128xf32>, vector<128xf32>, vector<128xf32>, vector<128xf32> -> vector<1024xf32>
    %slice3A_154 = vector.extract_strided_slice %concatenate3A_153 {offsets = [0], sizes = [1000], strides = [1]} : vector<1024xf32> to vector<1000xf32>
    %reshape3A = vector.shape_cast %slice3A_154 : vector<1000xf32> to vector<1x1000xf32>
    %swap3A_155 = arith.constant 0 : index
    %swap3A_156 = arith.constant 0 : index
    %swap3A_157 = arith.constant 0 : index
    %swap3A_158 = vector.load %arg12[%swap3A_155, %swap3A_156, %swap3A_157] : memref<1x1x1000xf32, #tpu.memory_space<vmem>>, vector<1x1x1000xf32>
    %swap3A_159 = vector.shape_cast %swap3A_158 : vector<1x1x1000xf32> to vector<1x1000xf32>
    %swap3A_160 = vector.shape_cast %reshape3A : vector<1x1000xf32> to vector<1x1x1000xf32>
    tpu.vector_store %arg12[%swap3A_155, %swap3A_156, %swap3A_157], %swap3A_160 {strides = array<i32>} : memref<1x1x1000xf32, #tpu.memory_space<vmem>>, vector<1x1x1000xf32>,
    return
  }
  func.func @transform_0(%arg0: i32) -> (i32, i32, i32) {
    %c0_i32 = arith.constant 0 : i32
    %c0_i32_0 = arith.constant 0 : i32
    %c0_i32_1 = arith.constant 0 : i32
    return %arg0, %c0_i32, %c0_i32_0 : i32, i32, i32
  }
  func.func @transform_1(%arg0: i32) -> (i32, i32) {
    %c0_i32 = arith.constant 0 : i32
    %c0_i32_0 = arith.constant 0 : i32
    return %arg0, %c0_i32 : i32, i32
  }
  func.func @transform_2(%arg0: i32) -> (i32, i32) {
    %c0_i32 = arith.constant 0 : i32
    %c0_i32_0 = arith.constant 0 : i32
    %c0_i32_1 = arith.constant 0 : i32
    return %c0_i32, %c0_i32_0 : i32, i32
  }
  func.func @transform_3(%arg0: i32) -> (i32, i32) {
    %c0_i32 = arith.constant 0 : i32
    %c0_i32_0 = arith.constant 0 : i32
    %c0_i32_1 = arith.constant 0 : i32
    return %c0_i32, %c0_i32_0 : i32, i32
  }
  func.func @transform_4(%arg0: i32) -> (i32, i32) {
    %c0_i32 = arith.constant 0 : i32
    %c0_i32_0 = arith.constant 0 : i32
    %c0_i32_1 = arith.constant 0 : i32
    return %c0_i32, %c0_i32_0 : i32, i32
  }
  func.func @transform_5(%arg0: i32) -> (i32, i32) {
    %c0_i32 = arith.constant 0 : i32
    %c0_i32_0 = arith.constant 0 : i32
    %c0_i32_1 = arith.constant 0 : i32
    return %c0_i32, %c0_i32_0 : i32, i32
  }
  func.func @transform_6(%arg0: i32) -> (i32, i32) {
    %c0_i32 = arith.constant 0 : i32
    %c0_i32_0 = arith.constant 0 : i32
    %c0_i32_1 = arith.constant 0 : i32
    return %c0_i32, %c0_i32_0 : i32, i32
  }
  func.func @transform_7(%arg0: i32) -> (i32, i32, i32) {
    %c0_i32 = arith.constant 0 : i32
    %c0_i32_0 = arith.constant 0 : i32
    %c0_i32_1 = arith.constant 0 : i32
    return %arg0, %c0_i32, %c0_i32_0 : i32, i32, i32
  }
  func.func @transform_8(%arg0: i32) -> (i32, i32) {
    %c0_i32 = arith.constant 0 : i32
    %c0_i32_0 = arith.constant 0 : i32
    return %arg0, %c0_i32 : i32, i32
  }
  func.func @transform_9(%arg0: i32) -> (i32, i32, i32) {
    %c0_i32 = arith.constant 0 : i32
    %c0_i32_0 = arith.constant 0 : i32
    %c0_i32_1 = arith.constant 0 : i32
    return %arg0, %c0_i32, %c0_i32_0 : i32, i32, i32
  }
  func.func @transform_10(%arg0: i32) -> (i32, i32, i32) {
    %c0_i32 = arith.constant 0 : i32
    %c0_i32_0 = arith.constant 0 : i32
    %c0_i32_1 = arith.constant 0 : i32
    return %arg0, %c0_i32, %c0_i32_0 : i32, i32, i32
  }
  func.func @transform_11(%arg0: i32) -> (i32, i32, i32) {
    %c0_i32 = arith.constant 0 : i32
    %c0_i32_0 = arith.constant 0 : i32
    %c0_i32_1 = arith.constant 0 : i32
    return %arg0, %c0_i32, %c0_i32_0 : i32, i32, i32
  }
}

module attributes {stable_mosaic.version = 14 : i64} {
  func.func @_conv2_body(%arg0: i32, %arg1: memref<1x1000x128xf32, #tpu.memory_space<vmem>>, %arg2: memref<8000x128xbf16, #tpu.memory_space<vmem>>, %arg3: memref<10x1x128xf32, #tpu.memory_space<vmem>>, %arg4: memref<10x1x128xf32, #tpu.memory_space<vmem>>, %arg5: memref<1x128xf32, #tpu.memory_space<vmem>>, %arg6: memref<1x128xf32, #tpu.memory_space<vmem>>, %arg7: memref<128x128xf32, #tpu.memory_space<vmem>>, %arg8: memref<1x128xf32, #tpu.memory_space<vmem>>, %arg9: memref<128x128xf32, #tpu.memory_space<vmem>>, %arg10: memref<1x1000x128xf32, #tpu.memory_space<vmem>>, %arg11: memref<1x1x128xf32, #tpu.memory_space<vmem>>, %arg12: memref<1x1x128xf32, #tpu.memory_space<vmem>>) attributes {dimension_semantics = [#tpu.dimension_semantics<arbitrary>], iteration_bounds = array<i64: 10>, scalar_prefetch = 0 : i64, scratch_operands = 0 : i64, tpu.core_type = #tpu.core_type<tc>, window_params = [{transform_indices = @transform_0, window_bounds = array<i64: 1, 1000, 128>}, {transform_indices = @transform_1, window_bounds = array<i64: 8000, 128>}, {pipeline_mode = #tpu.pipeline_mode<synchronous>, transform_indices = @transform_2, window_bounds = array<i64: 10, 1, 128>}, {pipeline_mode = #tpu.pipeline_mode<synchronous>, transform_indices = @transform_3, window_bounds = array<i64: 10, 1, 128>}, {pipeline_mode = #tpu.pipeline_mode<synchronous>, transform_indices = @transform_4, window_bounds = array<i64: 1, 128>}, {pipeline_mode = #tpu.pipeline_mode<synchronous>, transform_indices = @transform_5, window_bounds = array<i64: 1, 128>}, {pipeline_mode = #tpu.pipeline_mode<synchronous>, transform_indices = @transform_6, window_bounds = array<i64: 128, 128>}, {pipeline_mode = #tpu.pipeline_mode<synchronous>, transform_indices = @transform_7, window_bounds = array<i64: 1, 128>}, {pipeline_mode = #tpu.pipeline_mode<synchronous>, transform_indices = @transform_8, window_bounds = array<i64: 128, 128>}, {transform_indices = @transform_9, window_bounds = array<i64: 1, 1000, 128>}, {transform_indices = @transform_10, window_bounds = array<i64: 1, 1, 128>}, {transform_indices = @transform_11, window_bounds = array<i64: 1, 1, 128>}]} {
    %get3A = arith.constant 0 : index
    %get3A_0 = arith.constant 0 : index
    %get3A_1 = arith.constant 0 : index
    %get3A_2 = vector.load %arg3[%get3A, %get3A_0, %get3A_1] : memref<10x1x128xf32, #tpu.memory_space<vmem>>, vector<10x1x128xf32>
    %reduce_sum3A = arith.constant dense<0.000000e+00> : vector<1x128xf32>
    %reduce_sum3A_3 = vector.multi_reduction <add>, %get3A_2, %reduce_sum3A [0] : vector<10x1x128xf32> to vector<1x128xf32>
    %div3A = arith.constant 1.000000e+04 : f32
    %div3A_4 = vector.broadcast %div3A : f32 to vector<1x128xf32>
    %div3A_5 = arith.divf %reduce_sum3A_3, %div3A_4 : vector<1x128xf32>
    %get3A_6 = arith.constant 0 : index
    %get3A_7 = arith.constant 0 : index
    %get3A_8 = arith.constant 0 : index
    %get3A_9 = vector.load %arg4[%get3A_6, %get3A_7, %get3A_8] : memref<10x1x128xf32, #tpu.memory_space<vmem>>, vector<10x1x128xf32>
    %reduce_sum3A_10 = arith.constant dense<0.000000e+00> : vector<1x128xf32>
    %reduce_sum3A_11 = vector.multi_reduction <add>, %get3A_9, %reduce_sum3A_10 [0] : vector<10x1x128xf32> to vector<1x128xf32>
    %div3A_12 = arith.constant 1.000000e+04 : f32
    %div3A_13 = vector.broadcast %div3A_12 : f32 to vector<1x128xf32>
    %div3A_14 = arith.divf %reduce_sum3A_11, %div3A_13 : vector<1x128xf32>
    %mul3A = arith.mulf %div3A_5, %div3A_5 : vector<1x128xf32>
    %sub3A = arith.subf %div3A_14, %mul3A : vector<1x128xf32>
    %add3A = arith.constant 9.99999974E-6 : f32
    %add3A_15 = vector.broadcast %add3A : f32 to vector<1x128xf32>
    %add3A_16 = arith.addf %sub3A, %add3A_15 : vector<1x128xf32>
    %rsqrt3A = math.rsqrt %add3A_16 : vector<1x128xf32>
    %get3A_17 = arith.constant 0 : index
    %get3A_18 = arith.constant 0 : index
    %get3A_19 = arith.constant 0 : index
    %get3A_20 = vector.load %arg1[%get3A_17, %get3A_18, %get3A_19] : memref<1x1000x128xf32, #tpu.memory_space<vmem>>, vector<1x1000x128xf32>
    %get3A_21 = vector.shape_cast %get3A_20 : vector<1x1000x128xf32> to vector<1000x128xf32>
    %sub3A_22 = vector.broadcast %div3A_5 : vector<1x128xf32> to vector<1000x128xf32>
    %sub3A_23 = arith.subf %get3A_21, %sub3A_22 : vector<1000x128xf32>
    %mul3A_24 = vector.broadcast %rsqrt3A : vector<1x128xf32> to vector<1000x128xf32>
    %mul3A_25 = arith.mulf %sub3A_23, %mul3A_24 : vector<1000x128xf32>
    %get3A_26 = arith.constant 0 : index
    %get3A_27 = arith.constant 0 : index
    %get3A_28 = vector.load %arg5[%get3A_26, %get3A_27] : memref<1x128xf32, #tpu.memory_space<vmem>>, vector<1x128xf32>
    %mul3A_29 = vector.broadcast %get3A_28 : vector<1x128xf32> to vector<1000x128xf32>
    %mul3A_30 = arith.mulf %mul3A_25, %mul3A_29 : vector<1000x128xf32>
    %get3A_31 = arith.constant 0 : index
    %get3A_32 = arith.constant 0 : index
    %get3A_33 = vector.load %arg6[%get3A_31, %get3A_32] : memref<1x128xf32, #tpu.memory_space<vmem>>, vector<1x128xf32>
    %add3A_34 = vector.broadcast %get3A_33 : vector<1x128xf32> to vector<1000x128xf32>
    %add3A_35 = arith.addf %mul3A_30, %add3A_34 : vector<1000x128xf32>
    %max3A = arith.constant 0.000000e+00 : f32
    %max3A_36 = vector.broadcast %max3A : f32 to vector<1000x128xf32>
    %max3A_37 = arith.maximumf %add3A_35, %max3A_36 : vector<1000x128xf32>
    %broadcast_in_dim3A = arith.constant 0.000000e+00 : f32
    %broadcast_in_dim3A_38 = vector.broadcast %broadcast_in_dim3A : f32 to vector<24x128xf32>
    %concatenate3A = tpu.concatenate %max3A_37, %broadcast_in_dim3A_38 in 0 : vector<1000x128xf32>, vector<24x128xf32> -> vector<1024x128xf32>
    %convert_element_type3A = arith.truncf %concatenate3A : vector<1024x128xf32> to vector<1024x128xbf16>
    %get3A_39 = arith.constant 0 : index
    %get3A_40 = arith.constant 0 : index
    %get3A_41 = vector.load %arg2[%get3A_39, %get3A_40] : memref<8000x128xbf16, #tpu.memory_space<vmem>>, vector<1000x128xbf16>
    %slice3A = vector.extract_strided_slice %convert_element_type3A {offsets = [0, 0], sizes = [128, 128], strides = [1, 1]} : vector<1024x128xbf16> to vector<128x128xbf16>
    %dot_general3A = arith.constant dense<0.000000e+00> : vector<1000x128xf32>
    %dot_general3A_42 = tpu.matmul %get3A_41, %slice3A, %dot_general3A {dimension_numbers = #tpu.dot_dimension_numbers<[1], [0], [0], [1], [0, 0, 1, 1], [], []>, transpose_lhs_hint = false} : vector<1000x128xbf16>, vector<128x128xbf16>, vector<1000x128xf32> -> vector<1000x128xf32>
    %get3A_43 = arith.constant 1000 : index
    %get3A_44 = arith.constant 0 : index
    %get3A_45 = vector.load %arg2[%get3A_43, %get3A_44] : memref<8000x128xbf16, #tpu.memory_space<vmem>>, vector<1000x128xbf16>
    %slice3A_46 = vector.extract_strided_slice %convert_element_type3A {offsets = [128, 0], sizes = [128, 128], strides = [1, 1]} : vector<1024x128xbf16> to vector<128x128xbf16>
    %dot_general3A_47 = arith.constant dense<0.000000e+00> : vector<1000x128xf32>
    %dot_general3A_48 = tpu.matmul %get3A_45, %slice3A_46, %dot_general3A_47 {dimension_numbers = #tpu.dot_dimension_numbers<[1], [0], [0], [1], [0, 0, 1, 1], [], []>, transpose_lhs_hint = false} : vector<1000x128xbf16>, vector<128x128xbf16>, vector<1000x128xf32> -> vector<1000x128xf32>
    %add3A_49 = arith.addf %dot_general3A_42, %dot_general3A_48 : vector<1000x128xf32>
    %get3A_50 = arith.constant 2000 : index
    %get3A_51 = arith.constant 0 : index
    %get3A_52 = vector.load %arg2[%get3A_50, %get3A_51] : memref<8000x128xbf16, #tpu.memory_space<vmem>>, vector<1000x128xbf16>
    %slice3A_53 = vector.extract_strided_slice %convert_element_type3A {offsets = [256, 0], sizes = [128, 128], strides = [1, 1]} : vector<1024x128xbf16> to vector<128x128xbf16>
    %dot_general3A_54 = arith.constant dense<0.000000e+00> : vector<1000x128xf32>
    %dot_general3A_55 = tpu.matmul %get3A_52, %slice3A_53, %dot_general3A_54 {dimension_numbers = #tpu.dot_dimension_numbers<[1], [0], [0], [1], [0, 0, 1, 1], [], []>, transpose_lhs_hint = false} : vector<1000x128xbf16>, vector<128x128xbf16>, vector<1000x128xf32> -> vector<1000x128xf32>
    %add3A_56 = arith.addf %add3A_49, %dot_general3A_55 : vector<1000x128xf32>
    %get3A_57 = arith.constant 3000 : index
    %get3A_58 = arith.constant 0 : index
    %get3A_59 = vector.load %arg2[%get3A_57, %get3A_58] : memref<8000x128xbf16, #tpu.memory_space<vmem>>, vector<1000x128xbf16>
    %slice3A_60 = vector.extract_strided_slice %convert_element_type3A {offsets = [384, 0], sizes = [128, 128], strides = [1, 1]} : vector<1024x128xbf16> to vector<128x128xbf16>
    %dot_general3A_61 = arith.constant dense<0.000000e+00> : vector<1000x128xf32>
    %dot_general3A_62 = tpu.matmul %get3A_59, %slice3A_60, %dot_general3A_61 {dimension_numbers = #tpu.dot_dimension_numbers<[1], [0], [0], [1], [0, 0, 1, 1], [], []>, transpose_lhs_hint = false} : vector<1000x128xbf16>, vector<128x128xbf16>, vector<1000x128xf32> -> vector<1000x128xf32>
    %add3A_63 = arith.addf %add3A_56, %dot_general3A_62 : vector<1000x128xf32>
    %get3A_64 = arith.constant 4000 : index
    %get3A_65 = arith.constant 0 : index
    %get3A_66 = vector.load %arg2[%get3A_64, %get3A_65] : memref<8000x128xbf16, #tpu.memory_space<vmem>>, vector<1000x128xbf16>
    %slice3A_67 = vector.extract_strided_slice %convert_element_type3A {offsets = [512, 0], sizes = [128, 128], strides = [1, 1]} : vector<1024x128xbf16> to vector<128x128xbf16>
    %dot_general3A_68 = arith.constant dense<0.000000e+00> : vector<1000x128xf32>
    %dot_general3A_69 = tpu.matmul %get3A_66, %slice3A_67, %dot_general3A_68 {dimension_numbers = #tpu.dot_dimension_numbers<[1], [0], [0], [1], [0, 0, 1, 1], [], []>, transpose_lhs_hint = false} : vector<1000x128xbf16>, vector<128x128xbf16>, vector<1000x128xf32> -> vector<1000x128xf32>
    %add3A_70 = arith.addf %add3A_63, %dot_general3A_69 : vector<1000x128xf32>
    %get3A_71 = arith.constant 5000 : index
    %get3A_72 = arith.constant 0 : index
    %get3A_73 = vector.load %arg2[%get3A_71, %get3A_72] : memref<8000x128xbf16, #tpu.memory_space<vmem>>, vector<1000x128xbf16>
    %slice3A_74 = vector.extract_strided_slice %convert_element_type3A {offsets = [640, 0], sizes = [128, 128], strides = [1, 1]} : vector<1024x128xbf16> to vector<128x128xbf16>
    %dot_general3A_75 = arith.constant dense<0.000000e+00> : vector<1000x128xf32>
    %dot_general3A_76 = tpu.matmul %get3A_73, %slice3A_74, %dot_general3A_75 {dimension_numbers = #tpu.dot_dimension_numbers<[1], [0], [0], [1], [0, 0, 1, 1], [], []>, transpose_lhs_hint = false} : vector<1000x128xbf16>, vector<128x128xbf16>, vector<1000x128xf32> -> vector<1000x128xf32>
    %add3A_77 = arith.addf %add3A_70, %dot_general3A_76 : vector<1000x128xf32>
    %get3A_78 = arith.constant 6000 : index
    %get3A_79 = arith.constant 0 : index
    %get3A_80 = vector.load %arg2[%get3A_78, %get3A_79] : memref<8000x128xbf16, #tpu.memory_space<vmem>>, vector<1000x128xbf16>
    %slice3A_81 = vector.extract_strided_slice %convert_element_type3A {offsets = [768, 0], sizes = [128, 128], strides = [1, 1]} : vector<1024x128xbf16> to vector<128x128xbf16>
    %dot_general3A_82 = arith.constant dense<0.000000e+00> : vector<1000x128xf32>
    %dot_general3A_83 = tpu.matmul %get3A_80, %slice3A_81, %dot_general3A_82 {dimension_numbers = #tpu.dot_dimension_numbers<[1], [0], [0], [1], [0, 0, 1, 1], [], []>, transpose_lhs_hint = false} : vector<1000x128xbf16>, vector<128x128xbf16>, vector<1000x128xf32> -> vector<1000x128xf32>
    %add3A_84 = arith.addf %add3A_77, %dot_general3A_83 : vector<1000x128xf32>
    %get3A_85 = arith.constant 7000 : index
    %get3A_86 = arith.constant 0 : index
    %get3A_87 = vector.load %arg2[%get3A_85, %get3A_86] : memref<8000x128xbf16, #tpu.memory_space<vmem>>, vector<1000x128xbf16>
    %slice3A_88 = vector.extract_strided_slice %convert_element_type3A {offsets = [896, 0], sizes = [128, 128], strides = [1, 1]} : vector<1024x128xbf16> to vector<128x128xbf16>
    %dot_general3A_89 = arith.constant dense<0.000000e+00> : vector<1000x128xf32>
    %dot_general3A_90 = tpu.matmul %get3A_87, %slice3A_88, %dot_general3A_89 {dimension_numbers = #tpu.dot_dimension_numbers<[1], [0], [0], [1], [0, 0, 1, 1], [], []>, transpose_lhs_hint = false} : vector<1000x128xbf16>, vector<128x128xbf16>, vector<1000x128xf32> -> vector<1000x128xf32>
    %add3A_91 = arith.addf %add3A_84, %dot_general3A_90 : vector<1000x128xf32>
    %get3A_92 = arith.constant 0 : index
    %get3A_93 = arith.constant 0 : index
    %get3A_94 = vector.load %arg7[%get3A_92, %get3A_93] : memref<128x128xf32, #tpu.memory_space<vmem>>, vector<128x128xf32>
    %dot_general3A_95 = arith.constant dense<0.000000e+00> : vector<1000x128xf32>
    %dot_general3A_96 = tpu.matmul %add3A_91, %get3A_94, %dot_general3A_95 {dimension_numbers = #tpu.dot_dimension_numbers<[1], [0], [0], [1], [0, 0, 1, 1], [], []>, transpose_lhs_hint = false} : vector<1000x128xf32>, vector<128x128xf32>, vector<1000x128xf32> -> vector<1000x128xf32>
    %get3A_97 = arith.constant 0 : index
    %get3A_98 = arith.constant 0 : index
    %get3A_99 = vector.load %arg9[%get3A_97, %get3A_98] : memref<128x128xf32, #tpu.memory_space<vmem>>, vector<128x128xf32>
    %dot_general3A_100 = arith.constant dense<0.000000e+00> : vector<1000x128xf32>
    %dot_general3A_101 = tpu.matmul %max3A_37, %get3A_99, %dot_general3A_100 {dimension_numbers = #tpu.dot_dimension_numbers<[1], [0], [0], [1], [0, 0, 1, 1], [], []>, transpose_lhs_hint = false} : vector<1000x128xf32>, vector<128x128xf32>, vector<1000x128xf32> -> vector<1000x128xf32>
    %add3A_102 = arith.addf %dot_general3A_96, %dot_general3A_101 : vector<1000x128xf32>
    %get3A_103 = arith.constant 0 : index
    %get3A_104 = arith.constant 0 : index
    %get3A_105 = vector.load %arg8[%get3A_103, %get3A_104] : memref<1x128xf32, #tpu.memory_space<vmem>>, vector<1x128xf32>
    %add3A_106 = vector.broadcast %get3A_105 : vector<1x128xf32> to vector<1000x128xf32>
    %add3A_107 = arith.addf %add3A_102, %add3A_106 : vector<1000x128xf32>
    %swap3A = arith.constant 0 : index
    %swap3A_108 = arith.constant 0 : index
    %swap3A_109 = arith.constant 0 : index
    %swap3A_110 = vector.load %arg10[%swap3A, %swap3A_108, %swap3A_109] : memref<1x1000x128xf32, #tpu.memory_space<vmem>>, vector<1x1000x128xf32>
    %swap3A_111 = vector.shape_cast %swap3A_110 : vector<1x1000x128xf32> to vector<1000x128xf32>
    %swap3A_112 = vector.shape_cast %add3A_107 : vector<1000x128xf32> to vector<1x1000x128xf32>
    tpu.vector_store %arg10[%swap3A, %swap3A_108, %swap3A_109], %swap3A_112 {strides = array<i32>} : memref<1x1000x128xf32, #tpu.memory_space<vmem>>, vector<1x1000x128xf32>,
    %reduce_sum3A_113 = arith.constant dense<0.000000e+00> : vector<128xf32>
    %reduce_sum3A_114 = vector.multi_reduction <add>, %add3A_107, %reduce_sum3A_113 [0] : vector<1000x128xf32> to vector<128xf32>
    %broadcast_in_dim3A_115 = vector.shape_cast %reduce_sum3A_114 : vector<128xf32> to vector<1x128xf32>
    %swap3A_116 = arith.constant 0 : index
    %swap3A_117 = arith.constant 0 : index
    %swap3A_118 = arith.constant 0 : index
    %swap3A_119 = vector.load %arg11[%swap3A_116, %swap3A_117, %swap3A_118] : memref<1x1x128xf32, #tpu.memory_space<vmem>>, vector<1x1x128xf32>
    %swap3A_120 = vector.shape_cast %swap3A_119 : vector<1x1x128xf32> to vector<1x128xf32>
    %swap3A_121 = vector.shape_cast %broadcast_in_dim3A_115 : vector<1x128xf32> to vector<1x1x128xf32>
    tpu.vector_store %arg11[%swap3A_116, %swap3A_117, %swap3A_118], %swap3A_121 {strides = array<i32>} : memref<1x1x128xf32, #tpu.memory_space<vmem>>, vector<1x1x128xf32>,
    %mul3A_122 = arith.mulf %add3A_107, %add3A_107 : vector<1000x128xf32>
    %reduce_sum3A_123 = arith.constant dense<0.000000e+00> : vector<128xf32>
    %reduce_sum3A_124 = vector.multi_reduction <add>, %mul3A_122, %reduce_sum3A_123 [0] : vector<1000x128xf32> to vector<128xf32>
    %broadcast_in_dim3A_125 = vector.shape_cast %reduce_sum3A_124 : vector<128xf32> to vector<1x128xf32>
    %swap3A_126 = arith.constant 0 : index
    %swap3A_127 = arith.constant 0 : index
    %swap3A_128 = arith.constant 0 : index
    %swap3A_129 = vector.load %arg12[%swap3A_126, %swap3A_127, %swap3A_128] : memref<1x1x128xf32, #tpu.memory_space<vmem>>, vector<1x1x128xf32>
    %swap3A_130 = vector.shape_cast %swap3A_129 : vector<1x1x128xf32> to vector<1x128xf32>
    %swap3A_131 = vector.shape_cast %broadcast_in_dim3A_125 : vector<1x128xf32> to vector<1x1x128xf32>
    tpu.vector_store %arg12[%swap3A_126, %swap3A_127, %swap3A_128], %swap3A_131 {strides = array<i32>} : memref<1x1x128xf32, #tpu.memory_space<vmem>>, vector<1x1x128xf32>,
    return
  }
  func.func @transform_0(%arg0: i32) -> (i32, i32, i32) {
    %c0_i32 = arith.constant 0 : i32
    %c0_i32_0 = arith.constant 0 : i32
    %c0_i32_1 = arith.constant 0 : i32
    return %arg0, %c0_i32, %c0_i32_0 : i32, i32, i32
  }
  func.func @transform_1(%arg0: i32) -> (i32, i32) {
    %c0_i32 = arith.constant 0 : i32
    %c0_i32_0 = arith.constant 0 : i32
    return %arg0, %c0_i32 : i32, i32
  }
  func.func @transform_2(%arg0: i32) -> (i32, i32, i32) {
    %c0_i32 = arith.constant 0 : i32
    %c0_i32_0 = arith.constant 0 : i32
    %c0_i32_1 = arith.constant 0 : i32
    %c0_i32_2 = arith.constant 0 : i32
    return %c0_i32, %c0_i32_0, %c0_i32_1 : i32, i32, i32
  }
  func.func @transform_3(%arg0: i32) -> (i32, i32, i32) {
    %c0_i32 = arith.constant 0 : i32
    %c0_i32_0 = arith.constant 0 : i32
    %c0_i32_1 = arith.constant 0 : i32
    %c0_i32_2 = arith.constant 0 : i32
    return %c0_i32, %c0_i32_0, %c0_i32_1 : i32, i32, i32
  }
  func.func @transform_4(%arg0: i32) -> (i32, i32) {
    %c0_i32 = arith.constant 0 : i32
    %c0_i32_0 = arith.constant 0 : i32
    %c0_i32_1 = arith.constant 0 : i32
    return %c0_i32, %c0_i32_0 : i32, i32
  }
  func.func @transform_5(%arg0: i32) -> (i32, i32) {
    %c0_i32 = arith.constant 0 : i32
    %c0_i32_0 = arith.constant 0 : i32
    %c0_i32_1 = arith.constant 0 : i32
    return %c0_i32, %c0_i32_0 : i32, i32
  }
  func.func @transform_6(%arg0: i32) -> (i32, i32) {
    %c0_i32 = arith.constant 0 : i32
    %c0_i32_0 = arith.constant 0 : i32
    %c0_i32_1 = arith.constant 0 : i32
    return %c0_i32, %c0_i32_0 : i32, i32
  }
  func.func @transform_7(%arg0: i32) -> (i32, i32) {
    %c0_i32 = arith.constant 0 : i32
    %c0_i32_0 = arith.constant 0 : i32
    %c0_i32_1 = arith.constant 0 : i32
    return %c0_i32, %c0_i32_0 : i32, i32
  }
  func.func @transform_8(%arg0: i32) -> (i32, i32) {
    %c0_i32 = arith.constant 0 : i32
    %c0_i32_0 = arith.constant 0 : i32
    %c0_i32_1 = arith.constant 0 : i32
    return %c0_i32, %c0_i32_0 : i32, i32
  }
  func.func @transform_9(%arg0: i32) -> (i32, i32, i32) {
    %c0_i32 = arith.constant 0 : i32
    %c0_i32_0 = arith.constant 0 : i32
    %c0_i32_1 = arith.constant 0 : i32
    return %arg0, %c0_i32, %c0_i32_0 : i32, i32, i32
  }
  func.func @transform_10(%arg0: i32) -> (i32, i32, i32) {
    %c0_i32 = arith.constant 0 : i32
    %c0_i32_0 = arith.constant 0 : i32
    %c0_i32_1 = arith.constant 0 : i32
    return %arg0, %c0_i32, %c0_i32_0 : i32, i32, i32
  }
  func.func @transform_11(%arg0: i32) -> (i32, i32, i32) {
    %c0_i32 = arith.constant 0 : i32
    %c0_i32_0 = arith.constant 0 : i32
    %c0_i32_1 = arith.constant 0 : i32
    return %arg0, %c0_i32, %c0_i32_0 : i32, i32, i32
  }
}

module attributes {stable_mosaic.version = 14 : i64} {
  func.func @_pool_body(%arg0: i32, %arg1: memref<1x1000x128xf32, #tpu.memory_space<vmem>>, %arg2: memref<8000x128xbf16, #tpu.memory_space<vmem>>, %arg3: memref<1x1x1000xf32, #tpu.memory_space<vmem>>, %arg4: memref<10x1x128xf32, #tpu.memory_space<vmem>>, %arg5: memref<10x1x128xf32, #tpu.memory_space<vmem>>, %arg6: memref<1x128xf32, #tpu.memory_space<vmem>>, %arg7: memref<1x128xf32, #tpu.memory_space<vmem>>, %arg8: memref<128x2xf32, #tpu.memory_space<vmem>>, %arg9: memref<1x2xf32, #tpu.memory_space<vmem>>, %arg10: memref<128x2xf32, #tpu.memory_space<vmem>>, %arg11: memref<128x2xf32, #tpu.memory_space<vmem>>, %arg12: memref<1x2xf32, #tpu.memory_space<vmem>>, %arg13: memref<1x1x2xf32, #tpu.memory_space<vmem>>, %arg14: memref<1x1xf32, #tpu.memory_space<vmem>>, %arg15: memref<1x1xf32, #tpu.memory_space<vmem>>) attributes {dimension_semantics = [#tpu.dimension_semantics<arbitrary>], iteration_bounds = array<i64: 10>, scalar_prefetch = 0 : i64, scratch_operands = 0 : i64, tpu.core_type = #tpu.core_type<tc>, window_params = [{transform_indices = @transform_0, window_bounds = array<i64: 1, 1000, 128>}, {transform_indices = @transform_1, window_bounds = array<i64: 8000, 128>}, {transform_indices = @transform_2, window_bounds = array<i64: 1, 1, 1000>}, {pipeline_mode = #tpu.pipeline_mode<synchronous>, transform_indices = @transform_3, window_bounds = array<i64: 10, 1, 128>}, {pipeline_mode = #tpu.pipeline_mode<synchronous>, transform_indices = @transform_4, window_bounds = array<i64: 10, 1, 128>}, {pipeline_mode = #tpu.pipeline_mode<synchronous>, transform_indices = @transform_5, window_bounds = array<i64: 1, 128>}, {pipeline_mode = #tpu.pipeline_mode<synchronous>, transform_indices = @transform_6, window_bounds = array<i64: 1, 128>}, {pipeline_mode = #tpu.pipeline_mode<synchronous>, transform_indices = @transform_7, window_bounds = array<i64: 128, 2>}, {pipeline_mode = #tpu.pipeline_mode<synchronous>, transform_indices = @transform_8, window_bounds = array<i64: 1, 2>}, {pipeline_mode = #tpu.pipeline_mode<synchronous>, transform_indices = @transform_9, window_bounds = array<i64: 128, 2>}, {pipeline_mode = #tpu.pipeline_mode<synchronous>, transform_indices = @transform_10, window_bounds = array<i64: 128, 2>}, {pipeline_mode = #tpu.pipeline_mode<synchronous>, transform_indices = @transform_11, window_bounds = array<i64: 1, 2>}, {transform_indices = @transform_12, window_bounds = array<i64: 1, 1, 2>}, {pipeline_mode = #tpu.pipeline_mode<synchronous>, transform_indices = @transform_13, window_bounds = array<i64: 1, 1>}, {pipeline_mode = #tpu.pipeline_mode<synchronous>, transform_indices = @transform_14, window_bounds = array<i64: 1, 1>}]} {
    %get3A = arith.constant 0 : index
    %get3A_0 = arith.constant 0 : index
    %get3A_1 = arith.constant 0 : index
    %get3A_2 = vector.load %arg4[%get3A, %get3A_0, %get3A_1] : memref<10x1x128xf32, #tpu.memory_space<vmem>>, vector<10x1x128xf32>
    %reduce_sum3A = arith.constant dense<0.000000e+00> : vector<1x128xf32>
    %reduce_sum3A_3 = vector.multi_reduction <add>, %get3A_2, %reduce_sum3A [0] : vector<10x1x128xf32> to vector<1x128xf32>
    %div3A = arith.constant 1.000000e+04 : f32
    %div3A_4 = vector.broadcast %div3A : f32 to vector<1x128xf32>
    %div3A_5 = arith.divf %reduce_sum3A_3, %div3A_4 : vector<1x128xf32>
    %get3A_6 = arith.constant 0 : index
    %get3A_7 = arith.constant 0 : index
    %get3A_8 = arith.constant 0 : index
    %get3A_9 = vector.load %arg5[%get3A_6, %get3A_7, %get3A_8] : memref<10x1x128xf32, #tpu.memory_space<vmem>>, vector<10x1x128xf32>
    %reduce_sum3A_10 = arith.constant dense<0.000000e+00> : vector<1x128xf32>
    %reduce_sum3A_11 = vector.multi_reduction <add>, %get3A_9, %reduce_sum3A_10 [0] : vector<10x1x128xf32> to vector<1x128xf32>
    %div3A_12 = arith.constant 1.000000e+04 : f32
    %div3A_13 = vector.broadcast %div3A_12 : f32 to vector<1x128xf32>
    %div3A_14 = arith.divf %reduce_sum3A_11, %div3A_13 : vector<1x128xf32>
    %mul3A = arith.mulf %div3A_5, %div3A_5 : vector<1x128xf32>
    %sub3A = arith.subf %div3A_14, %mul3A : vector<1x128xf32>
    %add3A = arith.constant 9.99999974E-6 : f32
    %add3A_15 = vector.broadcast %add3A : f32 to vector<1x128xf32>
    %add3A_16 = arith.addf %sub3A, %add3A_15 : vector<1x128xf32>
    %rsqrt3A = math.rsqrt %add3A_16 : vector<1x128xf32>
    %get3A_17 = arith.constant 0 : index
    %get3A_18 = arith.constant 0 : index
    %get3A_19 = arith.constant 0 : index
    %get3A_20 = vector.load %arg1[%get3A_17, %get3A_18, %get3A_19] : memref<1x1000x128xf32, #tpu.memory_space<vmem>>, vector<1x1000x128xf32>
    %get3A_21 = vector.shape_cast %get3A_20 : vector<1x1000x128xf32> to vector<1000x128xf32>
    %sub3A_22 = vector.broadcast %div3A_5 : vector<1x128xf32> to vector<1000x128xf32>
    %sub3A_23 = arith.subf %get3A_21, %sub3A_22 : vector<1000x128xf32>
    %mul3A_24 = vector.broadcast %rsqrt3A : vector<1x128xf32> to vector<1000x128xf32>
    %mul3A_25 = arith.mulf %sub3A_23, %mul3A_24 : vector<1000x128xf32>
    %get3A_26 = arith.constant 0 : index
    %get3A_27 = arith.constant 0 : index
    %get3A_28 = vector.load %arg6[%get3A_26, %get3A_27] : memref<1x128xf32, #tpu.memory_space<vmem>>, vector<1x128xf32>
    %mul3A_29 = vector.broadcast %get3A_28 : vector<1x128xf32> to vector<1000x128xf32>
    %mul3A_30 = arith.mulf %mul3A_25, %mul3A_29 : vector<1000x128xf32>
    %get3A_31 = arith.constant 0 : index
    %get3A_32 = arith.constant 0 : index
    %get3A_33 = vector.load %arg7[%get3A_31, %get3A_32] : memref<1x128xf32, #tpu.memory_space<vmem>>, vector<1x128xf32>
    %add3A_34 = vector.broadcast %get3A_33 : vector<1x128xf32> to vector<1000x128xf32>
    %add3A_35 = arith.addf %mul3A_30, %add3A_34 : vector<1000x128xf32>
    %max3A = arith.constant 0.000000e+00 : f32
    %max3A_36 = vector.broadcast %max3A : f32 to vector<1000x128xf32>
    %max3A_37 = arith.maximumf %add3A_35, %max3A_36 : vector<1000x128xf32>
    %get3A_38 = arith.constant 0 : index
    %get3A_39 = arith.constant 0 : index
    %get3A_40 = vector.load %arg8[%get3A_38, %get3A_39] : memref<128x2xf32, #tpu.memory_space<vmem>>, vector<128x2xf32>
    %dot_general3A = arith.constant dense<0.000000e+00> : vector<1000x2xf32>
    %dot_general3A_41 = tpu.matmul %max3A_37, %get3A_40, %dot_general3A {dimension_numbers = #tpu.dot_dimension_numbers<[1], [0], [0], [1], [0, 0, 1, 1], [], []>, transpose_lhs_hint = false} : vector<1000x128xf32>, vector<128x2xf32>, vector<1000x2xf32> -> vector<1000x2xf32>
    %get3A_42 = arith.constant 0 : index
    %get3A_43 = arith.constant 0 : index
    %get3A_44 = vector.load %arg9[%get3A_42, %get3A_43] : memref<1x2xf32, #tpu.memory_space<vmem>>, vector<1x2xf32>
    %add3A_45 = vector.broadcast %get3A_44 : vector<1x2xf32> to vector<1000x2xf32>
    %add3A_46 = arith.addf %dot_general3A_41, %add3A_45 : vector<1000x2xf32>
    %reduce_max3A = arith.constant dense<0xFF800000> : vector<1000xf32>
    %reduce_max3A_47 = vector.multi_reduction <maximumf>, %add3A_46, %reduce_max3A [1] : vector<1000x2xf32> to vector<1000xf32>
    %broadcast_in_dim3A = vector.shape_cast %reduce_max3A_47 : vector<1000xf32> to vector<1000x1xf32>
    %sub3A_48 = vector.broadcast %broadcast_in_dim3A : vector<1000x1xf32> to vector<1000x2xf32>
    %sub3A_49 = arith.subf %add3A_46, %sub3A_48 : vector<1000x2xf32>
    %exp3A = math.exp %sub3A_49 : vector<1000x2xf32>
    %reduce_sum3A_50 = arith.constant dense<0.000000e+00> : vector<1000xf32>
    %reduce_sum3A_51 = vector.multi_reduction <add>, %exp3A, %reduce_sum3A_50 [1] : vector<1000x2xf32> to vector<1000xf32>
    %broadcast_in_dim3A_52 = vector.shape_cast %reduce_sum3A_51 : vector<1000xf32> to vector<1000x1xf32>
    %div3A_53 = vector.broadcast %broadcast_in_dim3A_52 : vector<1000x1xf32> to vector<1000x2xf32>
    %div3A_54 = arith.divf %exp3A, %div3A_53 : vector<1000x2xf32>
    %slice3A = vector.extract_strided_slice %div3A_54 {offsets = [0, 0], sizes = [1000, 1], strides = [1, 1]} : vector<1000x2xf32> to vector<1000x1xf32>
    %mul3A_55 = vector.broadcast %slice3A : vector<1000x1xf32> to vector<1000x128xf32>
    %mul3A_56 = arith.mulf %mul3A_55, %max3A_37 : vector<1000x128xf32>
    %reduce_sum3A_57 = arith.constant dense<0.000000e+00> : vector<128xf32>
    %reduce_sum3A_58 = vector.multi_reduction <add>, %mul3A_56, %reduce_sum3A_57 [0] : vector<1000x128xf32> to vector<128xf32>
    %broadcast_in_dim3A_59 = vector.shape_cast %reduce_sum3A_58 : vector<128xf32> to vector<1x128xf32>
    %max3A_60 = arith.constant 0.000000e+00 : f32
    %max3A_61 = vector.broadcast %max3A_60 : f32 to vector<1x128xf32>
    %max3A_62 = arith.maximumf %broadcast_in_dim3A_59, %max3A_61 : vector<1x128xf32>
    %slice3A_63 = vector.extract_strided_slice %div3A_54 {offsets = [0, 1], sizes = [1000, 1], strides = [1, 1]} : vector<1000x2xf32> to vector<1000x1xf32>
    %mul3A_64 = vector.broadcast %slice3A_63 : vector<1000x1xf32> to vector<1000x128xf32>
    %mul3A_65 = arith.mulf %mul3A_64, %max3A_37 : vector<1000x128xf32>
    %reduce_sum3A_66 = arith.constant dense<0.000000e+00> : vector<128xf32>
    %reduce_sum3A_67 = vector.multi_reduction <add>, %mul3A_65, %reduce_sum3A_66 [0] : vector<1000x128xf32> to vector<128xf32>
    %broadcast_in_dim3A_68 = vector.shape_cast %reduce_sum3A_67 : vector<128xf32> to vector<1x128xf32>
    %max3A_69 = arith.constant 0.000000e+00 : f32
    %max3A_70 = vector.broadcast %max3A_69 : f32 to vector<1x128xf32>
    %max3A_71 = arith.maximumf %broadcast_in_dim3A_68, %max3A_70 : vector<1x128xf32>
    %get3A_72 = arith.constant 0 : index
    %get3A_73 = arith.constant 0 : index
    %get3A_74 = vector.load %arg10[%get3A_72, %get3A_73] : memref<128x2xf32, #tpu.memory_space<vmem>>, vector<128x2xf32>
    %dot_general3A_75 = arith.constant dense<0.000000e+00> : vector<1x2xf32>
    %dot_general3A_76 = tpu.matmul %max3A_62, %get3A_74, %dot_general3A_75 {dimension_numbers = #tpu.dot_dimension_numbers<[1], [0], [0], [1], [0, 0, 1, 1], [], []>, transpose_lhs_hint = false} : vector<1x128xf32>, vector<128x2xf32>, vector<1x2xf32> -> vector<1x2xf32>
    %get3A_77 = arith.constant 0 : index
    %get3A_78 = arith.constant 0 : index
    %get3A_79 = vector.load %arg11[%get3A_77, %get3A_78] : memref<128x2xf32, #tpu.memory_space<vmem>>, vector<128x2xf32>
    %dot_general3A_80 = arith.constant dense<0.000000e+00> : vector<1x2xf32>
    %dot_general3A_81 = tpu.matmul %max3A_71, %get3A_79, %dot_general3A_80 {dimension_numbers = #tpu.dot_dimension_numbers<[1], [0], [0], [1], [0, 0, 1, 1], [], []>, transpose_lhs_hint = false} : vector<1x128xf32>, vector<128x2xf32>, vector<1x2xf32> -> vector<1x2xf32>
    %add3A_82 = arith.addf %dot_general3A_76, %dot_general3A_81 : vector<1x2xf32>
    %get3A_83 = arith.constant 0 : index
    %get3A_84 = arith.constant 0 : index
    %get3A_85 = vector.load %arg12[%get3A_83, %get3A_84] : memref<1x2xf32, #tpu.memory_space<vmem>>, vector<1x2xf32>
    %add3A_86 = arith.addf %add3A_82, %get3A_85 : vector<1x2xf32>
    %swap3A = arith.constant 0 : index
    %swap3A_87 = arith.constant 0 : index
    %swap3A_88 = arith.constant 0 : index
    %swap3A_89 = vector.load %arg13[%swap3A, %swap3A_87, %swap3A_88] : memref<1x1x2xf32, #tpu.memory_space<vmem>>, vector<1x1x2xf32>
    %swap3A_90 = vector.shape_cast %swap3A_89 : vector<1x1x2xf32> to vector<1x2xf32>
    %swap3A_91 = vector.shape_cast %add3A_86 : vector<1x2xf32> to vector<1x1x2xf32>
    tpu.vector_store %arg13[%swap3A, %swap3A_87, %swap3A_88], %swap3A_91 {strides = array<i32>} : memref<1x1x2xf32, #tpu.memory_space<vmem>>, vector<1x1x2xf32>,
    %broadcast_in_dim3A_92 = arith.constant 0.000000e+00 : f32
    %broadcast_in_dim3A_93 = vector.broadcast %broadcast_in_dim3A_92 : f32 to vector<24x2xf32>
    %concatenate3A = tpu.concatenate %div3A_54, %broadcast_in_dim3A_93 in 0 : vector<1000x2xf32>, vector<24x2xf32> -> vector<1024x2xf32>
    %convert_element_type3A = arith.truncf %concatenate3A : vector<1024x2xf32> to vector<1024x2xbf16>
    %get3A_94 = arith.constant 0 : index
    %get3A_95 = arith.constant 0 : index
    %get3A_96 = vector.load %arg2[%get3A_94, %get3A_95] : memref<8000x128xbf16, #tpu.memory_space<vmem>>, vector<1000x128xbf16>
    %slice3A_97 = vector.extract_strided_slice %convert_element_type3A {offsets = [0, 0], sizes = [128, 2], strides = [1, 1]} : vector<1024x2xbf16> to vector<128x2xbf16>
    %dot_general3A_98 = arith.constant dense<0.000000e+00> : vector<1000x2xf32>
    %dot_general3A_99 = tpu.matmul %get3A_96, %slice3A_97, %dot_general3A_98 {dimension_numbers = #tpu.dot_dimension_numbers<[1], [0], [0], [1], [0, 0, 1, 1], [], []>, transpose_lhs_hint = false} : vector<1000x128xbf16>, vector<128x2xbf16>, vector<1000x2xf32> -> vector<1000x2xf32>
    %get3A_100 = arith.constant 1000 : index
    %get3A_101 = arith.constant 0 : index
    %get3A_102 = vector.load %arg2[%get3A_100, %get3A_101] : memref<8000x128xbf16, #tpu.memory_space<vmem>>, vector<1000x128xbf16>
    %slice3A_103 = vector.extract_strided_slice %convert_element_type3A {offsets = [128, 0], sizes = [128, 2], strides = [1, 1]} : vector<1024x2xbf16> to vector<128x2xbf16>
    %dot_general3A_104 = arith.constant dense<0.000000e+00> : vector<1000x2xf32>
    %dot_general3A_105 = tpu.matmul %get3A_102, %slice3A_103, %dot_general3A_104 {dimension_numbers = #tpu.dot_dimension_numbers<[1], [0], [0], [1], [0, 0, 1, 1], [], []>, transpose_lhs_hint = false} : vector<1000x128xbf16>, vector<128x2xbf16>, vector<1000x2xf32> -> vector<1000x2xf32>
    %add3A_106 = arith.addf %dot_general3A_99, %dot_general3A_105 : vector<1000x2xf32>
    %get3A_107 = arith.constant 2000 : index
    %get3A_108 = arith.constant 0 : index
    %get3A_109 = vector.load %arg2[%get3A_107, %get3A_108] : memref<8000x128xbf16, #tpu.memory_space<vmem>>, vector<1000x128xbf16>
    %slice3A_110 = vector.extract_strided_slice %convert_element_type3A {offsets = [256, 0], sizes = [128, 2], strides = [1, 1]} : vector<1024x2xbf16> to vector<128x2xbf16>
    %dot_general3A_111 = arith.constant dense<0.000000e+00> : vector<1000x2xf32>
    %dot_general3A_112 = tpu.matmul %get3A_109, %slice3A_110, %dot_general3A_111 {dimension_numbers = #tpu.dot_dimension_numbers<[1], [0], [0], [1], [0, 0, 1, 1], [], []>, transpose_lhs_hint = false} : vector<1000x128xbf16>, vector<128x2xbf16>, vector<1000x2xf32> -> vector<1000x2xf32>
    %add3A_113 = arith.addf %add3A_106, %dot_general3A_112 : vector<1000x2xf32>
    %get3A_114 = arith.constant 3000 : index
    %get3A_115 = arith.constant 0 : index
    %get3A_116 = vector.load %arg2[%get3A_114, %get3A_115] : memref<8000x128xbf16, #tpu.memory_space<vmem>>, vector<1000x128xbf16>
    %slice3A_117 = vector.extract_strided_slice %convert_element_type3A {offsets = [384, 0], sizes = [128, 2], strides = [1, 1]} : vector<1024x2xbf16> to vector<128x2xbf16>
    %dot_general3A_118 = arith.constant dense<0.000000e+00> : vector<1000x2xf32>
    %dot_general3A_119 = tpu.matmul %get3A_116, %slice3A_117, %dot_general3A_118 {dimension_numbers = #tpu.dot_dimension_numbers<[1], [0], [0], [1], [0, 0, 1, 1], [], []>, transpose_lhs_hint = false} : vector<1000x128xbf16>, vector<128x2xbf16>, vector<1000x2xf32> -> vector<1000x2xf32>
    %add3A_120 = arith.addf %add3A_113, %dot_general3A_119 : vector<1000x2xf32>
    %get3A_121 = arith.constant 4000 : index
    %get3A_122 = arith.constant 0 : index
    %get3A_123 = vector.load %arg2[%get3A_121, %get3A_122] : memref<8000x128xbf16, #tpu.memory_space<vmem>>, vector<1000x128xbf16>
    %slice3A_124 = vector.extract_strided_slice %convert_element_type3A {offsets = [512, 0], sizes = [128, 2], strides = [1, 1]} : vector<1024x2xbf16> to vector<128x2xbf16>
    %dot_general3A_125 = arith.constant dense<0.000000e+00> : vector<1000x2xf32>
    %dot_general3A_126 = tpu.matmul %get3A_123, %slice3A_124, %dot_general3A_125 {dimension_numbers = #tpu.dot_dimension_numbers<[1], [0], [0], [1], [0, 0, 1, 1], [], []>, transpose_lhs_hint = false} : vector<1000x128xbf16>, vector<128x2xbf16>, vector<1000x2xf32> -> vector<1000x2xf32>
    %add3A_127 = arith.addf %add3A_120, %dot_general3A_126 : vector<1000x2xf32>
    %get3A_128 = arith.constant 5000 : index
    %get3A_129 = arith.constant 0 : index
    %get3A_130 = vector.load %arg2[%get3A_128, %get3A_129] : memref<8000x128xbf16, #tpu.memory_space<vmem>>, vector<1000x128xbf16>
    %slice3A_131 = vector.extract_strided_slice %convert_element_type3A {offsets = [640, 0], sizes = [128, 2], strides = [1, 1]} : vector<1024x2xbf16> to vector<128x2xbf16>
    %dot_general3A_132 = arith.constant dense<0.000000e+00> : vector<1000x2xf32>
    %dot_general3A_133 = tpu.matmul %get3A_130, %slice3A_131, %dot_general3A_132 {dimension_numbers = #tpu.dot_dimension_numbers<[1], [0], [0], [1], [0, 0, 1, 1], [], []>, transpose_lhs_hint = false} : vector<1000x128xbf16>, vector<128x2xbf16>, vector<1000x2xf32> -> vector<1000x2xf32>
    %add3A_134 = arith.addf %add3A_127, %dot_general3A_133 : vector<1000x2xf32>
    %get3A_135 = arith.constant 6000 : index
    %get3A_136 = arith.constant 0 : index
    %get3A_137 = vector.load %arg2[%get3A_135, %get3A_136] : memref<8000x128xbf16, #tpu.memory_space<vmem>>, vector<1000x128xbf16>
    %slice3A_138 = vector.extract_strided_slice %convert_element_type3A {offsets = [768, 0], sizes = [128, 2], strides = [1, 1]} : vector<1024x2xbf16> to vector<128x2xbf16>
    %dot_general3A_139 = arith.constant dense<0.000000e+00> : vector<1000x2xf32>
    %dot_general3A_140 = tpu.matmul %get3A_137, %slice3A_138, %dot_general3A_139 {dimension_numbers = #tpu.dot_dimension_numbers<[1], [0], [0], [1], [0, 0, 1, 1], [], []>, transpose_lhs_hint = false} : vector<1000x128xbf16>, vector<128x2xbf16>, vector<1000x2xf32> -> vector<1000x2xf32>
    %add3A_141 = arith.addf %add3A_134, %dot_general3A_140 : vector<1000x2xf32>
    %get3A_142 = arith.constant 7000 : index
    %get3A_143 = arith.constant 0 : index
    %get3A_144 = vector.load %arg2[%get3A_142, %get3A_143] : memref<8000x128xbf16, #tpu.memory_space<vmem>>, vector<1000x128xbf16>
    %slice3A_145 = vector.extract_strided_slice %convert_element_type3A {offsets = [896, 0], sizes = [128, 2], strides = [1, 1]} : vector<1024x2xbf16> to vector<128x2xbf16>
    %dot_general3A_146 = arith.constant dense<0.000000e+00> : vector<1000x2xf32>
    %dot_general3A_147 = tpu.matmul %get3A_144, %slice3A_145, %dot_general3A_146 {dimension_numbers = #tpu.dot_dimension_numbers<[1], [0], [0], [1], [0, 0, 1, 1], [], []>, transpose_lhs_hint = false} : vector<1000x128xbf16>, vector<128x2xbf16>, vector<1000x2xf32> -> vector<1000x2xf32>
    %add3A_148 = arith.addf %add3A_141, %dot_general3A_147 : vector<1000x2xf32>
    %mul3A_149 = arith.mulf %add3A_148, %div3A_54 : vector<1000x2xf32>
    %reduce_sum3A_150 = vector.shape_cast %mul3A_149 : vector<1000x2xf32> to vector<1x1000x2xf32>
    %reduce_sum3A_151 = arith.constant dense<0.000000e+00> : vector<1xf32>
    %reduce_sum3A_152 = vector.multi_reduction <add>, %reduce_sum3A_150, %reduce_sum3A_151 [1, 2] : vector<1x1000x2xf32> to vector<1xf32>
    %reduce_sum3A_153 = vector.shape_cast %reduce_sum3A_152 : vector<1xf32> to vector<1x1x1xf32>
    %reduce_sum3A_154 = vector.extract %reduce_sum3A_153[0, 0, 0] : f32 from vector<1x1x1xf32>
    %get3A_155 = arith.constant 0 : index
    %get3A_156 = arith.constant 0 : index
    %get3A_157 = arith.constant 0 : index
    %get3A_158 = vector.load %arg3[%get3A_155, %get3A_156, %get3A_157] : memref<1x1x1000xf32, #tpu.memory_space<vmem>>, vector<1x1x1000xf32>
    %get3A_159 = vector.shape_cast %get3A_158 : vector<1x1x1000xf32> to vector<1000xf32>
    %mul3A_160 = arith.mulf %div3A_54, %div3A_54 : vector<1000x2xf32>
    %reduce_sum3A_161 = arith.constant dense<0.000000e+00> : vector<1000xf32>
    %reduce_sum3A_162 = vector.multi_reduction <add>, %mul3A_160, %reduce_sum3A_161 [1] : vector<1000x2xf32> to vector<1000xf32>
    %mul3A_163 = arith.mulf %get3A_159, %reduce_sum3A_162 : vector<1000xf32>
    %reduce_sum3A_164 = vector.shape_cast %mul3A_163 : vector<1000xf32> to vector<1x1000xf32>
    %reduce_sum3A_165 = arith.constant dense<0.000000e+00> : vector<1xf32>
    %reduce_sum3A_166 = vector.multi_reduction <add>, %reduce_sum3A_164, %reduce_sum3A_165 [1] : vector<1x1000xf32> to vector<1xf32>
    %reduce_sum3A_167 = vector.shape_cast %reduce_sum3A_166 : vector<1xf32> to vector<1x1xf32>
    %reduce_sum3A_168 = vector.extract %reduce_sum3A_167[0, 0] : f32 from vector<1x1xf32>
    %slice3A_169 = vector.extract_strided_slice %div3A_54 {offsets = [0, 0], sizes = [1000, 1], strides = [1, 1]} : vector<1000x2xf32> to vector<1000x1xf32>
    %slice3A_170 = vector.extract_strided_slice %div3A_54 {offsets = [0, 1], sizes = [1000, 1], strides = [1, 1]} : vector<1000x2xf32> to vector<1000x1xf32>
    %mul3A_171 = arith.mulf %slice3A_169, %slice3A_169 : vector<1000x1xf32>
    %reduce_sum3A_172 = vector.shape_cast %mul3A_171 : vector<1000x1xf32> to vector<1x1000x1xf32>
    %reduce_sum3A_173 = arith.constant dense<0.000000e+00> : vector<1xf32>
    %reduce_sum3A_174 = vector.multi_reduction <add>, %reduce_sum3A_172, %reduce_sum3A_173 [1, 2] : vector<1x1000x1xf32> to vector<1xf32>
    %reduce_sum3A_175 = vector.shape_cast %reduce_sum3A_174 : vector<1xf32> to vector<1x1x1xf32>
    %reduce_sum3A_176 = vector.extract %reduce_sum3A_175[0, 0, 0] : f32 from vector<1x1x1xf32>
    %mul3A_177 = arith.mulf %slice3A_169, %slice3A_170 : vector<1000x1xf32>
    %reduce_sum3A_178 = vector.shape_cast %mul3A_177 : vector<1000x1xf32> to vector<1x1000x1xf32>
    %reduce_sum3A_179 = arith.constant dense<0.000000e+00> : vector<1xf32>
    %reduce_sum3A_180 = vector.multi_reduction <add>, %reduce_sum3A_178, %reduce_sum3A_179 [1, 2] : vector<1x1000x1xf32> to vector<1xf32>
    %reduce_sum3A_181 = vector.shape_cast %reduce_sum3A_180 : vector<1xf32> to vector<1x1x1xf32>
    %reduce_sum3A_182 = vector.extract %reduce_sum3A_181[0, 0, 0] : f32 from vector<1x1x1xf32>
    %mul3A_183 = arith.mulf %slice3A_170, %slice3A_170 : vector<1000x1xf32>
    %reduce_sum3A_184 = vector.shape_cast %mul3A_183 : vector<1000x1xf32> to vector<1x1000x1xf32>
    %reduce_sum3A_185 = arith.constant dense<0.000000e+00> : vector<1xf32>
    %reduce_sum3A_186 = vector.multi_reduction <add>, %reduce_sum3A_184, %reduce_sum3A_185 [1, 2] : vector<1x1000x1xf32> to vector<1xf32>
    %reduce_sum3A_187 = vector.shape_cast %reduce_sum3A_186 : vector<1xf32> to vector<1x1x1xf32>
    %reduce_sum3A_188 = vector.extract %reduce_sum3A_187[0, 0, 0] : f32 from vector<1x1x1xf32>
    %mul3A_189 = arith.mulf %reduce_sum3A_176, %reduce_sum3A_176 : f32
    %mul3A_190 = arith.constant 2.000000e+00 : f32
    %mul3A_191 = arith.mulf %mul3A_190, %reduce_sum3A_182 : f32
    %mul3A_192 = arith.mulf %mul3A_191, %reduce_sum3A_182 : f32
    %add3A_193 = arith.addf %mul3A_189, %mul3A_192 : f32
    %mul3A_194 = arith.mulf %reduce_sum3A_188, %reduce_sum3A_188 : f32
    %add3A_195 = arith.addf %add3A_193, %mul3A_194 : f32
    %sqrt3A = math.sqrt %add3A_195 : f32
    %sqrt3A_196 = arith.constant 2.000000e+00 : f32
    %sqrt3A_197 = math.sqrt %sqrt3A_196 : f32
    %div3A_198 = arith.constant 1.000000e+00 : f32
    %div3A_199 = arith.divf %div3A_198, %sqrt3A_197 : f32
    %div3A_200 = arith.divf %reduce_sum3A_176, %sqrt3A : f32
    %sub3A_201 = arith.subf %div3A_200, %div3A_199 : f32
    %div3A_202 = arith.divf %reduce_sum3A_182, %sqrt3A : f32
    %div3A_203 = arith.divf %reduce_sum3A_188, %sqrt3A : f32
    %sub3A_204 = arith.subf %div3A_203, %div3A_199 : f32
    %div3A_205 = arith.divf %reduce_sum3A_154, %reduce_sum3A_168 : f32
    %neg3A = arith.constant 0.000000e+00 : f32
    %neg3A_206 = arith.subf %neg3A, %div3A_205 : f32
    %mul3A_207 = arith.constant 1.000000e-01 : f32
    %mul3A_208 = arith.mulf %neg3A_206, %mul3A_207 : f32
    %mul3A_209 = arith.mulf %sub3A_201, %sub3A_201 : f32
    %mul3A_210 = arith.constant 2.000000e+00 : f32
    %mul3A_211 = arith.mulf %mul3A_210, %div3A_202 : f32
    %mul3A_212 = arith.mulf %mul3A_211, %div3A_202 : f32
    %add3A_213 = arith.addf %mul3A_209, %mul3A_212 : f32
    %mul3A_214 = arith.mulf %sub3A_204, %sub3A_204 : f32
    %add3A_215 = arith.addf %add3A_213, %mul3A_214 : f32
    %sqrt3A_216 = math.sqrt %add3A_215 : f32
    %mul3A_217 = arith.constant 1.000000e-01 : f32
    %mul3A_218 = arith.mulf %sqrt3A_216, %mul3A_217 : f32
    %eq3A = arith.constant 0 : i32
    %eq3A_219 = arith.cmpi eq, %arg0, %eq3A : i32
    %convert_element_type3A_220 = arith.extui %eq3A_219 : i1 to i32
    %cond3A = arith.constant 0 : i32
    %cond3A_221 = arith.cmpi ne, %convert_element_type3A_220, %cond3A : i32
    scf.if %cond3A_221 {
      %broadcast_in_dim3A_237 = arith.constant 0.000000e+00 : f32
      %broadcast_in_dim3A_238 = vector.broadcast %broadcast_in_dim3A_237 : f32 to vector<1x1xf32>
      %swap3A_239 = arith.constant 0 : index
      %swap3A_240 = arith.constant 0 : index
      %swap3A_241 = vector.load %arg14[%swap3A_239, %swap3A_240] : memref<1x1xf32, #tpu.memory_space<vmem>>, vector<1x1xf32>
      tpu.vector_store %arg14[%swap3A_239, %swap3A_240], %broadcast_in_dim3A_238 {strides = array<i32>} : memref<1x1xf32, #tpu.memory_space<vmem>>, vector<1x1xf32>,
      %broadcast_in_dim3A_242 = arith.constant 0.000000e+00 : f32
      %broadcast_in_dim3A_243 = vector.broadcast %broadcast_in_dim3A_242 : f32 to vector<1x1xf32>
      %swap3A_244 = arith.constant 0 : index
      %swap3A_245 = arith.constant 0 : index
      %swap3A_246 = vector.load %arg15[%swap3A_244, %swap3A_245] : memref<1x1xf32, #tpu.memory_space<vmem>>, vector<1x1xf32>
      tpu.vector_store %arg15[%swap3A_244, %swap3A_245], %broadcast_in_dim3A_243 {strides = array<i32>} : memref<1x1xf32, #tpu.memory_space<vmem>>, vector<1x1xf32>,
    } else {
    }
    %get3A_222 = arith.constant 0 : index
    %get3A_223 = arith.constant 0 : index
    %get3A_224 = vector.load %arg14[%get3A_222, %get3A_223] : memref<1x1xf32, #tpu.memory_space<vmem>>, vector<1x1xf32>
    %reshape3A = vector.broadcast %mul3A_208 : f32 to vector<1x1xf32>
    %add3A_225 = arith.addf %get3A_224, %reshape3A : vector<1x1xf32>
    %swap3A_226 = arith.constant 0 : index
    %swap3A_227 = arith.constant 0 : index
    %swap3A_228 = vector.load %arg14[%swap3A_226, %swap3A_227] : memref<1x1xf32, #tpu.memory_space<vmem>>, vector<1x1xf32>
    tpu.vector_store %arg14[%swap3A_226, %swap3A_227], %add3A_225 {strides = array<i32>} : memref<1x1xf32, #tpu.memory_space<vmem>>, vector<1x1xf32>,
    %get3A_229 = arith.constant 0 : index
    %get3A_230 = arith.constant 0 : index
    %get3A_231 = vector.load %arg15[%get3A_229, %get3A_230] : memref<1x1xf32, #tpu.memory_space<vmem>>, vector<1x1xf32>
    %reshape3A_232 = vector.broadcast %mul3A_218 : f32 to vector<1x1xf32>
    %add3A_233 = arith.addf %get3A_231, %reshape3A_232 : vector<1x1xf32>
    %swap3A_234 = arith.constant 0 : index
    %swap3A_235 = arith.constant 0 : index
    %swap3A_236 = vector.load %arg15[%swap3A_234, %swap3A_235] : memref<1x1xf32, #tpu.memory_space<vmem>>, vector<1x1xf32>
    tpu.vector_store %arg15[%swap3A_234, %swap3A_235], %add3A_233 {strides = array<i32>} : memref<1x1xf32, #tpu.memory_space<vmem>>, vector<1x1xf32>,
    return
  }
  func.func @transform_0(%arg0: i32) -> (i32, i32, i32) {
    %c0_i32 = arith.constant 0 : i32
    %c0_i32_0 = arith.constant 0 : i32
    %c0_i32_1 = arith.constant 0 : i32
    return %arg0, %c0_i32, %c0_i32_0 : i32, i32, i32
  }
  func.func @transform_1(%arg0: i32) -> (i32, i32) {
    %c0_i32 = arith.constant 0 : i32
    %c0_i32_0 = arith.constant 0 : i32
    return %arg0, %c0_i32 : i32, i32
  }
  func.func @transform_2(%arg0: i32) -> (i32, i32, i32) {
    %c0_i32 = arith.constant 0 : i32
    %c0_i32_0 = arith.constant 0 : i32
    %c0_i32_1 = arith.constant 0 : i32
    return %arg0, %c0_i32, %c0_i32_0 : i32, i32, i32
  }
  func.func @transform_3(%arg0: i32) -> (i32, i32, i32) {
    %c0_i32 = arith.constant 0 : i32
    %c0_i32_0 = arith.constant 0 : i32
    %c0_i32_1 = arith.constant 0 : i32
    %c0_i32_2 = arith.constant 0 : i32
    return %c0_i32, %c0_i32_0, %c0_i32_1 : i32, i32, i32
  }
  func.func @transform_4(%arg0: i32) -> (i32, i32, i32) {
    %c0_i32 = arith.constant 0 : i32
    %c0_i32_0 = arith.constant 0 : i32
    %c0_i32_1 = arith.constant 0 : i32
    %c0_i32_2 = arith.constant 0 : i32
    return %c0_i32, %c0_i32_0, %c0_i32_1 : i32, i32, i32
  }
  func.func @transform_5(%arg0: i32) -> (i32, i32) {
    %c0_i32 = arith.constant 0 : i32
    %c0_i32_0 = arith.constant 0 : i32
    %c0_i32_1 = arith.constant 0 : i32
    return %c0_i32, %c0_i32_0 : i32, i32
  }
  func.func @transform_6(%arg0: i32) -> (i32, i32) {
    %c0_i32 = arith.constant 0 : i32
    %c0_i32_0 = arith.constant 0 : i32
    %c0_i32_1 = arith.constant 0 : i32
    return %c0_i32, %c0_i32_0 : i32, i32
  }
  func.func @transform_7(%arg0: i32) -> (i32, i32) {
    %c0_i32 = arith.constant 0 : i32
    %c0_i32_0 = arith.constant 0 : i32
    %c0_i32_1 = arith.constant 0 : i32
    return %c0_i32, %c0_i32_0 : i32, i32
  }
  func.func @transform_8(%arg0: i32) -> (i32, i32) {
    %c0_i32 = arith.constant 0 : i32
    %c0_i32_0 = arith.constant 0 : i32
    %c0_i32_1 = arith.constant 0 : i32
    return %c0_i32, %c0_i32_0 : i32, i32
  }
  func.func @transform_9(%arg0: i32) -> (i32, i32) {
    %c0_i32 = arith.constant 0 : i32
    %c0_i32_0 = arith.constant 0 : i32
    %c0_i32_1 = arith.constant 0 : i32
    return %c0_i32, %c0_i32_0 : i32, i32
  }
  func.func @transform_10(%arg0: i32) -> (i32, i32) {
    %c0_i32 = arith.constant 0 : i32
    %c0_i32_0 = arith.constant 0 : i32
    %c0_i32_1 = arith.constant 0 : i32
    return %c0_i32, %c0_i32_0 : i32, i32
  }
  func.func @transform_11(%arg0: i32) -> (i32, i32) {
    %c0_i32 = arith.constant 0 : i32
    %c0_i32_0 = arith.constant 0 : i32
    %c0_i32_1 = arith.constant 0 : i32
    return %c0_i32, %c0_i32_0 : i32, i32
  }
  func.func @transform_12(%arg0: i32) -> (i32, i32, i32) {
    %c0_i32 = arith.constant 0 : i32
    %c0_i32_0 = arith.constant 0 : i32
    %c0_i32_1 = arith.constant 0 : i32
    return %arg0, %c0_i32, %c0_i32_0 : i32, i32, i32
  }
  func.func @transform_13(%arg0: i32) -> (i32, i32) {
    %c0_i32 = arith.constant 0 : i32
    %c0_i32_0 = arith.constant 0 : i32
    %c0_i32_1 = arith.constant 0 : i32
    return %c0_i32, %c0_i32_0 : i32, i32
  }
  func.func @transform_14(%arg0: i32) -> (i32, i32) {
    %c0_i32 = arith.constant 0 : i32
    %c0_i32_0 = arith.constant 0 : i32
    %c0_i32_1 = arith.constant 0 : i32
    return %c0_i32, %c0_i32_0 : i32, i32
  }
}

</mosaic_0001>

<sc_bundles>
// kernel: kernel.6.cloned.1.call-start
scs
__scs_entry_jumppad:
0x0: {  	(pc) =	sbr.rel $0x88, $3  }
0x1: {  	(tag) =	ssettag $0x0;
	lr =	simm.s32 $0x1  }
0x2: {  	[smem:$0x3F8E] =	sst lr;
	_ =	strace $0xD0000000  }
0x3: {  	_ = 	snop  }
0x4: {  	_ = 	snop  }
0x5: {  	_ = 	snop  }
0x6: {  	_ = 	snop  }
0x7: {  	_ = 	snop  }
__scs_overlays_trampoline_lowered:
0x8: {  	[smem:$0x3F9D] =	sst s0  }
0x9: {  	[smem:$0x3F9E] =	sst s1  }
0xa: {  	[smem:$0x3F9F] =	sst s2  }
0xb: {  	[smem:$0x3FA0] =	sst s3  }
0xc: {  	[smem:$0x3FA1] =	sst s4  }
0xd: {  	[smem:$0x3FA2] =	sst s5  }
0xe: {  	[smem:$0x3FA3] =	sst s6  }
0xf: {  	[smem:$0x3FA4] =	sst s7  }
0x10: {  	[smem:$0x3FA5] =	sst s8  }
0x11: {  	[smem:$0x3FA6] =	sst s9;
	s0 =	simm.s32 @!p0 $0x0  }
0x12: {  	s1 =	sld [smem:$0x3F8C];
	s0 =	simm.s32 @p0 $0x1  }
0x13: {  	[smem:$0x3FA7] =	sst s0;
	s0 =	simm.s32 @!p1 $0x0  }
0x14: {  	s2 =	sld [smem:$0x3F8B];
	s0 =	simm.s32 @p1 $0x1  }
0x15: {  	[smem:$0x3FA8] =	sst s0;
	s0 =	simm.s32 @!p2 $0x0  }
0x16: {  	s3 =	sld [smem:$0x3FDB];
	s0 =	simm.s32 @p2 $0x1  }
0x17: {  	s4 =	simm.s32 $0x1BF5;
	[smem:$0x3FAA] =	sst s0  }
0x18: {  	s0 =	sld [smem:$0x3F8D];
	_ =	swait.ge [sflag:s4], $0x0  }
0x19: {  	s7 =	sld [smem:$0x3F8E]  }
0x1a: {  	s8 =	sadd.s32 $0xFFFFE003, lr  }
0x1b: {  	s9 =	sadd.s32 $0xFFFFFEF7, lr;
	s5 =	simm.s32 $0xFFFFFFFF;
	p2 =	slt.u32 s8, $0xFFFFF086  }
0x1c: {  	p1 =	slt.u32 s9, $0xF7A;
	s5 =	simm.s32 @!p2 $0x0  }
0x1d: {  	s5 =	simm.s32 @p1 $0x1;
	p0 =	seq.s32 s7, s2  }
0x1e: {  	s7 =	smul.u32 @!p0 $0xF7A, s2;
	p2 =	seq.s32 @!p0 s5, $0x0  }
0x1f: {  	s9 =	smul.u32 $0xF7A, s1;
	s8 =	simm.s32 @!p0 $0x1BF5;
	p2 =	por !p2, p0  }
0x20: {  	[sflag:s8] =	ssyncset.s32 @!p0 $0xFFFFF086;
	s6 =	sadd.s32 @!p0 s3, s7;
	s7 =	simm.s32 @!p0 $0x108  }
0x21: {  	s3 =	sadd.s32 s3, s9;
	s6 =	sadd.s32 @!p0 $0x88, s6;
	s7 =	simm.s32 @p2 $0x1082  }
0x22: {  	[simem:s7], [sflag:s8] =	dma.local @!p0 [hbm:s6], $0xF7A  }
0x23: {  	s9 =	sor.u32 $0xD0000000, s2;
	s6 =	simm.s32 $0x108;
	_ =	swait.ge @!p0 [sflag:s8], $0x0  }
0x24: {  	s3 =	sadd.s32 $0x88, s3;
	s6 =	simm.s32 @!p1 $0x1082;
	[sflag:s4] =	ssyncset.s32 $0xFFFFF086  }
0x25: {  	[simem:s6], [sflag:s4] =	dma.local [hbm:s3], $0xF7A  }
0x26: {  	[smem:$0x3F8E] =	sst s1;
	(tag) =	ssettag s2;
	_ =	strace s9  }
0x27: {  	s1 =	sld [smem:$0x3F9E]  }
0x28: {  	s2 =	sld [smem:$0x3F9F]  }
0x29: {  	s4 =	sld [smem:$0x3FA1]  }
0x2a: {  	p0 =	seq.s32 s5, $0x0;
	s5 =	sld [smem:$0x3FA2]  }
0x2b: {  	s6 =	sld [smem:$0x3FA3]  }
0x2c: {  	s7 =	sld [smem:$0x3FA4]  }
0x2d: {  	s3 =	simm.s32 $0x108;
	s8 =	sld [smem:$0x3FA5]  }
0x2e: {  	s3 =	simm.s32 @!p0 $0x1082;
	s9 =	sld [smem:$0x3FA6]  }
0x2f: {  	lr =	sadd.s32 s0, s3;
	s0 =	sld [smem:$0x3F9D]  }
0x30: {  	s3 =	sld [smem:$0x3FA0]  }
0x31: {  	[smem:$0x3FA9] =	sst s10  }
0x32: {  	s10 =	sld [smem:$0x3FA7];
	_ =	sdelay $0x3  }
0x33: {  	p0 =	seq.s32 s10, $0x1;
	s10 =	sld [smem:$0x3FA9];
	_ =	sdelay $0x3  }
0x34: {  	[smem:$0x3FA9] =	sst s10  }
0x35: {  	s10 =	sld [smem:$0x3FA8];
	_ =	sdelay $0x3  }
0x36: {  	p1 =	seq.s32 s10, $0x1;
	s10 =	sld [smem:$0x3FA9];
	_ =	sdelay $0x3  }
0x37: {  	[smem:$0x3FA9] =	sst s10  }
0x38: {  	s10 =	sld [smem:$0x3FAA]  }
0x39: {  	_ = 	snop;
	(pc) =	sbr.ind lr, $3  }
0x3a: {  	_ = 	snop  }
0x3b: {  	_ = 	snop  }
0x3c: {  	p2 =	seq.s32 s10, $0x1;
	s10 =	sld [smem:$0x3FA9]  }
0x3d: {  	_ =	shalt  }
0x3e: {  	_ =	shalt  }
0x3f: {  	_ =	shalt  }
0x40: {  	_ =	shalt  }
0x41: {  	_ =	shalt  }
0x42: {  	_ =	shalt  }
0x43: {  	_ =	shalt  }
0x44: {  	_ =	shalt  }
0x45: {  	_ =	shalt  }
0x46: {  	_ =	shalt  }
0x47: {  	_ =	shalt  }
0x48: {  	_ =	shalt  }
0x49: {  	_ =	shalt  }
0x4a: {  	_ =	shalt  }
0x4b: {  	_ =	shalt  }
0x4c: {  	_ =	shalt  }
0x4d: {  	_ =	shalt  }
0x4e: {  	_ =	shalt  }
0x4f: {  	_ =	shalt  }
0x50: {  	_ =	shalt  }
0x51: {  	_ =	shalt  }
0x52: {  	_ =	shalt  }
0x53: {  	_ =	shalt  }
0x54: {  	_ =	shalt  }
0x55: {  	_ =	shalt  }
0x56: {  	_ =	shalt  }
0x57: {  	_ =	shalt  }
0x58: {  	_ =	shalt  }
0x59: {  	_ =	shalt  }
0x5a: {  	_ =	shalt  }
0x5b: {  	_ =	shalt  }
0x5c: {  	_ =	shalt  }
0x5d: {  	_ =	shalt  }
0x5e: {  	_ =	shalt  }
0x5f: {  	_ =	shalt  }
0x60: {  	_ =	shalt  }
0x61: {  	_ =	shalt  }
0x62: {  	_ =	shalt  }
0x63: {  	_ =	shalt  }
0x64: {  	_ =	shalt  }
0x65: {  	_ =	shalt  }
0x66: {  	_ =	shalt  }
0x67: {  	_ =	shalt  }
0x68: {  	_ =	shalt  }
0x69: {  	_ =	shalt  }
0x6a: {  	_ =	shalt  }
0x6b: {  	_ =	shalt  }
0x6c: {  	_ =	shalt  }
0x6d: {  	_ =	shalt  }
0x6e: {  	_ =	shalt  }
0x6f: {  	_ =	shalt  }
0x70: {  	_ =	shalt  }
0x71: {  	_ =	shalt  }
0x72: {  	_ =	shalt  }
0x73: {  	_ =	shalt  }
0x74: {  	_ =	shalt  }
0x75: {  	_ =	shalt  }
0x76: {  	_ =	shalt  }
0x77: {  	_ =	shalt  }
0x78: {  	_ =	shalt  }
0x79: {  	_ =	shalt  }
0x7a: {  	_ =	shalt  }
0x7b: {  	_ =	shalt  }
0x7c: {  	_ =	shalt  }
0x7d: {  	_ =	shalt  }
0x7e: {  	_ =	shalt  }
0x7f: {  	_ =	shalt  }
0x80: {  	_ =	shalt  }
0x81: {  	_ =	shalt  }
0x82: {  	_ =	shalt  }
0x83: {  	_ =	shalt  }
0x84: {  	_ =	shalt  }
0x85: {  	_ =	shalt  }
0x86: {  	_ =	shalt  }
0x87: {  	_ =	shalt  }
.Lfunc_end0:
.L_simem_size_0:
called_computation_lowered:
.L_overlay_start_0:
0x88: {  	s2 =	sld [smem:$0x3FD9]  }
0x89: {  	s3 =	sld [smem:$0x3FFE];
	_ =	sdelay $0x1  }
0x8a: {  	s1 =	srdreg.scid  }
0x8b: {  	s0 =	sand.u32 $0x1, s1  }
0x8c: {  	s16 =	sshll.u32 s0, $0xA;
	s2 =	sadd.s32 s3, s2  }
0x8d: {  	s2 =	sadd.s32 s2, s16  }
0x8e: {  	[smem:$0x3FB5] =	sst s2  }
0x8f: {  	_ = 	snop  }
0x90: {  	(tm) =	ssettm $0x1  }
0x91: {  	s17 =	sld [smem:$0x3FFB];
	_ =	sdelay $0x3  }
0x92: {  	_ =	strace s17  }
0x93: {  	s2 =	sld [smem:$0x3FFC];
	_ =	sdelay $0x3  }
0x94: {  	_ =	strace s2  }
0x95: {  	s2 =	sld [smem:$0x3FFD];
	_ =	sdelay $0x3  }
0x96: {  	_ =	strace s2  }
0x97: {  	_ =	strace $0x8FFFFFFF  }
0x98: {  	s18 =	sld [smem:$0x3FDB];
	_ =	sdelay $0x1  }
0x99: {  	s19 =	simm.s32 $_scs_section_size  }
0x9a: {  	s4 =	simm.s32 $_size__tile_overlayer_lowered;
	s5 =	simm.s32 $_tile_overlayer_lowered  }
0x9b: {  	s22 =	simm.s32 $0x1BFF;
	s21 =	sshll.u32 s5, $0x1;
	s2 =	sadd.s32 s19, s18  }
0x9c: {  	s6 =	simm.s32 $0x0;
	s20 =	sshll.u32 s4, $0x1;
	s4 =	sadd.s32 s21, s2  }
0x9d: {  	[timem:s6], [sflag:s22] =	dma.local [hbm:s4], s20  }
0x9e: {  	_ =	swait.ge [sflag:s22], s20  }
0x9f: {  	s3 =	ssub.s32 $0x0, s20;
	[sflag:s22] =	ssyncset.done $0x0  }
0xa0: {  	[sflag:s22] =	ssyncadd.s32 s3;
	_ =	sdelay $0x1  }
0xa1: {  	s23 =	simm.s32 $0x1B8B  }
0xa2: {  	_ =	swait.ge [sflag:s23], $0x1  }
0xa3: {  	[sflag:s23] =	ssyncset.done $0x0  }
0xa4: {  	s25 =	simm.s32 $0x1B8E;
	s24 =	sld [smem:$0x3FFE];
	[sflag:s23] =	ssyncadd.s32 $0xFFFFFFFF  }
0xa5: {  	s26 =	simm.s32 $execute0_lowered;
	[smem:$0x3FD2] =	sst s25  }
0xa6: {  	s4 =	sshll.u32 s26, $0x1;
	_ =	strace $0x80000046;
	[dreg:$0x1] =	wrdreg $0xFFFFFFFF  }
0xa7: {  	s28 =	simm.s32 $_size_execute0_lowered;
	s2 =	sadd.s32 s2, s4;
	[dreg:$0x0] =	wrdreg $0x0  }
0xa8: {  	s4 =	sshll.u32 s28, $0x1;
	[dreg:$0x2] =	wrdreg s2  }
0xa9: {  	[dreg:$0x3] =	wrdreg s4  }
0xaa: {  	[dreg:$0x4] =	wrdreg $0xC0  }
0xab: {  	_ =	task [dreg:s6], $0x5FFFF  }
0xac: {  	[dreg:$0x1] =	wrdreg $0xFFFFFFFF  }
0xad: {  	[dreg:$0x0] =	wrdreg $0x60  }
0xae: {  	[dreg:$0x2] =	wrdreg s24  }
0xaf: {  	[dreg:$0x3] =	wrdreg $0xA6000  }
0xb0: {  	[dreg:$0x4] =	wrdreg $0x9  }
0xb1: {  	_ =	task.clear_ibuf [dreg:s6], $0x5FFFF;
	_ =	strace $0x90000046  }
0xb2: {  	s29 =	simm.s32 $0x9;
	_ =	strace $0x80000048  }
0xb3: {  	_ =	swait.ge [sflag:s29], $0x1  }
0xb4: {  	[sflag:s29] =	ssyncadd.s32 $0xFFFFFFFF  }
0xb5: {  	_ =	strace $0x90000048  }
0xb6: {  	_ =	sfence  }
0xb7: {  	s30 =	sld [smem:$0x0];
	_ =	sdelay $0x2  }
0xb8: {  	s31 =	sshll.u32 s1, $0xD;
	s1 =	sshrl.u32 s1, $0x2  }
0xb9: {  	s3 =	sand.u32 $0x4000, s31;
	s1 =	sadd.s32 s1, s30  }
0xba: {  	s0 =	sor.u32 s3, s0;
	s1 =	sshll.u32 s1, $0x11  }
0xbb: {  	s0 =	sor.u32 s1, s0  }
0xbc: {  	s0 =	sadd.s32 $0x8F2B, s0  }
0xbd: {  	[sflag:s0] =	ssyncadd.remote.s32 $0x1  }
0xbe: {  	_ =	sfence.sel $0xFFFF  }
0xbf: {  	[dreg:$0x0] =	wrdreg $0xFFFFFFFF;
	(pc) =	sbr.abs _section_cstart, $3  }
0xc0: {  	[dreg:$0x1] =	wrdreg $0xFFFFFFFF  }
0xc1: {  	_ =	task.clear_ibuf [dreg:s6], $0x2FFFF;
	_ =	strace $0x9FFFFFFF  }
0xc2: {  	(tm) =	ssettm $0x7FFFFFFF  }
0xc3: {  	_ =	shalt  }
tec
execute0_lowered:
.L_overlay_start_1:
0x0: {  	(tag) =	ssettag $0x1  }
0x1: {  	s0 =	rddreg [dreg:$0x0]  }
0x2: {  	s1 =	rddreg [dreg:$0x1];
	s2 =	simm.s32 $0x0  }
0x3: {  	s3 =	srdreg.scid;
	s5 =	stileid.u32;
	s19 =	simm.s32 $0x6  }
0x4: {  	s20 =	simm.s32 $0x1000;
	s21 =	simm.s32 $0x1;
	s22 =	simm.s32 $0x50  }
0x5: {  	s29 =	simm.s32 $0x5;
	s30 =	simm.s32 $0x4780;
	s31 =	simm.s32 $0x6700  }
0x6: {  	s18 =	simm.s32 $0x3;
	s23 =	simm.s32 $0x4;
	[smem:$0x7FF] =	sst s2  }
0x7: {  	s4 =	sadd.s32 $0x3200, s0;
	s3 =	sand.u32 $0x1, s3;
	s24 =	sadd.s32 $0x16C00, s0  }
0x8: {  	s28 =	smul.u32 $0x7D0, s5;
	_ =	strace $0x80000047;
	[dreg:$0x3] =	wrdreg s4  }
0x9: {  	s6 =	smul.u32 $0xFA00, s5;
	s7 =	sadd.s32 $0x20A00, s0;
	[dreg:$0x4] =	wrdreg s24  }
0xa: {  	s25 =	ssub.s32 $0x2, s3;
	s3 =	smul.u32 $0x5, s3;
	[dreg:$0x7] =	wrdreg s28  }
0xb: {  	s5 =	simm.s32 $0x0;
	s24 =	simm.s32 $0x0;
	[dreg:$0x5] =	wrdreg s6  }
0xc: {  	s26 =	sshrl.u32 s25, $0x1;
	s10 =	sadd.s32 s6, s1;
	[dreg:$0x6] =	wrdreg s3  }
0xd: {  	s0 =	ssub.s32 s25, s26;
	s11 =	sadd.s32 $0x1F40, s10;
	s12 =	sadd.s32 $0x3E80, s10  }
0xe: {  	s13 =	sadd.s32 $0x5DC0, s10;
	s14 =	sadd.s32 $0x7D00, s10;
	s15 =	sadd.s32 $0x9C40, s10  }
0xf: {  	s16 =	sadd.s32 $0xBB80, s10;
	s17 =	sadd.s32 $0xDAC0, s10;
	s0 =	smax.u32 s0, $0x1  }
0x10: {  	v0 =	vimm.f32 $0.0e+00;
	s3 =	simm.s32 $0x8680;
	[dreg:$0x8] =	wrdreg s0;
	s0 =	simm.s32 $0x2  }
.LBB2_1:
0x11: {  	[dreg:$0x9] =	wrdreg s5;
	s4 =	simm.s32 $0x40;
	s5 =	simm.s32 $0x0  }
.LBB2_2:
0x12: {  	p0 =	sne.s32 s4, $0x7CC0;
	[tilespmem:s5+$0x2800] =	vst v0;
	s5 =	smov.u32 s4;
	s4 =	sadd.s32 $0x40, s4  }
.Ltmp0:
0x13: {  	(pc) =	sbr.rel @p0 .LBB2_2-.Ltmp0, $2  }
0x14: {  	_ =	sdelay $0x2  }
0x15: {  	s5 =	sshra.s32 s5, $0x2  }
0x16: {  	[tilespmem:s5+$0x2800] =	vst v0;
	s25 =	simm.s32 $0x0  }
.LBB2_4:
0x17: {  	p0 =	sne.s32 s25, $0x0  }
0x18: {  	s4 =	simm.s32 @!p0 $0x2800  }
0x19: {  	[spmem:s10] =	stream.linear.scatter @!p0 [tilespmem:s4], [sflag:$0x1], $0x1F40, $0x38;
	[tilespmem:$0x1A000] =	vst v63  }
0x1a: {  	_ = 	snop  }
0x1b: {  	[spmem:s11] =	stream.linear.scatter @!p0 [tilespmem:s4], [sflag:$0x1], $0x1F40, $0x38;
	[tilespmem:$0x1A000] =	vst v63  }
0x1c: {  	_ = 	snop  }
0x1d: {  	[spmem:s12] =	stream.linear.scatter @!p0 [tilespmem:s4], [sflag:$0x1], $0x1F40, $0x38;
	[tilespmem:$0x1A000] =	vst v63  }
0x1e: {  	_ = 	snop  }
0x1f: {  	[spmem:s13] =	stream.linear.scatter @!p0 [tilespmem:s4], [sflag:$0x1], $0x1F40, $0x38;
	[tilespmem:$0x1A000] =	vst v63  }
0x20: {  	_ = 	snop  }
0x21: {  	[spmem:s14] =	stream.linear.scatter @!p0 [tilespmem:s4], [sflag:$0x1], $0x1F40, $0x38;
	[tilespmem:$0x1A000] =	vst v63  }
0x22: {  	s5 =	rddreg [dreg:$0x6]  }
0x23: {  	[spmem:s15] =	stream.linear.scatter @!p0 [tilespmem:s4], [sflag:$0x1], $0x1F40, $0x38;
	[tilespmem:$0x1A000] =	vst v63  }
0x24: {  	s26 =	sadd.s32 s5, s25  }
0x25: {  	[spmem:s16] =	stream.linear.scatter @!p0 [tilespmem:s4], [sflag:$0x1], $0x1F40, $0x38;
	[tilespmem:$0x1A000] =	vst v63  }
0x26: {  	s8 =	rddreg [dreg:$0x7];
	s5 =	smul.u32 $0x7D00, s26  }
0x27: {  	[spmem:s17] =	stream.linear.scatter @!p0 [tilespmem:s4], [sflag:$0x1], $0x1F40, $0x38;
	[tilespmem:$0x1A000] =	vst v63  }
0x28: {  	s4 =	sadd.s32 s8, s5  }
0x29: {  	s9 =	rddreg [dreg:$0x3];
	s4 =	sshrl.u32 s4, $0x3  }
0x2a: {  	s5 =	sadd.s32 s9, s4  }
0x2b: {  	[tilespmem:s24], [sflag:$0x6] =	stream.linear.gather [hbm4b:s5+s24], $0x7D0, $0x38;
	[tilespmem:$0x1A000] =	vst v63  }
0x2c: {  	_ =	swait.ge [sflag:s19], $0x7D0  }
0x2d: {  	[sflag:s19] =	ssyncset.done $0x0  }
0x2e: {  	s28 =	simm.s32 $0x800;
	s5 =	sadd.s32 $0x9C40, s5;
	[sflag:s19] =	ssyncadd.s32 $0xFFFFF830  }
0x2f: {  	[tilespmem:s28], [sflag:$0x6] =	stream.linear.gather [hbm4b:s5+s24], $0x7D0, $0x38;
	[tilespmem:$0x1A000] =	vst v63  }
0x30: {  	_ =	swait.ge [sflag:s19], $0x7D0  }
0x31: {  	[sflag:s19] =	ssyncset.done $0x0;
	s6 =	rddreg [dreg:$0x4]  }
0x32: {  	[sflag:s19] =	ssyncadd.s32 $0xFFFFF830;
	s4 =	sadd.s32 s6, s4  }
0x33: {  	[tilespmem:s20], [sflag:$0x6] =	stream.linear.gather [hbm4b:s4+s24], $0x7D0, $0x38;
	[tilespmem:$0x1A000] =	vst v63  }
0x34: {  	_ =	swait.ge [sflag:s19], $0x7D0  }
0x35: {  	[sflag:s19] =	ssyncset.done $0x0  }
0x36: {  	[sflag:s19] =	ssyncadd.s32 $0xFFFFF830  }
0x37: {  	v2 =	vld [tilespmem:s24+$0x0]  }
0x38: {  	s4 =	smul.u32 $0xCD, s24  }
0x39: {  	s8 =	smul.u32 $0x3E8, s26;
	v3 =	vld [tilespmem:s28+$0x0]  }
0x3a: {  	s6 =	sshrl.u32 s4, $0xA  }
0x3b: {  	v1 =	vmov s8;
	s9 =	sand.u32 $0x3F, s6  }
0x3c: {  	s5 =	smul.u32 $0x5, s9;
	v2 =	vsub.s32 v2, v1  }
0x3d: {  	v4 =	vshrl.u32 v2, $0x7  }
0x3e: {  	s5 =	ssub.s32 $0x0, s5;
	v3 =	vsub.s32 v3, v1;
	v4 =	vmul.u32 $0x1F400, v4  }
0x3f: {  	s4 =	sshrl.u32 s4, $0x3;
	s5 =	sand.u32 $0xFF, s5;
	v3 =	vshll.u32 v3, $0x7  }
0x40: {  	s4 =	sand.u32 $0x1F80, s4;
	s5 =	sshll.u32 s5, $0x4;
	v2 =	vand.u32 $0x7F, v2;
	v3 =	vadd.s32 v3, v4  }
0x41: {  	s4 =	sor.u32 s5, s4;
	v2 =	vor.u32 v2, v3  }
0x42: {  	s5 =	simm.s32 $0x10;
	[tilespmem:s4+$0x1800] =	vst v2  }
0x43: {  	s6 =	simm.s32 $0x2;
	s4 =	simm.s32 $0x1;
	v2 =	vld [tilespmem:s5+$0x0]  }
.LBB2_5:
0x44: {  	p0 =	sne.s32 s6, $0x7C;
	s8 =	smul.u32 $0xCD, s4;
	s28 =	sadd.s32 $0x10, s28  }
0x45: {  	v3 =	vld [tilespmem:s28+$0x0]  }
0x46: {  	s9 =	sshrl.u32 s8, $0xA  }
0x47: {  	s9 =	sand.u32 $0x3F, s9  }
0x48: {  	s9 =	smul.u32 $0x5, s9;
	v2 =	vsub.s32 v2, v1  }
0x49: {  	v4 =	vshrl.u32 v2, $0x7  }
0x4a: {  	s9 =	ssub.s32 s4, s9;
	v3 =	vsub.s32 v3, v1;
	v4 =	vmul.u32 $0x1F400, v4;
	s4 =	smov.u32 s6  }
.Ltmp1:
0x4b: {  	s8 =	sshrl.u32 s8, $0x3;
	s9 =	sand.u32 $0xFF, s9;
	v3 =	vshll.u32 v3, $0x7;
	(pc) =	sbr.rel @p0 .LBB2_5-.Ltmp1, $4  }
0x4c: {  	s8 =	sand.u32 $0x1F80, s8;
	v2 =	vand.u32 $0x7F, v2;
	v3 =	vadd.s32 v3, v4;
	s9 =	sshll.u32 s9, $0x4  }
0x4d: {  	v2 =	vor.u32 v2, v3;
	s8 =	sor.u32 s9, s8  }
0x4e: {  	s5 =	sadd.s32 $0x10, s5;
	[tilespmem:s8+$0x1800] =	vst v2  }
0x4f: {  	s6 =	sadd.s32 $0x1, s6;
	v2 =	vld [tilespmem:s5+$0x0]  }
0x50: {  	s5 =	smul.u32 $0xCD, s4;
	s6 =	sadd.s32 $0x10, s28  }
0x51: {  	v3 =	vld [tilespmem:s6+$0x0]  }
0x52: {  	s9 =	sshrl.u32 s5, $0xA  }
0x53: {  	s6 =	sand.u32 $0x3F, s9  }
0x54: {  	s6 =	smul.u32 $0x5, s6;
	v2 =	vsub.s32 v2, v1  }
0x55: {  	v4 =	vshrl.u32 v2, $0x7  }
0x56: {  	s28 =	ssub.s32 s4, s6;
	v1 =	vsub.s32 v3, v1;
	v3 =	vmul.u32 $0x1F400, v4  }
0x57: {  	s5 =	sshrl.u32 s5, $0x3;
	s4 =	sand.u32 $0xFF, s28;
	v1 =	vshll.u32 v1, $0x7  }
0x58: {  	s5 =	sand.u32 $0x1F80, s5;
	v2 =	vand.u32 $0x7F, v2;
	v1 =	vadd.s32 v1, v3;
	s4 =	sshll.u32 s4, $0x4  }
0x59: {  	v1 =	vor.u32 v2, v1;
	s4 =	sor.u32 s4, s5  }
0x5a: {  	[tilespmem:s4+$0x1800] =	vst v1  }
0x5b: {  	_ =	swait.ge [sflag:s21], $0x1F40  }
0x5c: {  	[sflag:s21] =	ssyncset.done $0x0  }
0x5d: {  	[sflag:s21] =	ssyncadd.s32 $0xFFFFE0C0  }
0x5e: {  	_ =	swait.ge [sflag:s21], $0x1F40  }
0x5f: {  	[sflag:s21] =	ssyncset.done $0x0  }
0x60: {  	[sflag:s21] =	ssyncadd.s32 $0xFFFFE0C0  }
0x61: {  	_ =	swait.ge [sflag:s21], $0x1F40  }
0x62: {  	[sflag:s21] =	ssyncset.done $0x0  }
0x63: {  	[sflag:s21] =	ssyncadd.s32 $0xFFFFE0C0  }
0x64: {  	_ =	swait.ge [sflag:s21], $0x1F40  }
0x65: {  	[sflag:s21] =	ssyncset.done $0x0  }
0x66: {  	[sflag:s21] =	ssyncadd.s32 $0xFFFFE0C0  }
0x67: {  	_ =	swait.ge [sflag:s21], $0x1F40  }
0x68: {  	[sflag:s21] =	ssyncset.done $0x0  }
0x69: {  	[sflag:s21] =	ssyncadd.s32 $0xFFFFE0C0  }
0x6a: {  	_ =	swait.ge [sflag:s21], $0x1F40  }
0x6b: {  	[sflag:s21] =	ssyncset.done $0x0  }
0x6c: {  	[sflag:s21] =	ssyncadd.s32 $0xFFFFE0C0  }
0x6d: {  	_ =	swait.ge [sflag:s21], $0x1F40  }
0x6e: {  	[sflag:s21] =	ssyncset.done $0x0  }
0x6f: {  	[sflag:s21] =	ssyncadd.s32 $0xFFFFE0C0  }
0x70: {  	_ =	swait.ge [sflag:s21], $0x1F40  }
0x71: {  	[sflag:s21] =	ssyncset.done $0x0  }
0x72: {  	[sflag:s21] =	ssyncadd.s32 $0xFFFFE0C0  }
0x73: {  	s5 =	simm.s32 $0x1800;
	[bflag:$0x0] =	sbarrier.arrive $0xFFFF  }
0x74: {  	[spmem:s1] =	stream.indirect.scatter.add.f32 [tilespmem:s20], [sflag:$0x5], $0x1, s5, s22, $0xb8;
	[tilespmem:$0x1A000] =	vst v63  }
0x75: {  	s8 =	simm.s32 $0x1050;
	s6 =	simm.s32 $0x1880  }
0x76: {  	[spmem:s1] =	stream.indirect.scatter.add.f32 [tilespmem:s8], [sflag:$0x5], $0x1, s6, s22, $0xb8;
	[tilespmem:$0x1A000] =	vst v63  }
0x77: {  	s9 =	simm.s32 $0x1900;
	s28 =	simm.s32 $0x10A0  }
0x78: {  	[spmem:s1] =	stream.indirect.scatter.add.f32 [tilespmem:s28], [sflag:$0x5], $0x1, s9, s22, $0xb8;
	[tilespmem:$0x1A000] =	vst v63  }
0x79: {  	s6 =	simm.s32 $0x1980;
	s8 =	simm.s32 $0x10F0  }
0x7a: {  	[spmem:s1] =	stream.indirect.scatter.add.f32 [tilespmem:s8], [sflag:$0x5], $0x1, s6, s22, $0xb8;
	[tilespmem:$0x1A000] =	vst v63  }
0x7b: {  	s9 =	simm.s32 $0x1A00;
	s28 =	simm.s32 $0x1140  }
0x7c: {  	[spmem:s1] =	stream.indirect.scatter.add.f32 [tilespmem:s28], [sflag:$0x5], $0x1, s9, s22, $0xb8;
	[tilespmem:$0x1A000] =	vst v63  }
0x7d: {  	s6 =	simm.s32 $0x1A80;
	s8 =	simm.s32 $0x1190  }
0x7e: {  	[spmem:s1] =	stream.indirect.scatter.add.f32 [tilespmem:s8], [sflag:$0x5], $0x1, s6, s22, $0xb8;
	[tilespmem:$0x1A000] =	vst v63  }
0x7f: {  	s9 =	simm.s32 $0x1B00;
	s28 =	simm.s32 $0x11E0  }
0x80: {  	[spmem:s1] =	stream.indirect.scatter.add.f32 [tilespmem:s28], [sflag:$0x5], $0x1, s9, s22, $0xb8;
	[tilespmem:$0x1A000] =	vst v63  }
0x81: {  	s6 =	simm.s32 $0x1B80;
	s8 =	simm.s32 $0x1230  }
0x82: {  	[spmem:s1] =	stream.indirect.scatter.add.f32 [tilespmem:s8], [sflag:$0x5], $0x1, s6, s22, $0xb8;
	[tilespmem:$0x1A000] =	vst v63  }
0x83: {  	s9 =	simm.s32 $0x1C00;
	s28 =	simm.s32 $0x1280  }
0x84: {  	[spmem:s1] =	stream.indirect.scatter.add.f32 [tilespmem:s28], [sflag:$0x5], $0x1, s9, s22, $0xb8;
	[tilespmem:$0x1A000] =	vst v63  }
0x85: {  	s6 =	simm.s32 $0x1C80;
	s8 =	simm.s32 $0x12D0  }
0x86: {  	[spmem:s1] =	stream.indirect.scatter.add.f32 [tilespmem:s8], [sflag:$0x5], $0x1, s6, s22, $0xb8;
	[tilespmem:$0x1A000] =	vst v63  }
0x87: {  	s9 =	simm.s32 $0x1D00;
	s28 =	simm.s32 $0x1320  }
0x88: {  	[spmem:s1] =	stream.indirect.scatter.add.f32 [tilespmem:s28], [sflag:$0x5], $0x1, s9, s22, $0xb8;
	[tilespmem:$0x1A000] =	vst v63  }
0x89: {  	s6 =	simm.s32 $0x1D80;
	s8 =	simm.s32 $0x1370  }
0x8a: {  	[spmem:s1] =	stream.indirect.scatter.add.f32 [tilespmem:s8], [sflag:$0x5], $0x1, s6, s22, $0xb8;
	[tilespmem:$0x1A000] =	vst v63  }
0x8b: {  	s9 =	simm.s32 $0x1E00;
	s28 =	simm.s32 $0x13C0  }
0x8c: {  	[spmem:s1] =	stream.indirect.scatter.add.f32 [tilespmem:s28], [sflag:$0x5], $0x1, s9, s22, $0xb8;
	[tilespmem:$0x1A000] =	vst v63  }
0x8d: {  	s6 =	simm.s32 $0x1E80;
	s8 =	simm.s32 $0x1410  }
0x8e: {  	[spmem:s1] =	stream.indirect.scatter.add.f32 [tilespmem:s8], [sflag:$0x5], $0x1, s6, s22, $0xb8;
	[tilespmem:$0x1A000] =	vst v63  }
0x8f: {  	s9 =	simm.s32 $0x1F00;
	s28 =	simm.s32 $0x1460  }
0x90: {  	[spmem:s1] =	stream.indirect.scatter.add.f32 [tilespmem:s28], [sflag:$0x5], $0x1, s9, s22, $0xb8;
	[tilespmem:$0x1A000] =	vst v63  }
0x91: {  	s6 =	simm.s32 $0x1F80;
	s8 =	simm.s32 $0x14B0  }
0x92: {  	[spmem:s1] =	stream.indirect.scatter.add.f32 [tilespmem:s8], [sflag:$0x5], $0x1, s6, s22, $0xb8;
	[tilespmem:$0x1A000] =	vst v63  }
0x93: {  	s9 =	simm.s32 $0x2000;
	s28 =	simm.s32 $0x1500  }
0x94: {  	[spmem:s1] =	stream.indirect.scatter.add.f32 [tilespmem:s28], [sflag:$0x5], $0x1, s9, s22, $0xb8;
	[tilespmem:$0x1A000] =	vst v63  }
0x95: {  	s6 =	simm.s32 $0x2080;
	s8 =	simm.s32 $0x1550  }
0x96: {  	[spmem:s1] =	stream.indirect.scatter.add.f32 [tilespmem:s8], [sflag:$0x5], $0x1, s6, s22, $0xb8;
	[tilespmem:$0x1A000] =	vst v63  }
0x97: {  	s9 =	simm.s32 $0x2100;
	s28 =	simm.s32 $0x15A0  }
0x98: {  	[spmem:s1] =	stream.indirect.scatter.add.f32 [tilespmem:s28], [sflag:$0x5], $0x1, s9, s22, $0xb8;
	[tilespmem:$0x1A000] =	vst v63  }
0x99: {  	s6 =	simm.s32 $0x2180;
	s8 =	simm.s32 $0x15F0  }
0x9a: {  	[spmem:s1] =	stream.indirect.scatter.add.f32 [tilespmem:s8], [sflag:$0x5], $0x1, s6, s22, $0xb8;
	[tilespmem:$0x1A000] =	vst v63  }
0x9b: {  	s9 =	simm.s32 $0x2200;
	s28 =	simm.s32 $0x1640  }
0x9c: {  	[spmem:s1] =	stream.indirect.scatter.add.f32 [tilespmem:s28], [sflag:$0x5], $0x1, s9, s22, $0xb8;
	[tilespmem:$0x1A000] =	vst v63  }
0x9d: {  	s6 =	simm.s32 $0x2280;
	s8 =	simm.s32 $0x1690  }
0x9e: {  	[spmem:s1] =	stream.indirect.scatter.add.f32 [tilespmem:s8], [sflag:$0x5], $0x1, s6, s22, $0xb8;
	[tilespmem:$0x1A000] =	vst v63  }
0x9f: {  	s9 =	simm.s32 $0x2300;
	s28 =	simm.s32 $0x16E0  }
0xa0: {  	[spmem:s1] =	stream.indirect.scatter.add.f32 [tilespmem:s28], [sflag:$0x5], $0x1, s9, s22, $0xb8;
	[tilespmem:$0x1A000] =	vst v63  }
0xa1: {  	s6 =	simm.s32 $0x2380;
	s8 =	simm.s32 $0x1730  }
0xa2: {  	[spmem:s1] =	stream.indirect.scatter.add.f32 [tilespmem:s8], [sflag:$0x5], $0x1, s6, s22, $0xb8;
	[tilespmem:$0x1A000] =	vst v63  }
0xa3: {  	s9 =	simm.s32 $0x2400;
	s28 =	simm.s32 $0x1780  }
0xa4: {  	[spmem:s1] =	stream.indirect.scatter.add.f32 [tilespmem:s28], [sflag:$0x5], $0x1, s9, s22, $0xb8;
	[tilespmem:$0x1A000] =	vst v63  }
0xa5: {  	_ =	swait.ge [sflag:s29], $0x50  }
0xa6: {  	[sflag:s29] =	ssyncset.done $0x0  }
0xa7: {  	[sflag:s29] =	ssyncadd.s32 $0xFFFFFFB0  }
0xa8: {  	_ =	swait.ge [sflag:s29], $0x50  }
0xa9: {  	[sflag:s29] =	ssyncset.done $0x0  }
0xaa: {  	[sflag:s29] =	ssyncadd.s32 $0xFFFFFFB0  }
0xab: {  	_ =	swait.ge [sflag:s29], $0x50  }
0xac: {  	[sflag:s29] =	ssyncset.done $0x0  }
0xad: {  	[sflag:s29] =	ssyncadd.s32 $0xFFFFFFB0  }
0xae: {  	_ =	swait.ge [sflag:s29], $0x50  }
0xaf: {  	[sflag:s29] =	ssyncset.done $0x0  }
0xb0: {  	[sflag:s29] =	ssyncadd.s32 $0xFFFFFFB0  }
0xb1: {  	_ =	swait.ge [sflag:s29], $0x50  }
0xb2: {  	[sflag:s29] =	ssyncset.done $0x0  }
0xb3: {  	[sflag:s29] =	ssyncadd.s32 $0xFFFFFFB0  }
0xb4: {  	_ =	swait.ge [sflag:s29], $0x50  }
0xb5: {  	[sflag:s29] =	ssyncset.done $0x0  }
0xb6: {  	[sflag:s29] =	ssyncadd.s32 $0xFFFFFFB0  }
0xb7: {  	_ =	swait.ge [sflag:s29], $0x50  }
0xb8: {  	[sflag:s29] =	ssyncset.done $0x0  }
0xb9: {  	[sflag:s29] =	ssyncadd.s32 $0xFFFFFFB0  }
0xba: {  	_ =	swait.ge [sflag:s29], $0x50  }
0xbb: {  	[sflag:s29] =	ssyncset.done $0x0  }
0xbc: {  	[sflag:s29] =	ssyncadd.s32 $0xFFFFFFB0  }
0xbd: {  	_ =	swait.ge [sflag:s29], $0x50  }
0xbe: {  	[sflag:s29] =	ssyncset.done $0x0  }
0xbf: {  	[sflag:s29] =	ssyncadd.s32 $0xFFFFFFB0  }
0xc0: {  	_ =	swait.ge [sflag:s29], $0x50  }
0xc1: {  	[sflag:s29] =	ssyncset.done $0x0  }
0xc2: {  	[sflag:s29] =	ssyncadd.s32 $0xFFFFFFB0  }
0xc3: {  	_ =	swait.ge [sflag:s29], $0x50  }
0xc4: {  	[sflag:s29] =	ssyncset.done $0x0  }
0xc5: {  	[sflag:s29] =	ssyncadd.s32 $0xFFFFFFB0  }
0xc6: {  	_ =	swait.ge [sflag:s29], $0x50  }
0xc7: {  	[sflag:s29] =	ssyncset.done $0x0  }
0xc8: {  	[sflag:s29] =	ssyncadd.s32 $0xFFFFFFB0  }
0xc9: {  	_ =	swait.ge [sflag:s29], $0x50  }
0xca: {  	[sflag:s29] =	ssyncset.done $0x0  }
0xcb: {  	[sflag:s29] =	ssyncadd.s32 $0xFFFFFFB0  }
0xcc: {  	_ =	swait.ge [sflag:s29], $0x50  }
0xcd: {  	[sflag:s29] =	ssyncset.done $0x0  }
0xce: {  	[sflag:s29] =	ssyncadd.s32 $0xFFFFFFB0  }
0xcf: {  	_ =	swait.ge [sflag:s29], $0x50  }
0xd0: {  	[sflag:s29] =	ssyncset.done $0x0  }
0xd1: {  	[sflag:s29] =	ssyncadd.s32 $0xFFFFFFB0  }
0xd2: {  	_ =	swait.ge [sflag:s29], $0x50  }
0xd3: {  	[sflag:s29] =	ssyncset.done $0x0  }
0xd4: {  	[sflag:s29] =	ssyncadd.s32 $0xFFFFFFB0  }
0xd5: {  	_ =	swait.ge [sflag:s29], $0x50  }
0xd6: {  	[sflag:s29] =	ssyncset.done $0x0  }
0xd7: {  	[sflag:s29] =	ssyncadd.s32 $0xFFFFFFB0  }
0xd8: {  	_ =	swait.ge [sflag:s29], $0x50  }
0xd9: {  	[sflag:s29] =	ssyncset.done $0x0  }
0xda: {  	[sflag:s29] =	ssyncadd.s32 $0xFFFFFFB0  }
0xdb: {  	_ =	swait.ge [sflag:s29], $0x50  }
0xdc: {  	[sflag:s29] =	ssyncset.done $0x0  }
0xdd: {  	[sflag:s29] =	ssyncadd.s32 $0xFFFFFFB0  }
0xde: {  	_ =	swait.ge [sflag:s29], $0x50  }
0xdf: {  	[sflag:s29] =	ssyncset.done $0x0  }
0xe0: {  	[sflag:s29] =	ssyncadd.s32 $0xFFFFFFB0  }
0xe1: {  	_ =	swait.ge [sflag:s29], $0x50  }
0xe2: {  	[sflag:s29] =	ssyncset.done $0x0  }
0xe3: {  	[sflag:s29] =	ssyncadd.s32 $0xFFFFFFB0  }
0xe4: {  	_ =	swait.ge [sflag:s29], $0x50  }
0xe5: {  	[sflag:s29] =	ssyncset.done $0x0  }
0xe6: {  	[sflag:s29] =	ssyncadd.s32 $0xFFFFFFB0  }
0xe7: {  	_ =	swait.ge [sflag:s29], $0x50  }
0xe8: {  	[sflag:s29] =	ssyncset.done $0x0  }
0xe9: {  	[sflag:s29] =	ssyncadd.s32 $0xFFFFFFB0  }
0xea: {  	_ =	swait.ge [sflag:s29], $0x50  }
0xeb: {  	[sflag:s29] =	ssyncset.done $0x0  }
0xec: {  	[sflag:s29] =	ssyncadd.s32 $0xFFFFFFB0  }
0xed: {  	_ =	swait.ge [sflag:s29], $0x50  }
0xee: {  	[sflag:s29] =	ssyncset.done $0x0  }
0xef: {  	[sflag:s29] =	ssyncadd.s32 $0xFFFFFFB0  }
0xf0: {  	[bflag:$0x0] =	sbarrier.arrive $0xFFFF  }
0xf1: {  	[tilespmem:s30], [sflag:$0x2] =	stream.linear.gather [spmem:s10], $0x1F40, $0x38;
	[tilespmem:$0x1A000] =	vst v63  }
0xf2: {  	_ = 	snop  }
0xf3: {  	[tilespmem:s31], [sflag:$0x3] =	stream.linear.gather [spmem:s11], $0x1F40, $0x38;
	[tilespmem:$0x1A000] =	vst v63  }
0xf4: {  	s5 =	smul.u32 $0xFA000, s26;
	_ =	swait.ge [sflag:s0], $0x1F40  }
0xf5: {  	s6 =	rddreg [dreg:$0x5]  }
0xf6: {  	s26 =	sadd.s32 s6, s5  }
0xf7: {  	[sflag:s0] =	ssyncset.done $0x0;
	s4 =	sshrl.u32 s26, $0x3  }
0xf8: {  	p0 =	seq.s32 s25, $0x4;
	[sflag:s0] =	ssyncadd.s32 $0xFFFFE0C0;
	s4 =	sadd.s32 s7, s4  }
0xf9: {  	[hbm4b:s4+s2] =	stream.linear.scatter [tilespmem:s30], [sflag:$0x2], $0x1F40, $0x38;
	[tilespmem:$0x1A000] =	vst v63  }
0xfa: {  	s28 =	simm.s32 @!p0 $0x2800  }
0xfb: {  	[spmem:s10] =	stream.linear.scatter @!p0 [tilespmem:s28], [sflag:$0x1], $0x1F40, $0x38;
	[tilespmem:$0x1A000] =	vst v63  }
0xfc: {  	_ = 	snop  }
0xfd: {  	[tilespmem:s3], [sflag:$0x4] =	stream.linear.gather [spmem:s12], $0x1F40, $0x38;
	[tilespmem:$0x1A000] =	vst v63  }
0xfe: {  	_ =	swait.ge [sflag:s18], $0x1F40  }
0xff: {  	[sflag:s18] =	ssyncset.done $0x0  }
0x100: {  	s8 =	sadd.s32 $0x3E8, s4;
	[sflag:s18] =	ssyncadd.s32 $0xFFFFE0C0  }
0x101: {  	[hbm4b:s8+s2] =	stream.linear.scatter [tilespmem:s31], [sflag:$0x3], $0x1F40, $0x38;
	[tilespmem:$0x1A000] =	vst v63  }
0x102: {  	_ = 	snop  }
0x103: {  	[spmem:s11] =	stream.linear.scatter @!p0 [tilespmem:s28], [sflag:$0x1], $0x1F40, $0x38;
	[tilespmem:$0x1A000] =	vst v63  }
0x104: {  	_ =	swait.ge [sflag:s0], $0x1F40  }
0x105: {  	[sflag:s0] =	ssyncset.done $0x0  }
0x106: {  	[sflag:s0] =	ssyncadd.s32 $0xFFFFE0C0  }
0x107: {  	[tilespmem:s30], [sflag:$0x2] =	stream.linear.gather [spmem:s13], $0x1F40, $0x38;
	[tilespmem:$0x1A000] =	vst v63  }
0x108: {  	_ =	swait.ge [sflag:s23], $0x1F40  }
0x109: {  	[sflag:s23] =	ssyncset.done $0x0  }
0x10a: {  	s9 =	sadd.s32 $0x7D0, s4;
	[sflag:s23] =	ssyncadd.s32 $0xFFFFE0C0  }
0x10b: {  	[hbm4b:s9+s2] =	stream.linear.scatter [tilespmem:s3], [sflag:$0x4], $0x1F40, $0x38;
	[tilespmem:$0x1A000] =	vst v63  }
0x10c: {  	_ = 	snop  }
0x10d: {  	[spmem:s12] =	stream.linear.scatter @!p0 [tilespmem:s28], [sflag:$0x1], $0x1F40, $0x38;
	[tilespmem:$0x1A000] =	vst v63  }
0x10e: {  	_ =	swait.ge [sflag:s18], $0x1F40  }
0x10f: {  	[sflag:s18] =	ssyncset.done $0x0  }
0x110: {  	[sflag:s18] =	ssyncadd.s32 $0xFFFFE0C0  }
0x111: {  	[tilespmem:s31], [sflag:$0x3] =	stream.linear.gather [spmem:s14], $0x1F40, $0x38;
	[tilespmem:$0x1A000] =	vst v63  }
0x112: {  	_ =	swait.ge [sflag:s0], $0x1F40  }
0x113: {  	[sflag:s0] =	ssyncset.done $0x0  }
0x114: {  	s6 =	sadd.s32 $0xBB8, s4;
	[sflag:s0] =	ssyncadd.s32 $0xFFFFE0C0  }
0x115: {  	[hbm4b:s6+s2] =	stream.linear.scatter [tilespmem:s30], [sflag:$0x2], $0x1F40, $0x38;
	[tilespmem:$0x1A000] =	vst v63  }
0x116: {  	_ = 	snop  }
0x117: {  	[spmem:s13] =	stream.linear.scatter @!p0 [tilespmem:s28], [sflag:$0x1], $0x1F40, $0x38;
	[tilespmem:$0x1A000] =	vst v63  }
0x118: {  	_ =	swait.ge [sflag:s23], $0x1F40  }
0x119: {  	[sflag:s23] =	ssyncset.done $0x0  }
0x11a: {  	[sflag:s23] =	ssyncadd.s32 $0xFFFFE0C0  }
0x11b: {  	[tilespmem:s3], [sflag:$0x4] =	stream.linear.gather [spmem:s15], $0x1F40, $0x38;
	[tilespmem:$0x1A000] =	vst v63  }
0x11c: {  	_ =	swait.ge [sflag:s18], $0x1F40  }
0x11d: {  	[sflag:s18] =	ssyncset.done $0x0  }
0x11e: {  	s8 =	sadd.s32 $0xFA0, s4;
	[sflag:s18] =	ssyncadd.s32 $0xFFFFE0C0  }
0x11f: {  	[hbm4b:s8+s2] =	stream.linear.scatter [tilespmem:s31], [sflag:$0x3], $0x1F40, $0x38;
	[tilespmem:$0x1A000] =	vst v63  }
0x120: {  	_ = 	snop  }
0x121: {  	[spmem:s14] =	stream.linear.scatter @!p0 [tilespmem:s28], [sflag:$0x1], $0x1F40, $0x38;
	[tilespmem:$0x1A000] =	vst v63  }
0x122: {  	_ =	swait.ge [sflag:s0], $0x1F40  }
0x123: {  	[sflag:s0] =	ssyncset.done $0x0  }
0x124: {  	[sflag:s0] =	ssyncadd.s32 $0xFFFFE0C0  }
0x125: {  	[tilespmem:s30], [sflag:$0x2] =	stream.linear.gather [spmem:s16], $0x1F40, $0x38;
	[tilespmem:$0x1A000] =	vst v63  }
0x126: {  	_ =	swait.ge [sflag:s23], $0x1F40  }
0x127: {  	[sflag:s23] =	ssyncset.done $0x0  }
0x128: {  	s9 =	sadd.s32 $0x1388, s4;
	[sflag:s23] =	ssyncadd.s32 $0xFFFFE0C0  }
0x129: {  	[hbm4b:s9+s2] =	stream.linear.scatter [tilespmem:s3], [sflag:$0x4], $0x1F40, $0x38;
	[tilespmem:$0x1A000] =	vst v63  }
0x12a: {  	_ = 	snop  }
0x12b: {  	[spmem:s15] =	stream.linear.scatter @!p0 [tilespmem:s28], [sflag:$0x1], $0x1F40, $0x38;
	[tilespmem:$0x1A000] =	vst v63  }
0x12c: {  	_ =	swait.ge [sflag:s18], $0x1F40  }
0x12d: {  	[sflag:s18] =	ssyncset.done $0x0  }
0x12e: {  	[sflag:s18] =	ssyncadd.s32 $0xFFFFE0C0  }
0x12f: {  	[tilespmem:s31], [sflag:$0x3] =	stream.linear.gather [spmem:s17], $0x1F40, $0x38;
	[tilespmem:$0x1A000] =	vst v63  }
0x130: {  	_ =	swait.ge [sflag:s0], $0x1F40  }
0x131: {  	[sflag:s0] =	ssyncset.done $0x0  }
0x132: {  	s4 =	sadd.s32 $0x1770, s4;
	[sflag:s0] =	ssyncadd.s32 $0xFFFFE0C0  }
0x133: {  	[hbm4b:s4+s2] =	stream.linear.scatter [tilespmem:s30], [sflag:$0x2], $0x1F40, $0x38;
	[tilespmem:$0x1A000] =	vst v63  }
0x134: {  	s4 =	simm.s32 @p0 $0x3  }
0x135: {  	_ =	swait.ge @p0 [sflag:s4], $0x1F40  }
0x136: {  	s5 =	sshrl.u32 @p0 s26, $0x3;
	[sflag:s4] =	ssyncset.done @p0 $0x0  }
0x137: {  	[sflag:s4] =	ssyncadd.s32 @p0 $0xFFFFE0C0;
	s4 =	sadd.s32 @p0 s7, s5  }
0x138: {  	s6 =	simm.s32 @p0 $0x6700;
	s5 =	simm.s32 @p0 $0x0;
	s4 =	sadd.s32 @p0 $0x1B58, s4  }
0x139: {  	[hbm4b:s4+s5] =	stream.linear.scatter @p0 [tilespmem:s6], [sflag:$0x3], $0x1F40, $0x38;
	[tilespmem:$0x1A000] =	vst v63  }
0x13a: {  	s4 =	simm.s32 @!p0 $0x3  }
0x13b: {  	[spmem:s16] =	stream.linear.scatter @!p0 [tilespmem:s28], [sflag:$0x1], $0x1F40, $0x38;
	[tilespmem:$0x1A000] =	vst v63  }
0x13c: {  	_ =	swait.ge @!p0 [sflag:s4], $0x1F40  }
0x13d: {  	s5 =	sshrl.u32 @!p0 s26, $0x3;
	[sflag:s4] =	ssyncset.done @!p0 $0x0  }
0x13e: {  	[sflag:s4] =	ssyncadd.s32 @!p0 $0xFFFFE0C0;
	s4 =	sadd.s32 @!p0 s7, s5  }
0x13f: {  	s6 =	simm.s32 @!p0 $0x6700;
	s5 =	simm.s32 @!p0 $0x0;
	s4 =	sadd.s32 @!p0 $0x1B58, s4  }
0x140: {  	[hbm4b:s4+s5] =	stream.linear.scatter @!p0 [tilespmem:s6], [sflag:$0x3], $0x1F40, $0x38;
	[tilespmem:$0x1A000] =	vst v63  }
0x141: {  	_ = 	snop  }
0x142: {  	[spmem:s17] =	stream.linear.scatter @!p0 [tilespmem:s28], [sflag:$0x1], $0x1F40, $0x38;
	[tilespmem:$0x1A000] =	vst v63  }
0x143: {  	_ =	swait.ge [sflag:s0], $0x1F40  }
0x144: {  	[sflag:s0] =	ssyncset.done $0x0  }
0x145: {  	[sflag:s0] =	ssyncadd.s32 $0xFFFFE0C0  }
0x146: {  	_ =	swait.ge [sflag:s18], $0x1F40  }
0x147: {  	s25 =	sadd.s32 $0x1, s25;
	[sflag:s18] =	ssyncset.done $0x0  }
0x148: {  	p0 =	sne.s32 s25, $0x5;
	[sflag:s18] =	ssyncadd.s32 $0xFFFFE0C0  }
.Ltmp2:
0x149: {  	_ =	swait.ge [sflag:s23], $0x1F40;
	(pc) =	sbr.rel @p0 .LBB2_4-.Ltmp2, $3  }
0x14a: {  	[sflag:s23] =	ssyncset.done $0x0  }
0x14b: {  	[sflag:s23] =	ssyncadd.s32 $0xFFFFE0C0  }
0x14c: {  	[bflag:$0x0] =	sbarrier.arrive $0xFFFF;
	_ =	sdelay $0x1  }
0x14d: {  	s5 =	rddreg [dreg:$0x9]  }
0x14e: {  	s4 =	rddreg [dreg:$0x8];
	s5 =	sadd.s32 $0x1, s5  }
0x14f: {  	p0 =	sne.s32 s5, s4  }
.Ltmp3:
0x150: {  	_ = 	snop;
	(pc) =	sbr.rel @p0 .LBB2_1-.Ltmp3, $1  }
0x151: {  	_ =	sdelay $0x3  }
0x152: {  	_ =	sfence.sel $0x180000  }
0x153: {  	[bflag:$0x0] =	sbarrier.arrive $0xFFFF  }
0x154: {  	_ =	strace $0x90000047  }
0x155: {  	s0 =	stileid.u32;
	[bflag:$0x2] =	sbarrier.arrive $0xFFFF  }
0x156: {  	p0 =	sne.s32 s0, $0x0;
	s0 =	rddreg [dreg:$0x2]  }
0x157: {  	s0 =	sadd.s32 @!p0 $0x100000, s0  }
0x158: {  	[sflag:s0] =	ssyncadd.tile.s32 @!p0 $0x1;
	_ =	shalt  }
.Lfunc_end2:
_tile_overlayer_lowered:
.L_overlay_start_2:
0x159: {  	(tag) =	ssettag $0x2  }
0x15a: {  	s0 =	rddreg [dreg:$0x0];
	s2 =	stileid.u32  }
0x15b: {  	s1 =	rddreg [dreg:$0x1];
	p0 =	sne.s32 s2, $0x0  }
0x15c: {  	s3 =	rddreg [dreg:$0x2];
	[bflag:$0x3] =	sbarrier.arrive $0xFFFF;
	s2 =	simm.s32 @!p0 $0x1C06  }
0x15d: {  	[timem:s3], [sflag:s2] =	dma.local @!p0 [hbm:s0], s1  }
0x15e: {  	s0 =	simm.s32 @!p0 $0x6  }
0x15f: {  	_ =	swait.ge @!p0 [sflag:s0], s1  }
0x160: {  	s1 =	ssub.s32 @!p0 $0x0, s1;
	[sflag:s0] =	ssyncset.done @!p0 $0x0  }
0x161: {  	[sflag:s0] =	ssyncadd.s32 @!p0 s1  }
0x162: {  	[bflag:$0x3] =	sbarrier.arrive $0xFFFF  }
0x163: {  	_ =	shalt  }

</sc_bundles>
